<compile_context>
chip_gen: v7x
topology: tpu7x:2x2x1
jax: 0.10.2.dev20260603
libtpu: 0.0.44.dev20260713+nightly
codegen_flags: <defaults>
</compile_context>

<pallas_src>
import functools

import jax
import jax.numpy as jnp
from jax import lax
from jax.experimental import pallas as pl
from jax.experimental.pallas import tpu as pltpu
from jax.experimental.pallas import tpu_sc as plsc

CHUNK = 128


def _sc_grid():
    info = plsc.get_sparse_core_info()
    return info.num_cores, info.num_subcores


def _edge_agg_kernel(nc, ns, n_pad, cpw, feat):
    rpt = n_pad // ns
    mesh = plsc.VectorSubcoreMesh(core_axis_name="c", subcore_axis_name="s",
                                  num_cores=nc)

    @functools.partial(
        pl.kernel,
        mesh=mesh,
        compiler_params=pltpu.CompilerParams(use_tc_tiling_on_sc=False,
                                             has_side_effects=True),
        out_type=jax.ShapeDtypeStruct((nc, n_pad, feat), jnp.float32),
        scratch_types=[
            pltpu.VMEM((cpw, CHUNK), jnp.int32),
            pltpu.VMEM((cpw, CHUNK), jnp.int32),
            pltpu.VMEM((2, CHUNK, feat), jnp.float32),
            pltpu.VMEM((CHUNK, feat), jnp.float32),
            pltpu.VMEM_SHARED((n_pad, feat), jnp.float32),
            pltpu.SemaphoreType.DMA,
            pltpu.SemaphoreType.DMA,
        ],
    )
    def agg(g_hbm, src_hbm, dst_hbm, zeros_hbm, out_hbm,
            srcbuf, dstbuf, rows, zbuf, acc, gs0, gs1):
        c = lax.axis_index("c")
        s = lax.axis_index("s")
        wid = s * nc + c
        pltpu.sync_copy(src_hbm.at[pl.ds(wid * cpw, cpw)], srcbuf)
        pltpu.sync_copy(dst_hbm.at[pl.ds(wid * cpw, cpw)], dstbuf)
        pltpu.sync_copy(zeros_hbm, zbuf)
        nfull, rem = rpt // CHUNK, rpt % CHUNK
        base = s * rpt

        @pl.loop(0, nfull)
        def _(i):
            pltpu.sync_copy(zbuf, acc.at[pl.ds(base + i * CHUNK, CHUNK)])

        if rem:
            pltpu.sync_copy(zbuf.at[pl.ds(0, rem)],
                            acc.at[pl.ds(base + nfull * CHUNK, rem)])
        plsc.subcore_barrier()

        sems = (gs0, gs1)
        pl.delay(20000)
        plsc.subcore_barrier()
        pltpu.async_copy(g_hbm.at[srcbuf.at[0]], rows.at[0], gs0)

        @pl.loop(0, cpw // 2)
        def _(it):
            for b in (0, 1):
                j = it * 2 + b
                jn = lax.rem(j + 1, cpw)
                pltpu.async_copy(g_hbm.at[srcbuf.at[jn]], rows.at[1 - b],
                                 sems[1 - b])
                pltpu.make_async_copy(g_hbm.at[srcbuf.at[j]], rows.at[b],
                                      sems[b]).wait()
                pltpu.sync_copy(rows.at[b], acc.at[dstbuf.at[j]], add=True)

        pltpu.make_async_copy(g_hbm.at[srcbuf.at[0]], rows.at[0], gs0).wait()
        plsc.subcore_barrier()

        @pl.loop(0, nfull)
        def _(i):
            pltpu.sync_copy(acc.at[pl.ds(base + i * CHUNK, CHUNK)], rows.at[0])
            pltpu.sync_copy(rows.at[0],
                            out_hbm.at[c, pl.ds(base + i * CHUNK, CHUNK)])

        if rem:
            pltpu.sync_copy(acc.at[pl.ds(base + nfull * CHUNK, rem)],
                            rows.at[0, pl.ds(0, rem)])
            pltpu.sync_copy(rows.at[0, pl.ds(0, rem)],
                            out_hbm.at[c, pl.ds(base + nfull * CHUNK, rem)])

        plsc.subcore_barrier()

        @pl.loop(0, nfull)
        def _(i):
            pltpu.sync_copy(acc.at[pl.ds(base + i * CHUNK, CHUNK)], rows.at[0])
            pltpu.sync_copy(rows.at[0],
                            out_hbm.at[c, pl.ds(base + i * CHUNK, CHUNK)])

        if rem:
            pltpu.sync_copy(acc.at[pl.ds(base + nfull * CHUNK, rem)],
                            rows.at[0, pl.ds(0, rem)])
            pltpu.sync_copy(rows.at[0, pl.ds(0, rem)],
                            out_hbm.at[c, pl.ds(base + nfull * CHUNK, rem)])
        plsc.subcore_barrier()

    return agg


def _deg_kernel(nc, ns, n_pad, cpw):
    rpt = n_pad // ns
    mesh = plsc.VectorSubcoreMesh(core_axis_name="c", subcore_axis_name="s",
                                  num_cores=nc)

    @functools.partial(
        pl.kernel,
        mesh=mesh,
        compiler_params=pltpu.CompilerParams(use_tc_tiling_on_sc=False,
                                             has_side_effects=True),
        out_type=jax.ShapeDtypeStruct((nc, n_pad, 1), jnp.float32),
        scratch_types=[
            pltpu.VMEM((cpw, CHUNK), jnp.int32),
            pltpu.VMEM((CHUNK, 1), jnp.float32),
            pltpu.VMEM((CHUNK, 1), jnp.float32),
            pltpu.VMEM_SHARED((n_pad, 1), jnp.float32),
        ],
    )
    def deg(dst_hbm, ones_hbm, zeros_hbm, out_hbm, dstbuf, onesbuf, zbuf, acc):
        c = lax.axis_index("c")
        s = lax.axis_index("s")
        wid = s * nc + c
        pltpu.sync_copy(dst_hbm.at[pl.ds(wid * cpw, cpw)], dstbuf)
        pltpu.sync_copy(ones_hbm, onesbuf)
        pltpu.sync_copy(zeros_hbm, zbuf)
        nfull, rem = rpt // CHUNK, rpt % CHUNK
        base = s * rpt

        @pl.loop(0, nfull)
        def _(i):
            pltpu.sync_copy(zbuf, acc.at[pl.ds(base + i * CHUNK, CHUNK)])

        if rem:
            pltpu.sync_copy(zbuf.at[pl.ds(0, rem)],
                            acc.at[pl.ds(base + nfull * CHUNK, rem)])
        plsc.subcore_barrier()

        @pl.loop(0, cpw)
        def _(j):
            pltpu.sync_copy(onesbuf, acc.at[dstbuf.at[j]], add=True)

        plsc.subcore_barrier()

        @pl.loop(0, nfull)
        def _(i):
            pltpu.sync_copy(acc.at[pl.ds(base + i * CHUNK, CHUNK)], zbuf)
            pltpu.sync_copy(zbuf,
                            out_hbm.at[c, pl.ds(base + i * CHUNK, CHUNK)])

        if rem:
            pltpu.sync_copy(acc.at[pl.ds(base + nfull * CHUNK, rem)],
                            zbuf.at[pl.ds(0, rem)])
            pltpu.sync_copy(zbuf.at[pl.ds(0, rem)],
                            out_hbm.at[c, pl.ds(base + nfull * CHUNK, rem)])

        plsc.subcore_barrier()

        @pl.loop(0, nfull)
        def _(i):
            pltpu.sync_copy(acc.at[pl.ds(base + i * CHUNK, CHUNK)], zbuf)
            pltpu.sync_copy(zbuf,
                            out_hbm.at[c, pl.ds(base + i * CHUNK, CHUNK)])

        if rem:
            pltpu.sync_copy(acc.at[pl.ds(base + nfull * CHUNK, rem)],
                            zbuf.at[pl.ds(0, rem)])
            pltpu.sync_copy(zbuf.at[pl.ds(0, rem)],
                            out_hbm.at[c, pl.ds(base + nfull * CHUNK, rem)])
        plsc.subcore_barrier()

    return deg


def _mm1_body(x_ref, w_ref, degp_ref, g_ref, dinv_ref):
    p = degp_ref[...]
    deg = 1.0 + sum(p[i] for i in range(p.shape[0]))
    dinv = lax.rsqrt(deg)
    h = jnp.dot(x_ref[...], w_ref[...], preferred_element_type=jnp.float32)
    g_ref[...] = h * dinv
    dinv_ref[...] = dinv


def _mm2_body(p_ref, g1_ref, dinv_ref, b1_ref, w2_ref, g2_ref):
    p = p_ref[...]
    dinv = dinv_ref[...]
    psum = sum(p[i] for i in range(p.shape[0]))
    out1 = dinv * (psum + g1_ref[...]) + b1_ref[...]
    z = jnp.maximum(out1, 0.0)
    h2 = jnp.dot(z, w2_ref[...], preferred_element_type=jnp.float32)
    g2_ref[...] = h2 * dinv


def _final_body(q_ref, g2_ref, dinv_ref, b2_ref, out_ref):
    q = q_ref[...]
    qsum = sum(q[i] for i in range(q.shape[0]))
    y = dinv_ref[...] * (qsum + g2_ref[...]) + b2_ref[...]
    m = jnp.max(y, axis=1, keepdims=True)
    e = jnp.exp(y - m)
    lse = m + jnp.log(jnp.sum(e, axis=1, keepdims=True))
    out_ref[...] = y - lse


def kernel(x, edge_index, W1, b1, W2, b2):
    n, d = x.shape
    h = W1.shape[1]
    cdim = W2.shape[1]
    e = edge_index.shape[1]
    nc, ns = _sc_grid()
    nw = nc * ns

    n_pad = ((n + 1 + 8 * ns - 1) // (8 * ns)) * (8 * ns)
    trash = n

    cpw = (e + nw * CHUNK - 1) // (nw * CHUNK)
    cpw = cpw + (cpw % 2)
    tch_pad = nw * cpw
    e_pad = tch_pad * CHUNK

    src = edge_index[0].astype(jnp.int32)
    dst = edge_index[1].astype(jnp.int32)
    pad = e_pad - e
    src_p = jnp.concatenate([src, jnp.zeros((pad,), jnp.int32)])
    dst_p = jnp.concatenate([dst, jnp.full((pad,), trash, jnp.int32)])
    src_p = src_p.reshape(tch_pad, CHUNK)
    dst_p = dst_p.reshape(tch_pad, CHUNK)

    x_p = jnp.pad(x, ((0, n_pad - n), (0, 0)))
    ones_blk = jnp.ones((CHUNK, 1), jnp.float32)
    zeros_1 = jnp.zeros((CHUNK, 1), jnp.float32)
    zeros_h = jnp.zeros((CHUNK, h), jnp.float32)
    zeros_c = jnp.zeros((CHUNK, cdim), jnp.float32)
    b1r = b1.reshape(1, h)
    b2r = b2.reshape(1, cdim)

    degp = _deg_kernel(nc, ns, n_pad, cpw)(dst_p, ones_blk, zeros_1)

    blk = n_pad // 8
    grid = (n_pad // blk,)
    g1, dinv = pl.pallas_call(
        _mm1_body,
        grid=grid,
        in_specs=[
            pl.BlockSpec((blk, d), lambda i: (i, 0)),
            pl.BlockSpec((d, h), lambda i: (0, 0)),
            pl.BlockSpec((nc, blk, 1), lambda i: (0, i, 0)),
        ],
        out_specs=[
            pl.BlockSpec((blk, h), lambda i: (i, 0)),
            pl.BlockSpec((blk, 1), lambda i: (i, 0)),
        ],
        out_shape=[
            jax.ShapeDtypeStruct((n_pad, h), jnp.float32),
            jax.ShapeDtypeStruct((n_pad, 1), jnp.float32),
        ],
    )(x_p, W1, degp)

    p1 = _edge_agg_kernel(nc, ns, n_pad, cpw, h)(g1, src_p, dst_p, zeros_h)

    g2 = pl.pallas_call(
        _mm2_body,
        grid=grid,
        in_specs=[
            pl.BlockSpec((nc, blk, h), lambda i: (0, i, 0)),
            pl.BlockSpec((blk, h), lambda i: (i, 0)),
            pl.BlockSpec((blk, 1), lambda i: (i, 0)),
            pl.BlockSpec((1, h), lambda i: (0, 0)),
            pl.BlockSpec((h, cdim), lambda i: (0, 0)),
        ],
        out_specs=pl.BlockSpec((blk, cdim), lambda i: (i, 0)),
        out_shape=jax.ShapeDtypeStruct((n_pad, cdim), jnp.float32),
    )(p1, g1, dinv, b1r, W2)

    q = _edge_agg_kernel(nc, ns, n_pad, cpw, cdim)(g2, src_p, dst_p, zeros_c)

    out = pl.pallas_call(
        _final_body,
        grid=grid,
        in_specs=[
            pl.BlockSpec((nc, blk, cdim), lambda i: (0, i, 0)),
            pl.BlockSpec((blk, cdim), lambda i: (i, 0)),
            pl.BlockSpec((blk, 1), lambda i: (i, 0)),
            pl.BlockSpec((1, cdim), lambda i: (0, 0)),
        ],
        out_specs=pl.BlockSpec((blk, cdim), lambda i: (i, 0)),
        out_shape=jax.ShapeDtypeStruct((n_pad, cdim), jnp.float32),
    )(q, g2, dinv, b2r)

    return out[:n]

# --- scband reference (transcript-rebuilt; emitter-appended) ---
"""Pipeline reference for scband-gcn-60163901882505 (READ-ONLY COPY).

The authoritative reference and input builder live on the scoring server;
editing this copy changes nothing except your own understanding.
"""

import jax, jax.numpy as jnp
import numpy as np

N = 10000
E = 320000
D = 128
H = 16
C = 40


def gcn_conv(x, edge_index, W, b):
    # Standard GCNConv: add self-loops, symmetric D^-1/2 A D^-1/2 normalization,
    # linear transform, scatter-add aggregation, plus bias.
    n = x.shape[0]
    h = x @ W
    src = edge_index[0]
    dst = edge_index[1]
    loop = jnp.arange(n, dtype=src.dtype)
    src = jnp.concatenate([src, loop])
    dst = jnp.concatenate([dst, loop])
    ones = jnp.ones(src.shape[0], dtype=h.dtype)
    deg = jax.ops.segment_sum(ones, dst, num_segments=n)
    dinv = jnp.where(deg > 0, deg ** -0.5, 0.0)
    norm = dinv[src] * dinv[dst]
    msg = jnp.take(h, src, axis=0) * norm[:, None]
    out = jax.ops.segment_sum(msg, dst, num_segments=n)
    return out + b


def setup_inputs(seed: int = 0) -> dict:
    key = jax.random.key(seed)
    k1, k2, k3, k4, k5, k6 = jax.random.split(key, 6)
    x = jax.random.normal(k1, (N, D), dtype=jnp.float32)
    edge_index = jax.random.randint(k2, (2, E), 0, N)
    # Learned parameters (GCNConv weights, Glorot-style init) sized per init_kwargs
    W1 = jax.random.normal(k3, (D, H), dtype=jnp.float32) * (2.0 / (D + H)) ** 0.5
    b1 = jnp.zeros((H,), dtype=jnp.float32)
    W2 = jax.random.normal(k4, (H, C), dtype=jnp.float32) * (2.0 / (H + C)) ** 0.5
    b2 = jnp.zeros((C,), dtype=jnp.float32)
    return {"x": x, "edge_index": edge_index, "W1": W1, "b1": b1, "W2": W2, "b2": b2}


def reference(x, edge_index, W1, b1, W2, b2):
    h = gcn_conv(x, edge_index, W1, b1)
    h = jax.nn.relu(h)
    # F.dropout(x, training=self.training) is identity at inference
    out = gcn_conv(h, edge_index, W2, b2)
    return jax.nn.log_softmax(out, axis=1)

if __name__ == "__main__":
    import jax
    _d = setup_inputs()
    print(jax.jit(kernel)(*tuple(_d.values())))

</pallas_src>

<mosaic_0001>
#map = affine_map<(d0, d1) -> (0, 0)>
#map1 = affine_map<(d0, d1) -> (0, 0, 0)>
module attributes {stable_mosaic.version = 14 : i64} {
  func.func @deg(%arg0: i32, %arg1: i32, %arg2: memref<2560x128xi32, #tpu.memory_space<hbm>>, %arg3: memref<128x1xf32, #tpu.memory_space<hbm>>, %arg4: memref<128x1xf32, #tpu.memory_space<hbm>>, %arg5: memref<2x10112x1xf32, #tpu.memory_space<hbm>>, %arg6: memref<80x128xi32, #tpu.memory_space<vmem>>, %arg7: memref<128x1xf32, #tpu.memory_space<vmem>>, %arg8: memref<128x1xf32, #tpu.memory_space<vmem>>, %arg9: memref<10112x1xf32, #tpu.memory_space<vmem_shared>>) attributes {dimension_semantics = [#tpu.dimension_semantics<core_parallel>, #tpu.dimension_semantics<subcore_parallel>], iteration_bounds = array<i64: 2, 16>, scalar_prefetch = 0 : i64, scratch_operands = 4 : i64, tpu.core_type = #tpu.core_type<sc_vector_subcore>, window_params = [{transform_indices = #map}, {transform_indices = #map}, {transform_indices = #map}, {transform_indices = #map1}]} {
    %mul3A = arith.constant 2 : i32
    %mul3A_0 = arith.muli %arg1, %mul3A : i32
    %add3A = arith.addi %mul3A_0, %arg0 : i32
    %mul3A_1 = arith.constant 80 : i32
    %mul3A_2 = arith.muli %add3A, %mul3A_1 : i32
    "tpu.region"() ({
      %run_scoped3A = tpu.sem_alloc : memref<!tpu.dma_semaphore, #tpu.memory_space<semaphore_mem>>
      %dma_start3A = arith.constant 0 : i32
      %dma_start3A_37 = tpu.memref_slice %arg2[%mul3A_2, %dma_start3A] : memref<2560x128xi32, #tpu.memory_space<hbm>> -> memref<80x128xi32, #tpu.memory_space<hbm>>
      %dma_start3A_38 = arith.constant 0 : i32
      %dma_start3A_39 = tpu.memref_slice %arg2[%mul3A_2, %dma_start3A_38] : memref<2560x128xi32, #tpu.memory_space<hbm>> -> memref<80x128xi32, #tpu.memory_space<hbm>>
      tpu.enqueue_dma source(%dma_start3A_39 : memref<80x128xi32, #tpu.memory_space<hbm>>) target(%arg6 : memref<80x128xi32, #tpu.memory_space<vmem>>) target_semaphore(%run_scoped3A : memref<!tpu.dma_semaphore, #tpu.memory_space<semaphore_mem>>)
      %dma_wait3A = arith.constant 0 : i32
      %dma_wait3A_40 = tpu.memref_slice %arg2[%mul3A_2, %dma_wait3A] : memref<2560x128xi32, #tpu.memory_space<hbm>> -> memref<80x128xi32, #tpu.memory_space<hbm>>
      %dma_wait3A_41 = arith.constant 0 : i32
      %dma_wait3A_42 = tpu.memref_slice %arg2[%mul3A_2, %dma_wait3A_41] : memref<2560x128xi32, #tpu.memory_space<hbm>> -> memref<80x128xi32, #tpu.memory_space<hbm>>
      tpu.wait_dma2 semaphore(%run_scoped3A : memref<!tpu.dma_semaphore, #tpu.memory_space<semaphore_mem>>) src(%dma_wait3A_42 : memref<80x128xi32, #tpu.memory_space<hbm>>) dst(%arg6 : memref<80x128xi32, #tpu.memory_space<vmem>>)
      tpu.yield
    }) : () -> ()
    "tpu.region"() ({
      %run_scoped3A = tpu.sem_alloc : memref<!tpu.dma_semaphore, #tpu.memory_space<semaphore_mem>>
      tpu.enqueue_dma source(%arg3 : memref<128x1xf32, #tpu.memory_space<hbm>>) target(%arg7 : memref<128x1xf32, #tpu.memory_space<vmem>>) target_semaphore(%run_scoped3A : memref<!tpu.dma_semaphore, #tpu.memory_space<semaphore_mem>>)
      tpu.wait_dma2 semaphore(%run_scoped3A : memref<!tpu.dma_semaphore, #tpu.memory_space<semaphore_mem>>) src(%arg3 : memref<128x1xf32, #tpu.memory_space<hbm>>) dst(%arg7 : memref<128x1xf32, #tpu.memory_space<vmem>>)
      tpu.yield
    }) : () -> ()
    "tpu.region"() ({
      %run_scoped3A = tpu.sem_alloc : memref<!tpu.dma_semaphore, #tpu.memory_space<semaphore_mem>>
      tpu.enqueue_dma source(%arg4 : memref<128x1xf32, #tpu.memory_space<hbm>>) target(%arg8 : memref<128x1xf32, #tpu.memory_space<vmem>>) target_semaphore(%run_scoped3A : memref<!tpu.dma_semaphore, #tpu.memory_space<semaphore_mem>>)
      tpu.wait_dma2 semaphore(%run_scoped3A : memref<!tpu.dma_semaphore, #tpu.memory_space<semaphore_mem>>) src(%arg4 : memref<128x1xf32, #tpu.memory_space<hbm>>) dst(%arg8 : memref<128x1xf32, #tpu.memory_space<vmem>>)
      tpu.yield
    }) : () -> ()
    %mul3A_3 = arith.constant 632 : i32
    %mul3A_4 = arith.muli %arg1, %mul3A_3 : i32
    %scan3A = arith.constant 0 : i32
    %scan3A_5 = arith.constant 4 : i32
    %scan3A_6 = arith.addi %scan3A, %scan3A_5 : i32
    %scan3A_7 = arith.constant 1 : i32
    scf.for %scan3A_37 = %scan3A to %scan3A_6 step %scan3A_7  : i32 {
      %mul3A_38 = arith.constant 1 : i32
      %mul3A_39 = arith.muli %scan3A_37, %mul3A_38 : i32
      %add3A_40 = arith.constant 0 : i32
      %add3A_41 = arith.addi %add3A_40, %mul3A_39 : i32
      %mul3A_42 = arith.constant 128 : i32
      %mul3A_43 = arith.muli %add3A_41, %mul3A_42 : i32
      %add3A_44 = arith.addi %mul3A_4, %mul3A_43 : i32
      "tpu.region"() ({
        %run_scoped3A = tpu.sem_alloc : memref<!tpu.dma_semaphore, #tpu.memory_space<semaphore_mem>>
        %dma_start3A = arith.constant 0 : i32
        %dma_start3A_45 = tpu.memref_slice %arg9[%add3A_44, %dma_start3A] : memref<10112x1xf32, #tpu.memory_space<vmem_shared>> -> memref<128x1xf32, #tpu.memory_space<vmem_shared>>
        %dma_start3A_46 = arith.constant 0 : i32
        %dma_start3A_47 = tpu.memref_slice %arg9[%add3A_44, %dma_start3A_46] : memref<10112x1xf32, #tpu.memory_space<vmem_shared>> -> memref<128x1xf32, #tpu.memory_space<vmem_shared>>
        tpu.enqueue_dma source(%arg8 : memref<128x1xf32, #tpu.memory_space<vmem>>) target(%dma_start3A_47 : memref<128x1xf32, #tpu.memory_space<vmem_shared>>) target_semaphore(%run_scoped3A : memref<!tpu.dma_semaphore, #tpu.memory_space<semaphore_mem>>)
        %dma_wait3A = arith.constant 0 : i32
        %dma_wait3A_48 = tpu.memref_slice %arg9[%add3A_44, %dma_wait3A] : memref<10112x1xf32, #tpu.memory_space<vmem_shared>> -> memref<128x1xf32, #tpu.memory_space<vmem_shared>>
        %dma_wait3A_49 = arith.constant 0 : i32
        %dma_wait3A_50 = tpu.memref_slice %arg9[%add3A_44, %dma_wait3A_49] : memref<10112x1xf32, #tpu.memory_space<vmem_shared>> -> memref<128x1xf32, #tpu.memory_space<vmem_shared>>
        tpu.wait_dma2 semaphore(%run_scoped3A : memref<!tpu.dma_semaphore, #tpu.memory_space<semaphore_mem>>) src(%arg8 : memref<128x1xf32, #tpu.memory_space<vmem>>) dst(%dma_wait3A_50 : memref<128x1xf32, #tpu.memory_space<vmem_shared>>)
        tpu.yield
      }) : () -> ()
    }
    %scan3A_8 = arith.constant 4 : i32
    %add3A_9 = arith.constant 512 : i32
    %add3A_10 = arith.addi %mul3A_4, %add3A_9 : i32
    "tpu.region"() ({
      %run_scoped3A = tpu.sem_alloc : memref<!tpu.dma_semaphore, #tpu.memory_space<semaphore_mem>>
      %dma_start3A = arith.constant 0 : i32
      %dma_start3A_37 = arith.constant 0 : i32
      %dma_start3A_38 = tpu.memref_slice %arg8[%dma_start3A, %dma_start3A_37] : memref<128x1xf32, #tpu.memory_space<vmem>> -> memref<120x1xf32, #tpu.memory_space<vmem>>
      %dma_start3A_39 = arith.constant 0 : i32
      %dma_start3A_40 = tpu.memref_slice %arg9[%add3A_10, %dma_start3A_39] : memref<10112x1xf32, #tpu.memory_space<vmem_shared>> -> memref<120x1xf32, #tpu.memory_space<vmem_shared>>
      %dma_start3A_41 = arith.constant 0 : i32
      %dma_start3A_42 = tpu.memref_slice %arg9[%add3A_10, %dma_start3A_41] : memref<10112x1xf32, #tpu.memory_space<vmem_shared>> -> memref<120x1xf32, #tpu.memory_space<vmem_shared>>
      %dma_start3A_43 = arith.constant 0 : i32
      %dma_start3A_44 = arith.constant 0 : i32
      %dma_start3A_45 = tpu.memref_slice %arg8[%dma_start3A_43, %dma_start3A_44] : memref<128x1xf32, #tpu.memory_space<vmem>> -> memref<120x1xf32, #tpu.memory_space<vmem>>
      tpu.enqueue_dma source(%dma_start3A_45 : memref<120x1xf32, #tpu.memory_space<vmem>>) target(%dma_start3A_42 : memref<120x1xf32, #tpu.memory_space<vmem_shared>>) target_semaphore(%run_scoped3A : memref<!tpu.dma_semaphore, #tpu.memory_space<semaphore_mem>>)
      %dma_wait3A = arith.constant 0 : i32
      %dma_wait3A_46 = arith.constant 0 : i32
      %dma_wait3A_47 = tpu.memref_slice %arg8[%dma_wait3A, %dma_wait3A_46] : memref<128x1xf32, #tpu.memory_space<vmem>> -> memref<120x1xf32, #tpu.memory_space<vmem>>
      %dma_wait3A_48 = arith.constant 0 : i32
      %dma_wait3A_49 = tpu.memref_slice %arg9[%add3A_10, %dma_wait3A_48] : memref<10112x1xf32, #tpu.memory_space<vmem_shared>> -> memref<120x1xf32, #tpu.memory_space<vmem_shared>>
      %dma_wait3A_50 = arith.constant 0 : i32
      %dma_wait3A_51 = tpu.memref_slice %arg9[%add3A_10, %dma_wait3A_50] : memref<10112x1xf32, #tpu.memory_space<vmem_shared>> -> memref<120x1xf32, #tpu.memory_space<vmem_shared>>
      %dma_wait3A_52 = arith.constant 0 : i32
      %dma_wait3A_53 = arith.constant 0 : i32
      %dma_wait3A_54 = tpu.memref_slice %arg8[%dma_wait3A_52, %dma_wait3A_53] : memref<128x1xf32, #tpu.memory_space<vmem>> -> memref<120x1xf32, #tpu.memory_space<vmem>>
      tpu.wait_dma2 semaphore(%run_scoped3A : memref<!tpu.dma_semaphore, #tpu.memory_space<semaphore_mem>>) src(%dma_wait3A_54 : memref<120x1xf32, #tpu.memory_space<vmem>>) dst(%dma_wait3A_51 : memref<120x1xf32, #tpu.memory_space<vmem_shared>>)
      tpu.yield
    }) : () -> ()
    %barrier3A = arith.constant 0 : index
    tpu.barrier barrier_id(%barrier3A)
    %scan3A_11 = arith.constant 0 : i32
    %scan3A_12 = arith.constant 80 : i32
    %scan3A_13 = arith.addi %scan3A_11, %scan3A_12 : i32
    %scan3A_14 = arith.constant 1 : i32
    scf.for %scan3A_37 = %scan3A_11 to %scan3A_13 step %scan3A_14  : i32 {
      %mul3A_38 = arith.constant 1 : i32
      %mul3A_39 = arith.muli %scan3A_37, %mul3A_38 : i32
      %add3A_40 = arith.constant 0 : i32
      %add3A_41 = arith.addi %add3A_40, %mul3A_39 : i32
      "tpu.region"() ({
        %run_scoped3A = tpu.sem_alloc : memref<!tpu.dma_semaphore, #tpu.memory_space<semaphore_mem>>
        %dma_start3A = arith.constant 0 : i32
        %dma_start3A_42 = tpu.memref_slice %arg6[%add3A_41, %dma_start3A] : memref<80x128xi32, #tpu.memory_space<vmem>> -> memref<1x128xi32, #tpu.memory_space<vmem>>
        %dma_start3A_43 = tpu.memref_squeeze %dma_start3A_42 : memref<1x128xi32, #tpu.memory_space<vmem>> -> memref<128xi32, #tpu.memory_space<vmem>>
        %dma_start3A_44 = arith.constant 0 : i32
        %dma_start3A_45 = arith.constant 0 : i32
        %dma_start3A_46 = tpu.memref_slice %arg9[%dma_start3A_44, %dma_start3A_45] : memref<10112x1xf32, #tpu.memory_space<vmem_shared>> -> memref<10112x1xf32, #tpu.memory_space<vmem_shared>>
        tpu.enqueue_indirect_dma source(%arg7 : memref<128x1xf32, #tpu.memory_space<vmem>>) target(%dma_start3A_46 : memref<10112x1xf32, #tpu.memory_space<vmem_shared>>) offsets(%dma_start3A_43 : memref<128xi32, #tpu.memory_space<vmem>>) semaphore(%run_scoped3A : memref<!tpu.dma_semaphore, #tpu.memory_space<semaphore_mem>>) {add = true}
        %dma_wait3A = arith.constant 0 : i32
        %dma_wait3A_47 = tpu.memref_slice %arg6[%add3A_41, %dma_wait3A] : memref<80x128xi32, #tpu.memory_space<vmem>> -> memref<1x128xi32, #tpu.memory_space<vmem>>
        %dma_wait3A_48 = tpu.memref_squeeze %dma_wait3A_47 : memref<1x128xi32, #tpu.memory_space<vmem>> -> memref<128xi32, #tpu.memory_space<vmem>>
        %dma_wait3A_49 = arith.constant 0 : i32
        %dma_wait3A_50 = arith.constant 0 : i32
        %dma_wait3A_51 = tpu.memref_slice %arg9[%dma_wait3A_49, %dma_wait3A_50] : memref<10112x1xf32, #tpu.memory_space<vmem_shared>> -> memref<10112x1xf32, #tpu.memory_space<vmem_shared>>
        tpu.wait_indirect_dma semaphore(%run_scoped3A : memref<!tpu.dma_semaphore, #tpu.memory_space<semaphore_mem>>) src(%arg7 : memref<128x1xf32, #tpu.memory_space<vmem>>) dst(%dma_wait3A_51 : memref<10112x1xf32, #tpu.memory_space<vmem_shared>>)
        tpu.yield
      }) : () -> ()
    }
    %scan3A_15 = arith.constant 80 : i32
    %barrier3A_16 = arith.constant 0 : index
    tpu.barrier barrier_id(%barrier3A_16)
    %scan3A_17 = arith.constant 0 : i32
    %scan3A_18 = arith.constant 4 : i32
    %scan3A_19 = arith.addi %scan3A_17, %scan3A_18 : i32
    %scan3A_20 = arith.constant 1 : i32
    scf.for %scan3A_37 = %scan3A_17 to %scan3A_19 step %scan3A_20  : i32 {
      %mul3A_38 = arith.constant 1 : i32
      %mul3A_39 = arith.muli %scan3A_37, %mul3A_38 : i32
      %add3A_40 = arith.constant 0 : i32
      %add3A_41 = arith.addi %add3A_40, %mul3A_39 : i32
      %mul3A_42 = arith.constant 128 : i32
      %mul3A_43 = arith.muli %add3A_41, %mul3A_42 : i32
      %add3A_44 = arith.addi %mul3A_4, %mul3A_43 : i32
      "tpu.region"() ({
        %run_scoped3A = tpu.sem_alloc : memref<!tpu.dma_semaphore, #tpu.memory_space<semaphore_mem>>
        %dma_start3A = arith.constant 0 : i32
        %dma_start3A_48 = tpu.memref_slice %arg9[%add3A_44, %dma_start3A] : memref<10112x1xf32, #tpu.memory_space<vmem_shared>> -> memref<128x1xf32, #tpu.memory_space<vmem_shared>>
        %dma_start3A_49 = arith.constant 0 : i32
        %dma_start3A_50 = tpu.memref_slice %arg9[%add3A_44, %dma_start3A_49] : memref<10112x1xf32, #tpu.memory_space<vmem_shared>> -> memref<128x1xf32, #tpu.memory_space<vmem_shared>>
        tpu.enqueue_dma source(%dma_start3A_50 : memref<128x1xf32, #tpu.memory_space<vmem_shared>>) target(%arg8 : memref<128x1xf32, #tpu.memory_space<vmem>>) target_semaphore(%run_scoped3A : memref<!tpu.dma_semaphore, #tpu.memory_space<semaphore_mem>>)
        %dma_wait3A = arith.constant 0 : i32
        %dma_wait3A_51 = tpu.memref_slice %arg9[%add3A_44, %dma_wait3A] : memref<10112x1xf32, #tpu.memory_space<vmem_shared>> -> memref<128x1xf32, #tpu.memory_space<vmem_shared>>
        %dma_wait3A_52 = arith.constant 0 : i32
        %dma_wait3A_53 = tpu.memref_slice %arg9[%add3A_44, %dma_wait3A_52] : memref<10112x1xf32, #tpu.memory_space<vmem_shared>> -> memref<128x1xf32, #tpu.memory_space<vmem_shared>>
        tpu.wait_dma2 semaphore(%run_scoped3A : memref<!tpu.dma_semaphore, #tpu.memory_space<semaphore_mem>>) src(%dma_wait3A_53 : memref<128x1xf32, #tpu.memory_space<vmem_shared>>) dst(%arg8 : memref<128x1xf32, #tpu.memory_space<vmem>>)
        tpu.yield
      }) : () -> ()
      %mul3A_45 = arith.constant 128 : i32
      %mul3A_46 = arith.muli %add3A_41, %mul3A_45 : i32
      %add3A_47 = arith.addi %mul3A_4, %mul3A_46 : i32
      "tpu.region"() ({
        %run_scoped3A = tpu.sem_alloc : memref<!tpu.dma_semaphore, #tpu.memory_space<semaphore_mem>>
        %dma_start3A = arith.constant 0 : i32
        %dma_start3A_48 = tpu.memref_slice %arg5[%arg0, %add3A_47, %dma_start3A] : memref<2x10112x1xf32, #tpu.memory_space<hbm>> -> memref<1x128x1xf32, #tpu.memory_space<hbm>>
        %dma_start3A_49 = tpu.memref_squeeze %dma_start3A_48 : memref<1x128x1xf32, #tpu.memory_space<hbm>> -> memref<128x1xf32, #tpu.memory_space<hbm>>
        %dma_start3A_50 = arith.constant 0 : i32
        %dma_start3A_51 = tpu.memref_slice %arg5[%arg0, %add3A_47, %dma_start3A_50] : memref<2x10112x1xf32, #tpu.memory_space<hbm>> -> memref<1x128x1xf32, #tpu.memory_space<hbm>>
        %dma_start3A_52 = tpu.memref_squeeze %dma_start3A_51 : memref<1x128x1xf32, #tpu.memory_space<hbm>> -> memref<128x1xf32, #tpu.memory_space<hbm>>
        tpu.enqueue_dma source(%arg8 : memref<128x1xf32, #tpu.memory_space<vmem>>) target(%dma_start3A_52 : memref<128x1xf32, #tpu.memory_space<hbm>>) target_semaphore(%run_scoped3A : memref<!tpu.dma_semaphore, #tpu.memory_space<semaphore_mem>>)
        %dma_wait3A = arith.constant 0 : i32
        %dma_wait3A_53 = tpu.memref_slice %arg5[%arg0, %add3A_47, %dma_wait3A] : memref<2x10112x1xf32, #tpu.memory_space<hbm>> -> memref<1x128x1xf32, #tpu.memory_space<hbm>>
        %dma_wait3A_54 = tpu.memref_squeeze %dma_wait3A_53 : memref<1x128x1xf32, #tpu.memory_space<hbm>> -> memref<128x1xf32, #tpu.memory_space<hbm>>
        %dma_wait3A_55 = arith.constant 0 : i32
        %dma_wait3A_56 = tpu.memref_slice %arg5[%arg0, %add3A_47, %dma_wait3A_55] : memref<2x10112x1xf32, #tpu.memory_space<hbm>> -> memref<1x128x1xf32, #tpu.memory_space<hbm>>
        %dma_wait3A_57 = tpu.memref_squeeze %dma_wait3A_56 : memref<1x128x1xf32, #tpu.memory_space<hbm>> -> memref<128x1xf32, #tpu.memory_space<hbm>>
        tpu.wait_dma2 semaphore(%run_scoped3A : memref<!tpu.dma_semaphore, #tpu.memory_space<semaphore_mem>>) src(%arg8 : memref<128x1xf32, #tpu.memory_space<vmem>>) dst(%dma_wait3A_57 : memref<128x1xf32, #tpu.memory_space<hbm>>)
        tpu.yield
      }) : () -> ()
    }
    %scan3A_21 = arith.constant 4 : i32
    %add3A_22 = arith.constant 512 : i32
    %add3A_23 = arith.addi %mul3A_4, %add3A_22 : i32
    "tpu.region"() ({
      %run_scoped3A = tpu.sem_alloc : memref<!tpu.dma_semaphore, #tpu.memory_space<semaphore_mem>>
      %dma_start3A = arith.constant 0 : i32
      %dma_start3A_37 = arith.constant 0 : i32
      %dma_start3A_38 = tpu.memref_slice %arg8[%dma_start3A, %dma_start3A_37] : memref<128x1xf32, #tpu.memory_space<vmem>> -> memref<120x1xf32, #tpu.memory_space<vmem>>
      %dma_start3A_39 = arith.constant 0 : i32
      %dma_start3A_40 = tpu.memref_slice %arg9[%add3A_23, %dma_start3A_39] : memref<10112x1xf32, #tpu.memory_space<vmem_shared>> -> memref<120x1xf32, #tpu.memory_space<vmem_shared>>
      %dma_start3A_41 = arith.constant 0 : i32
      %dma_start3A_42 = arith.constant 0 : i32
      %dma_start3A_43 = tpu.memref_slice %arg8[%dma_start3A_41, %dma_start3A_42] : memref<128x1xf32, #tpu.memory_space<vmem>> -> memref<120x1xf32, #tpu.memory_space<vmem>>
      %dma_start3A_44 = arith.constant 0 : i32
      %dma_start3A_45 = tpu.memref_slice %arg9[%add3A_23, %dma_start3A_44] : memref<10112x1xf32, #tpu.memory_space<vmem_shared>> -> memref<120x1xf32, #tpu.memory_space<vmem_shared>>
      tpu.enqueue_dma source(%dma_start3A_45 : memref<120x1xf32, #tpu.memory_space<vmem_shared>>) target(%dma_start3A_43 : memref<120x1xf32, #tpu.memory_space<vmem>>) target_semaphore(%run_scoped3A : memref<!tpu.dma_semaphore, #tpu.memory_space<semaphore_mem>>)
      %dma_wait3A = arith.constant 0 : i32
      %dma_wait3A_46 = arith.constant 0 : i32
      %dma_wait3A_47 = tpu.memref_slice %arg8[%dma_wait3A, %dma_wait3A_46] : memref<128x1xf32, #tpu.memory_space<vmem>> -> memref<120x1xf32, #tpu.memory_space<vmem>>
      %dma_wait3A_48 = arith.constant 0 : i32
      %dma_wait3A_49 = tpu.memref_slice %arg9[%add3A_23, %dma_wait3A_48] : memref<10112x1xf32, #tpu.memory_space<vmem_shared>> -> memref<120x1xf32, #tpu.memory_space<vmem_shared>>
      %dma_wait3A_50 = arith.constant 0 : i32
      %dma_wait3A_51 = arith.constant 0 : i32
      %dma_wait3A_52 = tpu.memref_slice %arg8[%dma_wait3A_50, %dma_wait3A_51] : memref<128x1xf32, #tpu.memory_space<vmem>> -> memref<120x1xf32, #tpu.memory_space<vmem>>
      %dma_wait3A_53 = arith.constant 0 : i32
      %dma_wait3A_54 = tpu.memref_slice %arg9[%add3A_23, %dma_wait3A_53] : memref<10112x1xf32, #tpu.memory_space<vmem_shared>> -> memref<120x1xf32, #tpu.memory_space<vmem_shared>>
      tpu.wait_dma2 semaphore(%run_scoped3A : memref<!tpu.dma_semaphore, #tpu.memory_space<semaphore_mem>>) src(%dma_wait3A_54 : memref<120x1xf32, #tpu.memory_space<vmem_shared>>) dst(%dma_wait3A_52 : memref<120x1xf32, #tpu.memory_space<vmem>>)
      tpu.yield
    }) : () -> ()
    %add3A_24 = arith.constant 512 : i32
    %add3A_25 = arith.addi %mul3A_4, %add3A_24 : i32
    "tpu.region"() ({
      %run_scoped3A = tpu.sem_alloc : memref<!tpu.dma_semaphore, #tpu.memory_space<semaphore_mem>>
      %dma_start3A = arith.constant 0 : i32
      %dma_start3A_37 = arith.constant 0 : i32
      %dma_start3A_38 = tpu.memref_slice %arg8[%dma_start3A, %dma_start3A_37] : memref<128x1xf32, #tpu.memory_space<vmem>> -> memref<120x1xf32, #tpu.memory_space<vmem>>
      %dma_start3A_39 = arith.constant 0 : i32
      %dma_start3A_40 = tpu.memref_slice %arg5[%arg0, %add3A_25, %dma_start3A_39] : memref<2x10112x1xf32, #tpu.memory_space<hbm>> -> memref<1x120x1xf32, #tpu.memory_space<hbm>>
      %dma_start3A_41 = tpu.memref_squeeze %dma_start3A_40 : memref<1x120x1xf32, #tpu.memory_space<hbm>> -> memref<120x1xf32, #tpu.memory_space<hbm>>
      %dma_start3A_42 = arith.constant 0 : i32
      %dma_start3A_43 = tpu.memref_slice %arg5[%arg0, %add3A_25, %dma_start3A_42] : memref<2x10112x1xf32, #tpu.memory_space<hbm>> -> memref<1x120x1xf32, #tpu.memory_space<hbm>>
      %dma_start3A_44 = tpu.memref_squeeze %dma_start3A_43 : memref<1x120x1xf32, #tpu.memory_space<hbm>> -> memref<120x1xf32, #tpu.memory_space<hbm>>
      %dma_start3A_45 = arith.constant 0 : i32
      %dma_start3A_46 = arith.constant 0 : i32
      %dma_start3A_47 = tpu.memref_slice %arg8[%dma_start3A_45, %dma_start3A_46] : memref<128x1xf32, #tpu.memory_space<vmem>> -> memref<120x1xf32, #tpu.memory_space<vmem>>
      tpu.enqueue_dma source(%dma_start3A_47 : memref<120x1xf32, #tpu.memory_space<vmem>>) target(%dma_start3A_44 : memref<120x1xf32, #tpu.memory_space<hbm>>) target_semaphore(%run_scoped3A : memref<!tpu.dma_semaphore, #tpu.memory_space<semaphore_mem>>)
      %dma_wait3A = arith.constant 0 : i32
      %dma_wait3A_48 = arith.constant 0 : i32
      %dma_wait3A_49 = tpu.memref_slice %arg8[%dma_wait3A, %dma_wait3A_48] : memref<128x1xf32, #tpu.memory_space<vmem>> -> memref<120x1xf32, #tpu.memory_space<vmem>>
      %dma_wait3A_50 = arith.constant 0 : i32
      %dma_wait3A_51 = tpu.memref_slice %arg5[%arg0, %add3A_25, %dma_wait3A_50] : memref<2x10112x1xf32, #tpu.memory_space<hbm>> -> memref<1x120x1xf32, #tpu.memory_space<hbm>>
      %dma_wait3A_52 = tpu.memref_squeeze %dma_wait3A_51 : memref<1x120x1xf32, #tpu.memory_space<hbm>> -> memref<120x1xf32, #tpu.memory_space<hbm>>
      %dma_wait3A_53 = arith.constant 0 : i32
      %dma_wait3A_54 = tpu.memref_slice %arg5[%arg0, %add3A_25, %dma_wait3A_53] : memref<2x10112x1xf32, #tpu.memory_space<hbm>> -> memref<1x120x1xf32, #tpu.memory_space<hbm>>
      %dma_wait3A_55 = tpu.memref_squeeze %dma_wait3A_54 : memref<1x120x1xf32, #tpu.memory_space<hbm>> -> memref<120x1xf32, #tpu.memory_space<hbm>>
      %dma_wait3A_56 = arith.constant 0 : i32
      %dma_wait3A_57 = arith.constant 0 : i32
      %dma_wait3A_58 = tpu.memref_slice %arg8[%dma_wait3A_56, %dma_wait3A_57] : memref<128x1xf32, #tpu.memory_space<vmem>> -> memref<120x1xf32, #tpu.memory_space<vmem>>
      tpu.wait_dma2 semaphore(%run_scoped3A : memref<!tpu.dma_semaphore, #tpu.memory_space<semaphore_mem>>) src(%dma_wait3A_58 : memref<120x1xf32, #tpu.memory_space<vmem>>) dst(%dma_wait3A_55 : memref<120x1xf32, #tpu.memory_space<hbm>>)
      tpu.yield
    }) : () -> ()
    %barrier3A_26 = arith.constant 0 : index
    tpu.barrier barrier_id(%barrier3A_26)
    %scan3A_27 = arith.constant 0 : i32
    %scan3A_28 = arith.constant 4 : i32
    %scan3A_29 = arith.addi %scan3A_27, %scan3A_28 : i32
    %scan3A_30 = arith.constant 1 : i32
    scf.for %scan3A_37 = %scan3A_27 to %scan3A_29 step %scan3A_30  : i32 {
      %mul3A_38 = arith.constant 1 : i32
      %mul3A_39 = arith.muli %scan3A_37, %mul3A_38 : i32
      %add3A_40 = arith.constant 0 : i32
      %add3A_41 = arith.addi %add3A_40, %mul3A_39 : i32
      %mul3A_42 = arith.constant 128 : i32
      %mul3A_43 = arith.muli %add3A_41, %mul3A_42 : i32
      %add3A_44 = arith.addi %mul3A_4, %mul3A_43 : i32
      "tpu.region"() ({
        %run_scoped3A = tpu.sem_alloc : memref<!tpu.dma_semaphore, #tpu.memory_space<semaphore_mem>>
        %dma_start3A = arith.constant 0 : i32
        %dma_start3A_48 = tpu.memref_slice %arg9[%add3A_44, %dma_start3A] : memref<10112x1xf32, #tpu.memory_space<vmem_shared>> -> memref<128x1xf32, #tpu.memory_space<vmem_shared>>
        %dma_start3A_49 = arith.constant 0 : i32
        %dma_start3A_50 = tpu.memref_slice %arg9[%add3A_44, %dma_start3A_49] : memref<10112x1xf32, #tpu.memory_space<vmem_shared>> -> memref<128x1xf32, #tpu.memory_space<vmem_shared>>
        tpu.enqueue_dma source(%dma_start3A_50 : memref<128x1xf32, #tpu.memory_space<vmem_shared>>) target(%arg8 : memref<128x1xf32, #tpu.memory_space<vmem>>) target_semaphore(%run_scoped3A : memref<!tpu.dma_semaphore, #tpu.memory_space<semaphore_mem>>)
        %dma_wait3A = arith.constant 0 : i32
        %dma_wait3A_51 = tpu.memref_slice %arg9[%add3A_44, %dma_wait3A] : memref<10112x1xf32, #tpu.memory_space<vmem_shared>> -> memref<128x1xf32, #tpu.memory_space<vmem_shared>>
        %dma_wait3A_52 = arith.constant 0 : i32
        %dma_wait3A_53 = tpu.memref_slice %arg9[%add3A_44, %dma_wait3A_52] : memref<10112x1xf32, #tpu.memory_space<vmem_shared>> -> memref<128x1xf32, #tpu.memory_space<vmem_shared>>
        tpu.wait_dma2 semaphore(%run_scoped3A : memref<!tpu.dma_semaphore, #tpu.memory_space<semaphore_mem>>) src(%dma_wait3A_53 : memref<128x1xf32, #tpu.memory_space<vmem_shared>>) dst(%arg8 : memref<128x1xf32, #tpu.memory_space<vmem>>)
        tpu.yield
      }) : () -> ()
      %mul3A_45 = arith.constant 128 : i32
      %mul3A_46 = arith.muli %add3A_41, %mul3A_45 : i32
      %add3A_47 = arith.addi %mul3A_4, %mul3A_46 : i32
      "tpu.region"() ({
        %run_scoped3A = tpu.sem_alloc : memref<!tpu.dma_semaphore, #tpu.memory_space<semaphore_mem>>
        %dma_start3A = arith.constant 0 : i32
        %dma_start3A_48 = tpu.memref_slice %arg5[%arg0, %add3A_47, %dma_start3A] : memref<2x10112x1xf32, #tpu.memory_space<hbm>> -> memref<1x128x1xf32, #tpu.memory_space<hbm>>
        %dma_start3A_49 = tpu.memref_squeeze %dma_start3A_48 : memref<1x128x1xf32, #tpu.memory_space<hbm>> -> memref<128x1xf32, #tpu.memory_space<hbm>>
        %dma_start3A_50 = arith.constant 0 : i32
        %dma_start3A_51 = tpu.memref_slice %arg5[%arg0, %add3A_47, %dma_start3A_50] : memref<2x10112x1xf32, #tpu.memory_space<hbm>> -> memref<1x128x1xf32, #tpu.memory_space<hbm>>
        %dma_start3A_52 = tpu.memref_squeeze %dma_start3A_51 : memref<1x128x1xf32, #tpu.memory_space<hbm>> -> memref<128x1xf32, #tpu.memory_space<hbm>>
        tpu.enqueue_dma source(%arg8 : memref<128x1xf32, #tpu.memory_space<vmem>>) target(%dma_start3A_52 : memref<128x1xf32, #tpu.memory_space<hbm>>) target_semaphore(%run_scoped3A : memref<!tpu.dma_semaphore, #tpu.memory_space<semaphore_mem>>)
        %dma_wait3A = arith.constant 0 : i32
        %dma_wait3A_53 = tpu.memref_slice %arg5[%arg0, %add3A_47, %dma_wait3A] : memref<2x10112x1xf32, #tpu.memory_space<hbm>> -> memref<1x128x1xf32, #tpu.memory_space<hbm>>
        %dma_wait3A_54 = tpu.memref_squeeze %dma_wait3A_53 : memref<1x128x1xf32, #tpu.memory_space<hbm>> -> memref<128x1xf32, #tpu.memory_space<hbm>>
        %dma_wait3A_55 = arith.constant 0 : i32
        %dma_wait3A_56 = tpu.memref_slice %arg5[%arg0, %add3A_47, %dma_wait3A_55] : memref<2x10112x1xf32, #tpu.memory_space<hbm>> -> memref<1x128x1xf32, #tpu.memory_space<hbm>>
        %dma_wait3A_57 = tpu.memref_squeeze %dma_wait3A_56 : memref<1x128x1xf32, #tpu.memory_space<hbm>> -> memref<128x1xf32, #tpu.memory_space<hbm>>
        tpu.wait_dma2 semaphore(%run_scoped3A : memref<!tpu.dma_semaphore, #tpu.memory_space<semaphore_mem>>) src(%arg8 : memref<128x1xf32, #tpu.memory_space<vmem>>) dst(%dma_wait3A_57 : memref<128x1xf32, #tpu.memory_space<hbm>>)
        tpu.yield
      }) : () -> ()
    }
    %scan3A_31 = arith.constant 4 : i32
    %add3A_32 = arith.constant 512 : i32
    %add3A_33 = arith.addi %mul3A_4, %add3A_32 : i32
    "tpu.region"() ({
      %run_scoped3A = tpu.sem_alloc : memref<!tpu.dma_semaphore, #tpu.memory_space<semaphore_mem>>
      %dma_start3A = arith.constant 0 : i32
      %dma_start3A_37 = arith.constant 0 : i32
      %dma_start3A_38 = tpu.memref_slice %arg8[%dma_start3A, %dma_start3A_37] : memref<128x1xf32, #tpu.memory_space<vmem>> -> memref<120x1xf32, #tpu.memory_space<vmem>>
      %dma_start3A_39 = arith.constant 0 : i32
      %dma_start3A_40 = tpu.memref_slice %arg9[%add3A_33, %dma_start3A_39] : memref<10112x1xf32, #tpu.memory_space<vmem_shared>> -> memref<120x1xf32, #tpu.memory_space<vmem_shared>>
      %dma_start3A_41 = arith.constant 0 : i32
      %dma_start3A_42 = arith.constant 0 : i32
      %dma_start3A_43 = tpu.memref_slice %arg8[%dma_start3A_41, %dma_start3A_42] : memref<128x1xf32, #tpu.memory_space<vmem>> -> memref<120x1xf32, #tpu.memory_space<vmem>>
      %dma_start3A_44 = arith.constant 0 : i32
      %dma_start3A_45 = tpu.memref_slice %arg9[%add3A_33, %dma_start3A_44] : memref<10112x1xf32, #tpu.memory_space<vmem_shared>> -> memref<120x1xf32, #tpu.memory_space<vmem_shared>>
      tpu.enqueue_dma source(%dma_start3A_45 : memref<120x1xf32, #tpu.memory_space<vmem_shared>>) target(%dma_start3A_43 : memref<120x1xf32, #tpu.memory_space<vmem>>) target_semaphore(%run_scoped3A : memref<!tpu.dma_semaphore, #tpu.memory_space<semaphore_mem>>)
      %dma_wait3A = arith.constant 0 : i32
      %dma_wait3A_46 = arith.constant 0 : i32
      %dma_wait3A_47 = tpu.memref_slice %arg8[%dma_wait3A, %dma_wait3A_46] : memref<128x1xf32, #tpu.memory_space<vmem>> -> memref<120x1xf32, #tpu.memory_space<vmem>>
      %dma_wait3A_48 = arith.constant 0 : i32
      %dma_wait3A_49 = tpu.memref_slice %arg9[%add3A_33, %dma_wait3A_48] : memref<10112x1xf32, #tpu.memory_space<vmem_shared>> -> memref<120x1xf32, #tpu.memory_space<vmem_shared>>
      %dma_wait3A_50 = arith.constant 0 : i32
      %dma_wait3A_51 = arith.constant 0 : i32
      %dma_wait3A_52 = tpu.memref_slice %arg8[%dma_wait3A_50, %dma_wait3A_51] : memref<128x1xf32, #tpu.memory_space<vmem>> -> memref<120x1xf32, #tpu.memory_space<vmem>>
      %dma_wait3A_53 = arith.constant 0 : i32
      %dma_wait3A_54 = tpu.memref_slice %arg9[%add3A_33, %dma_wait3A_53] : memref<10112x1xf32, #tpu.memory_space<vmem_shared>> -> memref<120x1xf32, #tpu.memory_space<vmem_shared>>
      tpu.wait_dma2 semaphore(%run_scoped3A : memref<!tpu.dma_semaphore, #tpu.memory_space<semaphore_mem>>) src(%dma_wait3A_54 : memref<120x1xf32, #tpu.memory_space<vmem_shared>>) dst(%dma_wait3A_52 : memref<120x1xf32, #tpu.memory_space<vmem>>)
      tpu.yield
    }) : () -> ()
    %add3A_34 = arith.constant 512 : i32
    %add3A_35 = arith.addi %mul3A_4, %add3A_34 : i32
    "tpu.region"() ({
      %run_scoped3A = tpu.sem_alloc : memref<!tpu.dma_semaphore, #tpu.memory_space<semaphore_mem>>
      %dma_start3A = arith.constant 0 : i32
      %dma_start3A_37 = arith.constant 0 : i32
      %dma_start3A_38 = tpu.memref_slice %arg8[%dma_start3A, %dma_start3A_37] : memref<128x1xf32, #tpu.memory_space<vmem>> -> memref<120x1xf32, #tpu.memory_space<vmem>>
      %dma_start3A_39 = arith.constant 0 : i32
      %dma_start3A_40 = tpu.memref_slice %arg5[%arg0, %add3A_35, %dma_start3A_39] : memref<2x10112x1xf32, #tpu.memory_space<hbm>> -> memref<1x120x1xf32, #tpu.memory_space<hbm>>
      %dma_start3A_41 = tpu.memref_squeeze %dma_start3A_40 : memref<1x120x1xf32, #tpu.memory_space<hbm>> -> memref<120x1xf32, #tpu.memory_space<hbm>>
      %dma_start3A_42 = arith.constant 0 : i32
      %dma_start3A_43 = tpu.memref_slice %arg5[%arg0, %add3A_35, %dma_start3A_42] : memref<2x10112x1xf32, #tpu.memory_space<hbm>> -> memref<1x120x1xf32, #tpu.memory_space<hbm>>
      %dma_start3A_44 = tpu.memref_squeeze %dma_start3A_43 : memref<1x120x1xf32, #tpu.memory_space<hbm>> -> memref<120x1xf32, #tpu.memory_space<hbm>>
      %dma_start3A_45 = arith.constant 0 : i32
      %dma_start3A_46 = arith.constant 0 : i32
      %dma_start3A_47 = tpu.memref_slice %arg8[%dma_start3A_45, %dma_start3A_46] : memref<128x1xf32, #tpu.memory_space<vmem>> -> memref<120x1xf32, #tpu.memory_space<vmem>>
      tpu.enqueue_dma source(%dma_start3A_47 : memref<120x1xf32, #tpu.memory_space<vmem>>) target(%dma_start3A_44 : memref<120x1xf32, #tpu.memory_space<hbm>>) target_semaphore(%run_scoped3A : memref<!tpu.dma_semaphore, #tpu.memory_space<semaphore_mem>>)
      %dma_wait3A = arith.constant 0 : i32
      %dma_wait3A_48 = arith.constant 0 : i32
      %dma_wait3A_49 = tpu.memref_slice %arg8[%dma_wait3A, %dma_wait3A_48] : memref<128x1xf32, #tpu.memory_space<vmem>> -> memref<120x1xf32, #tpu.memory_space<vmem>>
      %dma_wait3A_50 = arith.constant 0 : i32
      %dma_wait3A_51 = tpu.memref_slice %arg5[%arg0, %add3A_35, %dma_wait3A_50] : memref<2x10112x1xf32, #tpu.memory_space<hbm>> -> memref<1x120x1xf32, #tpu.memory_space<hbm>>
      %dma_wait3A_52 = tpu.memref_squeeze %dma_wait3A_51 : memref<1x120x1xf32, #tpu.memory_space<hbm>> -> memref<120x1xf32, #tpu.memory_space<hbm>>
      %dma_wait3A_53 = arith.constant 0 : i32
      %dma_wait3A_54 = tpu.memref_slice %arg5[%arg0, %add3A_35, %dma_wait3A_53] : memref<2x10112x1xf32, #tpu.memory_space<hbm>> -> memref<1x120x1xf32, #tpu.memory_space<hbm>>
      %dma_wait3A_55 = tpu.memref_squeeze %dma_wait3A_54 : memref<1x120x1xf32, #tpu.memory_space<hbm>> -> memref<120x1xf32, #tpu.memory_space<hbm>>
      %dma_wait3A_56 = arith.constant 0 : i32
      %dma_wait3A_57 = arith.constant 0 : i32
      %dma_wait3A_58 = tpu.memref_slice %arg8[%dma_wait3A_56, %dma_wait3A_57] : memref<128x1xf32, #tpu.memory_space<vmem>> -> memref<120x1xf32, #tpu.memory_space<vmem>>
      tpu.wait_dma2 semaphore(%run_scoped3A : memref<!tpu.dma_semaphore, #tpu.memory_space<semaphore_mem>>) src(%dma_wait3A_58 : memref<120x1xf32, #tpu.memory_space<vmem>>) dst(%dma_wait3A_55 : memref<120x1xf32, #tpu.memory_space<hbm>>)
      tpu.yield
    }) : () -> ()
    %barrier3A_36 = arith.constant 0 : index
    tpu.barrier barrier_id(%barrier3A_36)
    return
  }
}

#map = affine_map<(d0, d1) -> (0, 0)>
#map1 = affine_map<(d0, d1) -> (0, 0, 0)>
module attributes {stable_mosaic.version = 14 : i64} {
  func.func @agg(%arg0: i32, %arg1: i32, %arg2: memref<10112x16xf32, #tpu.memory_space<hbm>>, %arg3: memref<2560x128xi32, #tpu.memory_space<hbm>>, %arg4: memref<2560x128xi32, #tpu.memory_space<hbm>>, %arg5: memref<128x16xf32, #tpu.memory_space<hbm>>, %arg6: memref<2x10112x16xf32, #tpu.memory_space<hbm>>, %arg7: memref<80x128xi32, #tpu.memory_space<vmem>>, %arg8: memref<80x128xi32, #tpu.memory_space<vmem>>, %arg9: memref<2x128x16xf32, #tpu.memory_space<vmem>>, %arg10: memref<128x16xf32, #tpu.memory_space<vmem>>, %arg11: memref<10112x16xf32, #tpu.memory_space<vmem_shared>>, %arg12: memref<!tpu.dma_semaphore, #tpu.memory_space<semaphore_mem>>, %arg13: memref<!tpu.dma_semaphore, #tpu.memory_space<semaphore_mem>>) attributes {dimension_semantics = [#tpu.dimension_semantics<core_parallel>, #tpu.dimension_semantics<subcore_parallel>], iteration_bounds = array<i64: 2, 16>, scalar_prefetch = 0 : i64, scratch_operands = 7 : i64, tpu.core_type = #tpu.core_type<sc_vector_subcore>, window_params = [{transform_indices = #map}, {transform_indices = #map}, {transform_indices = #map}, {transform_indices = #map}, {transform_indices = #map1}]} {
    %mul3A = arith.constant 2 : i32
    %mul3A_0 = arith.muli %arg1, %mul3A : i32
    %add3A = arith.addi %mul3A_0, %arg0 : i32
    %mul3A_1 = arith.constant 80 : i32
    %mul3A_2 = arith.muli %add3A, %mul3A_1 : i32
    "tpu.region"() ({
      %run_scoped3A_65 = tpu.sem_alloc : memref<!tpu.dma_semaphore, #tpu.memory_space<semaphore_mem>>
      %dma_start3A_66 = arith.constant 0 : i32
      %dma_start3A_67 = tpu.memref_slice %arg3[%mul3A_2, %dma_start3A_66] : memref<2560x128xi32, #tpu.memory_space<hbm>> -> memref<80x128xi32, #tpu.memory_space<hbm>>
      %dma_start3A_68 = arith.constant 0 : i32
      %dma_start3A_69 = tpu.memref_slice %arg3[%mul3A_2, %dma_start3A_68] : memref<2560x128xi32, #tpu.memory_space<hbm>> -> memref<80x128xi32, #tpu.memory_space<hbm>>
      tpu.enqueue_dma source(%dma_start3A_69 : memref<80x128xi32, #tpu.memory_space<hbm>>) target(%arg7 : memref<80x128xi32, #tpu.memory_space<vmem>>) target_semaphore(%run_scoped3A_65 : memref<!tpu.dma_semaphore, #tpu.memory_space<semaphore_mem>>)
      %dma_wait3A_70 = arith.constant 0 : i32
      %dma_wait3A_71 = tpu.memref_slice %arg3[%mul3A_2, %dma_wait3A_70] : memref<2560x128xi32, #tpu.memory_space<hbm>> -> memref<80x128xi32, #tpu.memory_space<hbm>>
      %dma_wait3A_72 = arith.constant 0 : i32
      %dma_wait3A_73 = tpu.memref_slice %arg3[%mul3A_2, %dma_wait3A_72] : memref<2560x128xi32, #tpu.memory_space<hbm>> -> memref<80x128xi32, #tpu.memory_space<hbm>>
      tpu.wait_dma2 semaphore(%run_scoped3A_65 : memref<!tpu.dma_semaphore, #tpu.memory_space<semaphore_mem>>) src(%dma_wait3A_73 : memref<80x128xi32, #tpu.memory_space<hbm>>) dst(%arg7 : memref<80x128xi32, #tpu.memory_space<vmem>>)
      tpu.yield
    }) : () -> ()
    %mul3A_3 = arith.constant 80 : i32
    %mul3A_4 = arith.muli %add3A, %mul3A_3 : i32
    "tpu.region"() ({
      %run_scoped3A_65 = tpu.sem_alloc : memref<!tpu.dma_semaphore, #tpu.memory_space<semaphore_mem>>
      %dma_start3A_66 = arith.constant 0 : i32
      %dma_start3A_67 = tpu.memref_slice %arg4[%mul3A_4, %dma_start3A_66] : memref<2560x128xi32, #tpu.memory_space<hbm>> -> memref<80x128xi32, #tpu.memory_space<hbm>>
      %dma_start3A_68 = arith.constant 0 : i32
      %dma_start3A_69 = tpu.memref_slice %arg4[%mul3A_4, %dma_start3A_68] : memref<2560x128xi32, #tpu.memory_space<hbm>> -> memref<80x128xi32, #tpu.memory_space<hbm>>
      tpu.enqueue_dma source(%dma_start3A_69 : memref<80x128xi32, #tpu.memory_space<hbm>>) target(%arg8 : memref<80x128xi32, #tpu.memory_space<vmem>>) target_semaphore(%run_scoped3A_65 : memref<!tpu.dma_semaphore, #tpu.memory_space<semaphore_mem>>)
      %dma_wait3A_70 = arith.constant 0 : i32
      %dma_wait3A_71 = tpu.memref_slice %arg4[%mul3A_4, %dma_wait3A_70] : memref<2560x128xi32, #tpu.memory_space<hbm>> -> memref<80x128xi32, #tpu.memory_space<hbm>>
      %dma_wait3A_72 = arith.constant 0 : i32
      %dma_wait3A_73 = tpu.memref_slice %arg4[%mul3A_4, %dma_wait3A_72] : memref<2560x128xi32, #tpu.memory_space<hbm>> -> memref<80x128xi32, #tpu.memory_space<hbm>>
      tpu.wait_dma2 semaphore(%run_scoped3A_65 : memref<!tpu.dma_semaphore, #tpu.memory_space<semaphore_mem>>) src(%dma_wait3A_73 : memref<80x128xi32, #tpu.memory_space<hbm>>) dst(%arg8 : memref<80x128xi32, #tpu.memory_space<vmem>>)
      tpu.yield
    }) : () -> ()
    "tpu.region"() ({
      %run_scoped3A_65 = tpu.sem_alloc : memref<!tpu.dma_semaphore, #tpu.memory_space<semaphore_mem>>
      tpu.enqueue_dma source(%arg5 : memref<128x16xf32, #tpu.memory_space<hbm>>) target(%arg10 : memref<128x16xf32, #tpu.memory_space<vmem>>) target_semaphore(%run_scoped3A_65 : memref<!tpu.dma_semaphore, #tpu.memory_space<semaphore_mem>>)
      tpu.wait_dma2 semaphore(%run_scoped3A_65 : memref<!tpu.dma_semaphore, #tpu.memory_space<semaphore_mem>>) src(%arg5 : memref<128x16xf32, #tpu.memory_space<hbm>>) dst(%arg10 : memref<128x16xf32, #tpu.memory_space<vmem>>)
      tpu.yield
    }) : () -> ()
    %mul3A_5 = arith.constant 632 : i32
    %mul3A_6 = arith.muli %arg1, %mul3A_5 : i32
    %scan3A = arith.constant 0 : i32
    %scan3A_7 = arith.constant 4 : i32
    %scan3A_8 = arith.addi %scan3A, %scan3A_7 : i32
    %scan3A_9 = arith.constant 1 : i32
    scf.for %scan3A_65 = %scan3A to %scan3A_8 step %scan3A_9  : i32 {
      %mul3A_66 = arith.constant 1 : i32
      %mul3A_67 = arith.muli %scan3A_65, %mul3A_66 : i32
      %add3A_68 = arith.constant 0 : i32
      %add3A_69 = arith.addi %add3A_68, %mul3A_67 : i32
      %mul3A_70 = arith.constant 128 : i32
      %mul3A_71 = arith.muli %add3A_69, %mul3A_70 : i32
      %add3A_72 = arith.addi %mul3A_6, %mul3A_71 : i32
      "tpu.region"() ({
        %run_scoped3A_73 = tpu.sem_alloc : memref<!tpu.dma_semaphore, #tpu.memory_space<semaphore_mem>>
        %dma_start3A_74 = arith.constant 0 : i32
        %dma_start3A_75 = tpu.memref_slice %arg11[%add3A_72, %dma_start3A_74] : memref<10112x16xf32, #tpu.memory_space<vmem_shared>> -> memref<128x16xf32, #tpu.memory_space<vmem_shared>>
        %dma_start3A_76 = arith.constant 0 : i32
        %dma_start3A_77 = tpu.memref_slice %arg11[%add3A_72, %dma_start3A_76] : memref<10112x16xf32, #tpu.memory_space<vmem_shared>> -> memref<128x16xf32, #tpu.memory_space<vmem_shared>>
        tpu.enqueue_dma source(%arg10 : memref<128x16xf32, #tpu.memory_space<vmem>>) target(%dma_start3A_77 : memref<128x16xf32, #tpu.memory_space<vmem_shared>>) target_semaphore(%run_scoped3A_73 : memref<!tpu.dma_semaphore, #tpu.memory_space<semaphore_mem>>)
        %dma_wait3A_78 = arith.constant 0 : i32
        %dma_wait3A_79 = tpu.memref_slice %arg11[%add3A_72, %dma_wait3A_78] : memref<10112x16xf32, #tpu.memory_space<vmem_shared>> -> memref<128x16xf32, #tpu.memory_space<vmem_shared>>
        %dma_wait3A_80 = arith.constant 0 : i32
        %dma_wait3A_81 = tpu.memref_slice %arg11[%add3A_72, %dma_wait3A_80] : memref<10112x16xf32, #tpu.memory_space<vmem_shared>> -> memref<128x16xf32, #tpu.memory_space<vmem_shared>>
        tpu.wait_dma2 semaphore(%run_scoped3A_73 : memref<!tpu.dma_semaphore, #tpu.memory_space<semaphore_mem>>) src(%arg10 : memref<128x16xf32, #tpu.memory_space<vmem>>) dst(%dma_wait3A_81 : memref<128x16xf32, #tpu.memory_space<vmem_shared>>)
        tpu.yield
      }) : () -> ()
    }
    %scan3A_10 = arith.constant 4 : i32
    %add3A_11 = arith.constant 512 : i32
    %add3A_12 = arith.addi %mul3A_6, %add3A_11 : i32
    "tpu.region"() ({
      %run_scoped3A_65 = tpu.sem_alloc : memref<!tpu.dma_semaphore, #tpu.memory_space<semaphore_mem>>
      %dma_start3A_66 = arith.constant 0 : i32
      %dma_start3A_67 = arith.constant 0 : i32
      %dma_start3A_68 = tpu.memref_slice %arg10[%dma_start3A_66, %dma_start3A_67] : memref<128x16xf32, #tpu.memory_space<vmem>> -> memref<120x16xf32, #tpu.memory_space<vmem>>
      %dma_start3A_69 = arith.constant 0 : i32
      %dma_start3A_70 = tpu.memref_slice %arg11[%add3A_12, %dma_start3A_69] : memref<10112x16xf32, #tpu.memory_space<vmem_shared>> -> memref<120x16xf32, #tpu.memory_space<vmem_shared>>
      %dma_start3A_71 = arith.constant 0 : i32
      %dma_start3A_72 = tpu.memref_slice %arg11[%add3A_12, %dma_start3A_71] : memref<10112x16xf32, #tpu.memory_space<vmem_shared>> -> memref<120x16xf32, #tpu.memory_space<vmem_shared>>
      %dma_start3A_73 = arith.constant 0 : i32
      %dma_start3A_74 = arith.constant 0 : i32
      %dma_start3A_75 = tpu.memref_slice %arg10[%dma_start3A_73, %dma_start3A_74] : memref<128x16xf32, #tpu.memory_space<vmem>> -> memref<120x16xf32, #tpu.memory_space<vmem>>
      tpu.enqueue_dma source(%dma_start3A_75 : memref<120x16xf32, #tpu.memory_space<vmem>>) target(%dma_start3A_72 : memref<120x16xf32, #tpu.memory_space<vmem_shared>>) target_semaphore(%run_scoped3A_65 : memref<!tpu.dma_semaphore, #tpu.memory_space<semaphore_mem>>)
      %dma_wait3A_76 = arith.constant 0 : i32
      %dma_wait3A_77 = arith.constant 0 : i32
      %dma_wait3A_78 = tpu.memref_slice %arg10[%dma_wait3A_76, %dma_wait3A_77] : memref<128x16xf32, #tpu.memory_space<vmem>> -> memref<120x16xf32, #tpu.memory_space<vmem>>
      %dma_wait3A_79 = arith.constant 0 : i32
      %dma_wait3A_80 = tpu.memref_slice %arg11[%add3A_12, %dma_wait3A_79] : memref<10112x16xf32, #tpu.memory_space<vmem_shared>> -> memref<120x16xf32, #tpu.memory_space<vmem_shared>>
      %dma_wait3A_81 = arith.constant 0 : i32
      %dma_wait3A_82 = tpu.memref_slice %arg11[%add3A_12, %dma_wait3A_81] : memref<10112x16xf32, #tpu.memory_space<vmem_shared>> -> memref<120x16xf32, #tpu.memory_space<vmem_shared>>
      %dma_wait3A_83 = arith.constant 0 : i32
      %dma_wait3A_84 = arith.constant 0 : i32
      %dma_wait3A_85 = tpu.memref_slice %arg10[%dma_wait3A_83, %dma_wait3A_84] : memref<128x16xf32, #tpu.memory_space<vmem>> -> memref<120x16xf32, #tpu.memory_space<vmem>>
      tpu.wait_dma2 semaphore(%run_scoped3A_65 : memref<!tpu.dma_semaphore, #tpu.memory_space<semaphore_mem>>) src(%dma_wait3A_85 : memref<120x16xf32, #tpu.memory_space<vmem>>) dst(%dma_wait3A_82 : memref<120x16xf32, #tpu.memory_space<vmem_shared>>)
      tpu.yield
    }) : () -> ()
    %barrier3A = arith.constant 0 : index
    tpu.barrier barrier_id(%barrier3A)
    %delay3A = arith.constant 20000 : i32
    tpu.delay %delay3A
    %barrier3A_13 = arith.constant 0 : index
    tpu.barrier barrier_id(%barrier3A_13)
    %dma_start3A = arith.constant 0 : i32
    %dma_start3A_14 = arith.constant 0 : i32
    %dma_start3A_15 = arith.constant 0 : i32
    %dma_start3A_16 = arith.constant 0 : i32
    %dma_start3A_17 = tpu.memref_slice %arg9[%dma_start3A_14, %dma_start3A_15, %dma_start3A_16] : memref<2x128x16xf32, #tpu.memory_space<vmem>> -> memref<1x128x16xf32, #tpu.memory_space<vmem>>
    %dma_start3A_18 = tpu.memref_squeeze %dma_start3A_17 : memref<1x128x16xf32, #tpu.memory_space<vmem>> -> memref<128x16xf32, #tpu.memory_space<vmem>>
    %dma_start3A_19 = arith.constant 0 : i32
    %dma_start3A_20 = tpu.memref_slice %arg7[%dma_start3A, %dma_start3A_19] : memref<80x128xi32, #tpu.memory_space<vmem>> -> memref<1x128xi32, #tpu.memory_space<vmem>>
    %dma_start3A_21 = tpu.memref_squeeze %dma_start3A_20 : memref<1x128xi32, #tpu.memory_space<vmem>> -> memref<128xi32, #tpu.memory_space<vmem>>
    %dma_start3A_22 = arith.constant 0 : i32
    %dma_start3A_23 = arith.constant 0 : i32
    %dma_start3A_24 = tpu.memref_slice %arg2[%dma_start3A_22, %dma_start3A_23] : memref<10112x16xf32, #tpu.memory_space<hbm>> -> memref<10112x16xf32, #tpu.memory_space<hbm>>
    tpu.enqueue_indirect_dma source(%dma_start3A_24 : memref<10112x16xf32, #tpu.memory_space<hbm>>) target(%dma_start3A_18 : memref<128x16xf32, #tpu.memory_space<vmem>>) offsets(%dma_start3A_21 : memref<128xi32, #tpu.memory_space<vmem>>) semaphore(%arg12 : memref<!tpu.dma_semaphore, #tpu.memory_space<semaphore_mem>>)
    %scan3A_25 = arith.constant 0 : i32
    %scan3A_26 = arith.constant 40 : i32
    %scan3A_27 = arith.addi %scan3A_25, %scan3A_26 : i32
    %scan3A_28 = arith.constant 1 : i32
    scf.for %scan3A_65 = %scan3A_25 to %scan3A_27 step %scan3A_28  : i32 {
      %mul3A_66 = arith.constant 1 : i32
      %mul3A_67 = arith.muli %scan3A_65, %mul3A_66 : i32
      %add3A_68 = arith.constant 0 : i32
      %add3A_69 = arith.addi %add3A_68, %mul3A_67 : i32
      %mul3A_70 = arith.constant 2 : i32
      %mul3A_71 = arith.muli %add3A_69, %mul3A_70 : i32
      %add3A_72 = arith.constant 0 : i32
      %add3A_73 = arith.addi %mul3A_71, %add3A_72 : i32
      %add3A_74 = arith.constant 1 : i32
      %add3A_75 = arith.addi %add3A_73, %add3A_74 : i32
      %rem3A = arith.constant 80 : i32
      %rem3A_76 = arith.remsi %add3A_75, %rem3A : i32
      %dma_start3A_77 = arith.constant 1 : i32
      %dma_start3A_78 = arith.constant 0 : i32
      %dma_start3A_79 = arith.constant 0 : i32
      %dma_start3A_80 = tpu.memref_slice %arg9[%dma_start3A_77, %dma_start3A_78, %dma_start3A_79] : memref<2x128x16xf32, #tpu.memory_space<vmem>> -> memref<1x128x16xf32, #tpu.memory_space<vmem>>
      %dma_start3A_81 = tpu.memref_squeeze %dma_start3A_80 : memref<1x128x16xf32, #tpu.memory_space<vmem>> -> memref<128x16xf32, #tpu.memory_space<vmem>>
      %dma_start3A_82 = arith.constant 0 : i32
      %dma_start3A_83 = tpu.memref_slice %arg7[%rem3A_76, %dma_start3A_82] : memref<80x128xi32, #tpu.memory_space<vmem>> -> memref<1x128xi32, #tpu.memory_space<vmem>>
      %dma_start3A_84 = tpu.memref_squeeze %dma_start3A_83 : memref<1x128xi32, #tpu.memory_space<vmem>> -> memref<128xi32, #tpu.memory_space<vmem>>
      %dma_start3A_85 = arith.constant 0 : i32
      %dma_start3A_86 = arith.constant 0 : i32
      %dma_start3A_87 = tpu.memref_slice %arg2[%dma_start3A_85, %dma_start3A_86] : memref<10112x16xf32, #tpu.memory_space<hbm>> -> memref<10112x16xf32, #tpu.memory_space<hbm>>
      tpu.enqueue_indirect_dma source(%dma_start3A_87 : memref<10112x16xf32, #tpu.memory_space<hbm>>) target(%dma_start3A_81 : memref<128x16xf32, #tpu.memory_space<vmem>>) offsets(%dma_start3A_84 : memref<128xi32, #tpu.memory_space<vmem>>) semaphore(%arg13 : memref<!tpu.dma_semaphore, #tpu.memory_space<semaphore_mem>>)
      %dma_wait3A_88 = arith.constant 0 : i32
      %dma_wait3A_89 = arith.constant 0 : i32
      %dma_wait3A_90 = arith.constant 0 : i32
      %dma_wait3A_91 = tpu.memref_slice %arg9[%dma_wait3A_88, %dma_wait3A_89, %dma_wait3A_90] : memref<2x128x16xf32, #tpu.memory_space<vmem>> -> memref<1x128x16xf32, #tpu.memory_space<vmem>>
      %dma_wait3A_92 = tpu.memref_squeeze %dma_wait3A_91 : memref<1x128x16xf32, #tpu.memory_space<vmem>> -> memref<128x16xf32, #tpu.memory_space<vmem>>
      %dma_wait3A_93 = arith.constant 0 : i32
      %dma_wait3A_94 = tpu.memref_slice %arg7[%add3A_73, %dma_wait3A_93] : memref<80x128xi32, #tpu.memory_space<vmem>> -> memref<1x128xi32, #tpu.memory_space<vmem>>
      %dma_wait3A_95 = tpu.memref_squeeze %dma_wait3A_94 : memref<1x128xi32, #tpu.memory_space<vmem>> -> memref<128xi32, #tpu.memory_space<vmem>>
      %dma_wait3A_96 = arith.constant 0 : i32
      %dma_wait3A_97 = arith.constant 0 : i32
      %dma_wait3A_98 = tpu.memref_slice %arg2[%dma_wait3A_96, %dma_wait3A_97] : memref<10112x16xf32, #tpu.memory_space<hbm>> -> memref<10112x16xf32, #tpu.memory_space<hbm>>
      tpu.wait_indirect_dma semaphore(%arg12 : memref<!tpu.dma_semaphore, #tpu.memory_space<semaphore_mem>>) src(%dma_wait3A_98 : memref<10112x16xf32, #tpu.memory_space<hbm>>) dst(%dma_wait3A_92 : memref<128x16xf32, #tpu.memory_space<vmem>>)
      %run_scoped3A_99 = arith.constant 0 : i32
      "tpu.region"() ({
        %run_scoped3A_131 = tpu.sem_alloc : memref<!tpu.dma_semaphore, #tpu.memory_space<semaphore_mem>>
        %dma_start3A_132 = arith.constant 0 : i32
        %dma_start3A_133 = arith.constant 0 : i32
        %dma_start3A_134 = tpu.memref_slice %arg9[%run_scoped3A_99, %dma_start3A_132, %dma_start3A_133] : memref<2x128x16xf32, #tpu.memory_space<vmem>> -> memref<1x128x16xf32, #tpu.memory_space<vmem>>
        %dma_start3A_135 = tpu.memref_squeeze %dma_start3A_134 : memref<1x128x16xf32, #tpu.memory_space<vmem>> -> memref<128x16xf32, #tpu.memory_space<vmem>>
        %dma_start3A_136 = arith.constant 0 : i32
        %dma_start3A_137 = tpu.memref_slice %arg8[%add3A_73, %dma_start3A_136] : memref<80x128xi32, #tpu.memory_space<vmem>> -> memref<1x128xi32, #tpu.memory_space<vmem>>
        %dma_start3A_138 = tpu.memref_squeeze %dma_start3A_137 : memref<1x128xi32, #tpu.memory_space<vmem>> -> memref<128xi32, #tpu.memory_space<vmem>>
        %dma_start3A_139 = arith.constant 0 : i32
        %dma_start3A_140 = arith.constant 0 : i32
        %dma_start3A_141 = tpu.memref_slice %arg11[%dma_start3A_139, %dma_start3A_140] : memref<10112x16xf32, #tpu.memory_space<vmem_shared>> -> memref<10112x16xf32, #tpu.memory_space<vmem_shared>>
        tpu.enqueue_indirect_dma source(%dma_start3A_135 : memref<128x16xf32, #tpu.memory_space<vmem>>) target(%dma_start3A_141 : memref<10112x16xf32, #tpu.memory_space<vmem_shared>>) offsets(%dma_start3A_138 : memref<128xi32, #tpu.memory_space<vmem>>) semaphore(%run_scoped3A_131 : memref<!tpu.dma_semaphore, #tpu.memory_space<semaphore_mem>>) {add = true}
        %dma_wait3A_142 = arith.constant 0 : i32
        %dma_wait3A_143 = arith.constant 0 : i32
        %dma_wait3A_144 = tpu.memref_slice %arg9[%run_scoped3A_99, %dma_wait3A_142, %dma_wait3A_143] : memref<2x128x16xf32, #tpu.memory_space<vmem>> -> memref<1x128x16xf32, #tpu.memory_space<vmem>>
        %dma_wait3A_145 = tpu.memref_squeeze %dma_wait3A_144 : memref<1x128x16xf32, #tpu.memory_space<vmem>> -> memref<128x16xf32, #tpu.memory_space<vmem>>
        %dma_wait3A_146 = arith.constant 0 : i32
        %dma_wait3A_147 = tpu.memref_slice %arg8[%add3A_73, %dma_wait3A_146] : memref<80x128xi32, #tpu.memory_space<vmem>> -> memref<1x128xi32, #tpu.memory_space<vmem>>
        %dma_wait3A_148 = tpu.memref_squeeze %dma_wait3A_147 : memref<1x128xi32, #tpu.memory_space<vmem>> -> memref<128xi32, #tpu.memory_space<vmem>>
        %dma_wait3A_149 = arith.constant 0 : i32
        %dma_wait3A_150 = arith.constant 0 : i32
        %dma_wait3A_151 = tpu.memref_slice %arg11[%dma_wait3A_149, %dma_wait3A_150] : memref<10112x16xf32, #tpu.memory_space<vmem_shared>> -> memref<10112x16xf32, #tpu.memory_space<vmem_shared>>
        tpu.wait_indirect_dma semaphore(%run_scoped3A_131 : memref<!tpu.dma_semaphore, #tpu.memory_space<semaphore_mem>>) src(%dma_wait3A_145 : memref<128x16xf32, #tpu.memory_space<vmem>>) dst(%dma_wait3A_151 : memref<10112x16xf32, #tpu.memory_space<vmem_shared>>)
        tpu.yield
      }) : () -> ()
      %mul3A_100 = arith.constant 2 : i32
      %mul3A_101 = arith.muli %add3A_69, %mul3A_100 : i32
      %add3A_102 = arith.constant 1 : i32
      %add3A_103 = arith.addi %mul3A_101, %add3A_102 : i32
      %add3A_104 = arith.constant 1 : i32
      %add3A_105 = arith.addi %add3A_103, %add3A_104 : i32
      %rem3A_106 = arith.constant 80 : i32
      %rem3A_107 = arith.remsi %add3A_105, %rem3A_106 : i32
      %dma_start3A_108 = arith.constant 0 : i32
      %dma_start3A_109 = arith.constant 0 : i32
      %dma_start3A_110 = arith.constant 0 : i32
      %dma_start3A_111 = tpu.memref_slice %arg9[%dma_start3A_108, %dma_start3A_109, %dma_start3A_110] : memref<2x128x16xf32, #tpu.memory_space<vmem>> -> memref<1x128x16xf32, #tpu.memory_space<vmem>>
      %dma_start3A_112 = tpu.memref_squeeze %dma_start3A_111 : memref<1x128x16xf32, #tpu.memory_space<vmem>> -> memref<128x16xf32, #tpu.memory_space<vmem>>
      %dma_start3A_113 = arith.constant 0 : i32
      %dma_start3A_114 = tpu.memref_slice %arg7[%rem3A_107, %dma_start3A_113] : memref<80x128xi32, #tpu.memory_space<vmem>> -> memref<1x128xi32, #tpu.memory_space<vmem>>
      %dma_start3A_115 = tpu.memref_squeeze %dma_start3A_114 : memref<1x128xi32, #tpu.memory_space<vmem>> -> memref<128xi32, #tpu.memory_space<vmem>>
      %dma_start3A_116 = arith.constant 0 : i32
      %dma_start3A_117 = arith.constant 0 : i32
      %dma_start3A_118 = tpu.memref_slice %arg2[%dma_start3A_116, %dma_start3A_117] : memref<10112x16xf32, #tpu.memory_space<hbm>> -> memref<10112x16xf32, #tpu.memory_space<hbm>>
      tpu.enqueue_indirect_dma source(%dma_start3A_118 : memref<10112x16xf32, #tpu.memory_space<hbm>>) target(%dma_start3A_112 : memref<128x16xf32, #tpu.memory_space<vmem>>) offsets(%dma_start3A_115 : memref<128xi32, #tpu.memory_space<vmem>>) semaphore(%arg12 : memref<!tpu.dma_semaphore, #tpu.memory_space<semaphore_mem>>)
      %dma_wait3A_119 = arith.constant 1 : i32
      %dma_wait3A_120 = arith.constant 0 : i32
      %dma_wait3A_121 = arith.constant 0 : i32
      %dma_wait3A_122 = tpu.memref_slice %arg9[%dma_wait3A_119, %dma_wait3A_120, %dma_wait3A_121] : memref<2x128x16xf32, #tpu.memory_space<vmem>> -> memref<1x128x16xf32, #tpu.memory_space<vmem>>
      %dma_wait3A_123 = tpu.memref_squeeze %dma_wait3A_122 : memref<1x128x16xf32, #tpu.memory_space<vmem>> -> memref<128x16xf32, #tpu.memory_space<vmem>>
      %dma_wait3A_124 = arith.constant 0 : i32
      %dma_wait3A_125 = tpu.memref_slice %arg7[%add3A_103, %dma_wait3A_124] : memref<80x128xi32, #tpu.memory_space<vmem>> -> memref<1x128xi32, #tpu.memory_space<vmem>>
      %dma_wait3A_126 = tpu.memref_squeeze %dma_wait3A_125 : memref<1x128xi32, #tpu.memory_space<vmem>> -> memref<128xi32, #tpu.memory_space<vmem>>
      %dma_wait3A_127 = arith.constant 0 : i32
      %dma_wait3A_128 = arith.constant 0 : i32
      %dma_wait3A_129 = tpu.memref_slice %arg2[%dma_wait3A_127, %dma_wait3A_128] : memref<10112x16xf32, #tpu.memory_space<hbm>> -> memref<10112x16xf32, #tpu.memory_space<hbm>>
      tpu.wait_indirect_dma semaphore(%arg13 : memref<!tpu.dma_semaphore, #tpu.memory_space<semaphore_mem>>) src(%dma_wait3A_129 : memref<10112x16xf32, #tpu.memory_space<hbm>>) dst(%dma_wait3A_123 : memref<128x16xf32, #tpu.memory_space<vmem>>)
      %run_scoped3A_130 = arith.constant 1 : i32
      "tpu.region"() ({
        %run_scoped3A_131 = tpu.sem_alloc : memref<!tpu.dma_semaphore, #tpu.memory_space<semaphore_mem>>
        %dma_start3A_132 = arith.constant 0 : i32
        %dma_start3A_133 = arith.constant 0 : i32
        %dma_start3A_134 = tpu.memref_slice %arg9[%run_scoped3A_130, %dma_start3A_132, %dma_start3A_133] : memref<2x128x16xf32, #tpu.memory_space<vmem>> -> memref<1x128x16xf32, #tpu.memory_space<vmem>>
        %dma_start3A_135 = tpu.memref_squeeze %dma_start3A_134 : memref<1x128x16xf32, #tpu.memory_space<vmem>> -> memref<128x16xf32, #tpu.memory_space<vmem>>
        %dma_start3A_136 = arith.constant 0 : i32
        %dma_start3A_137 = tpu.memref_slice %arg8[%add3A_103, %dma_start3A_136] : memref<80x128xi32, #tpu.memory_space<vmem>> -> memref<1x128xi32, #tpu.memory_space<vmem>>
        %dma_start3A_138 = tpu.memref_squeeze %dma_start3A_137 : memref<1x128xi32, #tpu.memory_space<vmem>> -> memref<128xi32, #tpu.memory_space<vmem>>
        %dma_start3A_139 = arith.constant 0 : i32
        %dma_start3A_140 = arith.constant 0 : i32
        %dma_start3A_141 = tpu.memref_slice %arg11[%dma_start3A_139, %dma_start3A_140] : memref<10112x16xf32, #tpu.memory_space<vmem_shared>> -> memref<10112x16xf32, #tpu.memory_space<vmem_shared>>
        tpu.enqueue_indirect_dma source(%dma_start3A_135 : memref<128x16xf32, #tpu.memory_space<vmem>>) target(%dma_start3A_141 : memref<10112x16xf32, #tpu.memory_space<vmem_shared>>) offsets(%dma_start3A_138 : memref<128xi32, #tpu.memory_space<vmem>>) semaphore(%run_scoped3A_131 : memref<!tpu.dma_semaphore, #tpu.memory_space<semaphore_mem>>) {add = true}
        %dma_wait3A_142 = arith.constant 0 : i32
        %dma_wait3A_143 = arith.constant 0 : i32
        %dma_wait3A_144 = tpu.memref_slice %arg9[%run_scoped3A_130, %dma_wait3A_142, %dma_wait3A_143] : memref<2x128x16xf32, #tpu.memory_space<vmem>> -> memref<1x128x16xf32, #tpu.memory_space<vmem>>
        %dma_wait3A_145 = tpu.memref_squeeze %dma_wait3A_144 : memref<1x128x16xf32, #tpu.memory_space<vmem>> -> memref<128x16xf32, #tpu.memory_space<vmem>>
        %dma_wait3A_146 = arith.constant 0 : i32
        %dma_wait3A_147 = tpu.memref_slice %arg8[%add3A_103, %dma_wait3A_146] : memref<80x128xi32, #tpu.memory_space<vmem>> -> memref<1x128xi32, #tpu.memory_space<vmem>>
        %dma_wait3A_148 = tpu.memref_squeeze %dma_wait3A_147 : memref<1x128xi32, #tpu.memory_space<vmem>> -> memref<128xi32, #tpu.memory_space<vmem>>
        %dma_wait3A_149 = arith.constant 0 : i32
        %dma_wait3A_150 = arith.constant 0 : i32
        %dma_wait3A_151 = tpu.memref_slice %arg11[%dma_wait3A_149, %dma_wait3A_150] : memref<10112x16xf32, #tpu.memory_space<vmem_shared>> -> memref<10112x16xf32, #tpu.memory_space<vmem_shared>>
        tpu.wait_indirect_dma semaphore(%run_scoped3A_131 : memref<!tpu.dma_semaphore, #tpu.memory_space<semaphore_mem>>) src(%dma_wait3A_145 : memref<128x16xf32, #tpu.memory_space<vmem>>) dst(%dma_wait3A_151 : memref<10112x16xf32, #tpu.memory_space<vmem_shared>>)
        tpu.yield
      }) : () -> ()
    }
    %scan3A_29 = arith.constant 40 : i32
    %dma_wait3A = arith.constant 0 : i32
    %dma_wait3A_30 = arith.constant 0 : i32
    %dma_wait3A_31 = arith.constant 0 : i32
    %dma_wait3A_32 = arith.constant 0 : i32
    %dma_wait3A_33 = tpu.memref_slice %arg9[%dma_wait3A_30, %dma_wait3A_31, %dma_wait3A_32] : memref<2x128x16xf32, #tpu.memory_space<vmem>> -> memref<1x128x16xf32, #tpu.memory_space<vmem>>
    %dma_wait3A_34 = tpu.memref_squeeze %dma_wait3A_33 : memref<1x128x16xf32, #tpu.memory_space<vmem>> -> memref<128x16xf32, #tpu.memory_space<vmem>>
    %dma_wait3A_35 = arith.constant 0 : i32
    %dma_wait3A_36 = tpu.memref_slice %arg7[%dma_wait3A, %dma_wait3A_35] : memref<80x128xi32, #tpu.memory_space<vmem>> -> memref<1x128xi32, #tpu.memory_space<vmem>>
    %dma_wait3A_37 = tpu.memref_squeeze %dma_wait3A_36 : memref<1x128xi32, #tpu.memory_space<vmem>> -> memref<128xi32, #tpu.memory_space<vmem>>
    %dma_wait3A_38 = arith.constant 0 : i32
    %dma_wait3A_39 = arith.constant 0 : i32
    %dma_wait3A_40 = tpu.memref_slice %arg2[%dma_wait3A_38, %dma_wait3A_39] : memref<10112x16xf32, #tpu.memory_space<hbm>> -> memref<10112x16xf32, #tpu.memory_space<hbm>>
    tpu.wait_indirect_dma semaphore(%arg12 : memref<!tpu.dma_semaphore, #tpu.memory_space<semaphore_mem>>) src(%dma_wait3A_40 : memref<10112x16xf32, #tpu.memory_space<hbm>>) dst(%dma_wait3A_34 : memref<128x16xf32, #tpu.memory_space<vmem>>)
    %barrier3A_41 = arith.constant 0 : index
    tpu.barrier barrier_id(%barrier3A_41)
    %scan3A_42 = arith.constant 0 : i32
    %scan3A_43 = arith.constant 4 : i32
    %scan3A_44 = arith.addi %scan3A_42, %scan3A_43 : i32
    %scan3A_45 = arith.constant 1 : i32
    scf.for %scan3A_65 = %scan3A_42 to %scan3A_44 step %scan3A_45  : i32 {
      %mul3A_66 = arith.constant 1 : i32
      %mul3A_67 = arith.muli %scan3A_65, %mul3A_66 : i32
      %add3A_68 = arith.constant 0 : i32
      %add3A_69 = arith.addi %add3A_68, %mul3A_67 : i32
      %mul3A_70 = arith.constant 128 : i32
      %mul3A_71 = arith.muli %add3A_69, %mul3A_70 : i32
      %add3A_72 = arith.addi %mul3A_6, %mul3A_71 : i32
      %run_scoped3A_73 = arith.constant 0 : i32
      "tpu.region"() ({
        %run_scoped3A_78 = tpu.sem_alloc : memref<!tpu.dma_semaphore, #tpu.memory_space<semaphore_mem>>
        %dma_start3A_79 = arith.constant 0 : i32
        %dma_start3A_80 = arith.constant 0 : i32
        %dma_start3A_81 = tpu.memref_slice %arg9[%run_scoped3A_73, %dma_start3A_79, %dma_start3A_80] : memref<2x128x16xf32, #tpu.memory_space<vmem>> -> memref<1x128x16xf32, #tpu.memory_space<vmem>>
        %dma_start3A_82 = tpu.memref_squeeze %dma_start3A_81 : memref<1x128x16xf32, #tpu.memory_space<vmem>> -> memref<128x16xf32, #tpu.memory_space<vmem>>
        %dma_start3A_83 = arith.constant 0 : i32
        %dma_start3A_84 = tpu.memref_slice %arg11[%add3A_72, %dma_start3A_83] : memref<10112x16xf32, #tpu.memory_space<vmem_shared>> -> memref<128x16xf32, #tpu.memory_space<vmem_shared>>
        %dma_start3A_85 = arith.constant 0 : i32
        %dma_start3A_86 = arith.constant 0 : i32
        %dma_start3A_87 = tpu.memref_slice %arg9[%run_scoped3A_73, %dma_start3A_85, %dma_start3A_86] : memref<2x128x16xf32, #tpu.memory_space<vmem>> -> memref<1x128x16xf32, #tpu.memory_space<vmem>>
        %dma_start3A_88 = tpu.memref_squeeze %dma_start3A_87 : memref<1x128x16xf32, #tpu.memory_space<vmem>> -> memref<128x16xf32, #tpu.memory_space<vmem>>
        %dma_start3A_89 = arith.constant 0 : i32
        %dma_start3A_90 = tpu.memref_slice %arg11[%add3A_72, %dma_start3A_89] : memref<10112x16xf32, #tpu.memory_space<vmem_shared>> -> memref<128x16xf32, #tpu.memory_space<vmem_shared>>
        tpu.enqueue_dma source(%dma_start3A_90 : memref<128x16xf32, #tpu.memory_space<vmem_shared>>) target(%dma_start3A_88 : memref<128x16xf32, #tpu.memory_space<vmem>>) target_semaphore(%run_scoped3A_78 : memref<!tpu.dma_semaphore, #tpu.memory_space<semaphore_mem>>)
        %dma_wait3A_91 = arith.constant 0 : i32
        %dma_wait3A_92 = arith.constant 0 : i32
        %dma_wait3A_93 = tpu.memref_slice %arg9[%run_scoped3A_73, %dma_wait3A_91, %dma_wait3A_92] : memref<2x128x16xf32, #tpu.memory_space<vmem>> -> memref<1x128x16xf32, #tpu.memory_space<vmem>>
        %dma_wait3A_94 = tpu.memref_squeeze %dma_wait3A_93 : memref<1x128x16xf32, #tpu.memory_space<vmem>> -> memref<128x16xf32, #tpu.memory_space<vmem>>
        %dma_wait3A_95 = arith.constant 0 : i32
        %dma_wait3A_96 = tpu.memref_slice %arg11[%add3A_72, %dma_wait3A_95] : memref<10112x16xf32, #tpu.memory_space<vmem_shared>> -> memref<128x16xf32, #tpu.memory_space<vmem_shared>>
        %dma_wait3A_97 = arith.constant 0 : i32
        %dma_wait3A_98 = arith.constant 0 : i32
        %dma_wait3A_99 = tpu.memref_slice %arg9[%run_scoped3A_73, %dma_wait3A_97, %dma_wait3A_98] : memref<2x128x16xf32, #tpu.memory_space<vmem>> -> memref<1x128x16xf32, #tpu.memory_space<vmem>>
        %dma_wait3A_100 = tpu.memref_squeeze %dma_wait3A_99 : memref<1x128x16xf32, #tpu.memory_space<vmem>> -> memref<128x16xf32, #tpu.memory_space<vmem>>
        %dma_wait3A_101 = arith.constant 0 : i32
        %dma_wait3A_102 = tpu.memref_slice %arg11[%add3A_72, %dma_wait3A_101] : memref<10112x16xf32, #tpu.memory_space<vmem_shared>> -> memref<128x16xf32, #tpu.memory_space<vmem_shared>>
        tpu.wait_dma2 semaphore(%run_scoped3A_78 : memref<!tpu.dma_semaphore, #tpu.memory_space<semaphore_mem>>) src(%dma_wait3A_102 : memref<128x16xf32, #tpu.memory_space<vmem_shared>>) dst(%dma_wait3A_100 : memref<128x16xf32, #tpu.memory_space<vmem>>)
        tpu.yield
      }) : () -> ()
      %mul3A_74 = arith.constant 128 : i32
      %mul3A_75 = arith.muli %add3A_69, %mul3A_74 : i32
      %add3A_76 = arith.addi %mul3A_6, %mul3A_75 : i32
      %run_scoped3A_77 = arith.constant 0 : i32
      "tpu.region"() ({
        %run_scoped3A_78 = tpu.sem_alloc : memref<!tpu.dma_semaphore, #tpu.memory_space<semaphore_mem>>
        %dma_start3A_79 = arith.constant 0 : i32
        %dma_start3A_80 = arith.constant 0 : i32
        %dma_start3A_81 = tpu.memref_slice %arg9[%run_scoped3A_77, %dma_start3A_79, %dma_start3A_80] : memref<2x128x16xf32, #tpu.memory_space<vmem>> -> memref<1x128x16xf32, #tpu.memory_space<vmem>>
        %dma_start3A_82 = tpu.memref_squeeze %dma_start3A_81 : memref<1x128x16xf32, #tpu.memory_space<vmem>> -> memref<128x16xf32, #tpu.memory_space<vmem>>
        %dma_start3A_83 = arith.constant 0 : i32
        %dma_start3A_84 = tpu.memref_slice %arg6[%arg0, %add3A_76, %dma_start3A_83] : memref<2x10112x16xf32, #tpu.memory_space<hbm>> -> memref<1x128x16xf32, #tpu.memory_space<hbm>>
        %dma_start3A_85 = tpu.memref_squeeze %dma_start3A_84 : memref<1x128x16xf32, #tpu.memory_space<hbm>> -> memref<128x16xf32, #tpu.memory_space<hbm>>
        %dma_start3A_86 = arith.constant 0 : i32
        %dma_start3A_87 = tpu.memref_slice %arg6[%arg0, %add3A_76, %dma_start3A_86] : memref<2x10112x16xf32, #tpu.memory_space<hbm>> -> memref<1x128x16xf32, #tpu.memory_space<hbm>>
        %dma_start3A_88 = tpu.memref_squeeze %dma_start3A_87 : memref<1x128x16xf32, #tpu.memory_space<hbm>> -> memref<128x16xf32, #tpu.memory_space<hbm>>
        %dma_start3A_89 = arith.constant 0 : i32
        %dma_start3A_90 = arith.constant 0 : i32
        %dma_start3A_91 = tpu.memref_slice %arg9[%run_scoped3A_77, %dma_start3A_89, %dma_start3A_90] : memref<2x128x16xf32, #tpu.memory_space<vmem>> -> memref<1x128x16xf32, #tpu.memory_space<vmem>>
        %dma_start3A_92 = tpu.memref_squeeze %dma_start3A_91 : memref<1x128x16xf32, #tpu.memory_space<vmem>> -> memref<128x16xf32, #tpu.memory_space<vmem>>
        tpu.enqueue_dma source(%dma_start3A_92 : memref<128x16xf32, #tpu.memory_space<vmem>>) target(%dma_start3A_88 : memref<128x16xf32, #tpu.memory_space<hbm>>) target_semaphore(%run_scoped3A_78 : memref<!tpu.dma_semaphore, #tpu.memory_space<semaphore_mem>>)
        %dma_wait3A_93 = arith.constant 0 : i32
        %dma_wait3A_94 = arith.constant 0 : i32
        %dma_wait3A_95 = tpu.memref_slice %arg9[%run_scoped3A_77, %dma_wait3A_93, %dma_wait3A_94] : memref<2x128x16xf32, #tpu.memory_space<vmem>> -> memref<1x128x16xf32, #tpu.memory_space<vmem>>
        %dma_wait3A_96 = tpu.memref_squeeze %dma_wait3A_95 : memref<1x128x16xf32, #tpu.memory_space<vmem>> -> memref<128x16xf32, #tpu.memory_space<vmem>>
        %dma_wait3A_97 = arith.constant 0 : i32
        %dma_wait3A_98 = tpu.memref_slice %arg6[%arg0, %add3A_76, %dma_wait3A_97] : memref<2x10112x16xf32, #tpu.memory_space<hbm>> -> memref<1x128x16xf32, #tpu.memory_space<hbm>>
        %dma_wait3A_99 = tpu.memref_squeeze %dma_wait3A_98 : memref<1x128x16xf32, #tpu.memory_space<hbm>> -> memref<128x16xf32, #tpu.memory_space<hbm>>
        %dma_wait3A_100 = arith.constant 0 : i32
        %dma_wait3A_101 = tpu.memref_slice %arg6[%arg0, %add3A_76, %dma_wait3A_100] : memref<2x10112x16xf32, #tpu.memory_space<hbm>> -> memref<1x128x16xf32, #tpu.memory_space<hbm>>
        %dma_wait3A_102 = tpu.memref_squeeze %dma_wait3A_101 : memref<1x128x16xf32, #tpu.memory_space<hbm>> -> memref<128x16xf32, #tpu.memory_space<hbm>>
        %dma_wait3A_103 = arith.constant 0 : i32
        %dma_wait3A_104 = arith.constant 0 : i32
        %dma_wait3A_105 = tpu.memref_slice %arg9[%run_scoped3A_77, %dma_wait3A_103, %dma_wait3A_104] : memref<2x128x16xf32, #tpu.memory_space<vmem>> -> memref<1x128x16xf32, #tpu.memory_space<vmem>>
        %dma_wait3A_106 = tpu.memref_squeeze %dma_wait3A_105 : memref<1x128x16xf32, #tpu.memory_space<vmem>> -> memref<128x16xf32, #tpu.memory_space<vmem>>
        tpu.wait_dma2 semaphore(%run_scoped3A_78 : memref<!tpu.dma_semaphore, #tpu.memory_space<semaphore_mem>>) src(%dma_wait3A_106 : memref<128x16xf32, #tpu.memory_space<vmem>>) dst(%dma_wait3A_102 : memref<128x16xf32, #tpu.memory_space<hbm>>)
        tpu.yield
      }) : () -> ()
    }
    %scan3A_46 = arith.constant 4 : i32
    %add3A_47 = arith.constant 512 : i32
    %add3A_48 = arith.addi %mul3A_6, %add3A_47 : i32
    %run_scoped3A = arith.constant 0 : i32
    "tpu.region"() ({
      %run_scoped3A_65 = tpu.sem_alloc : memref<!tpu.dma_semaphore, #tpu.memory_space<semaphore_mem>>
      %dma_start3A_66 = arith.constant 0 : i32
      %dma_start3A_67 = arith.constant 0 : i32
      %dma_start3A_68 = tpu.memref_slice %arg9[%run_scoped3A, %dma_start3A_66, %dma_start3A_67] : memref<2x128x16xf32, #tpu.memory_space<vmem>> -> memref<1x120x16xf32, #tpu.memory_space<vmem>>
      %dma_start3A_69 = tpu.memref_squeeze %dma_start3A_68 : memref<1x120x16xf32, #tpu.memory_space<vmem>> -> memref<120x16xf32, #tpu.memory_space<vmem>>
      %dma_start3A_70 = arith.constant 0 : i32
      %dma_start3A_71 = tpu.memref_slice %arg11[%add3A_48, %dma_start3A_70] : memref<10112x16xf32, #tpu.memory_space<vmem_shared>> -> memref<120x16xf32, #tpu.memory_space<vmem_shared>>
      %dma_start3A_72 = arith.constant 0 : i32
      %dma_start3A_73 = arith.constant 0 : i32
      %dma_start3A_74 = tpu.memref_slice %arg9[%run_scoped3A, %dma_start3A_72, %dma_start3A_73] : memref<2x128x16xf32, #tpu.memory_space<vmem>> -> memref<1x120x16xf32, #tpu.memory_space<vmem>>
      %dma_start3A_75 = tpu.memref_squeeze %dma_start3A_74 : memref<1x120x16xf32, #tpu.memory_space<vmem>> -> memref<120x16xf32, #tpu.memory_space<vmem>>
      %dma_start3A_76 = arith.constant 0 : i32
      %dma_start3A_77 = tpu.memref_slice %arg11[%add3A_48, %dma_start3A_76] : memref<10112x16xf32, #tpu.memory_space<vmem_shared>> -> memref<120x16xf32, #tpu.memory_space<vmem_shared>>
      tpu.enqueue_dma source(%dma_start3A_77 : memref<120x16xf32, #tpu.memory_space<vmem_shared>>) target(%dma_start3A_75 : memref<120x16xf32, #tpu.memory_space<vmem>>) target_semaphore(%run_scoped3A_65 : memref<!tpu.dma_semaphore, #tpu.memory_space<semaphore_mem>>)
      %dma_wait3A_78 = arith.constant 0 : i32
      %dma_wait3A_79 = arith.constant 0 : i32
      %dma_wait3A_80 = tpu.memref_slice %arg9[%run_scoped3A, %dma_wait3A_78, %dma_wait3A_79] : memref<2x128x16xf32, #tpu.memory_space<vmem>> -> memref<1x120x16xf32, #tpu.memory_space<vmem>>
      %dma_wait3A_81 = tpu.memref_squeeze %dma_wait3A_80 : memref<1x120x16xf32, #tpu.memory_space<vmem>> -> memref<120x16xf32, #tpu.memory_space<vmem>>
      %dma_wait3A_82 = arith.constant 0 : i32
      %dma_wait3A_83 = tpu.memref_slice %arg11[%add3A_48, %dma_wait3A_82] : memref<10112x16xf32, #tpu.memory_space<vmem_shared>> -> memref<120x16xf32, #tpu.memory_space<vmem_shared>>
      %dma_wait3A_84 = arith.constant 0 : i32
      %dma_wait3A_85 = arith.constant 0 : i32
      %dma_wait3A_86 = tpu.memref_slice %arg9[%run_scoped3A, %dma_wait3A_84, %dma_wait3A_85] : memref<2x128x16xf32, #tpu.memory_space<vmem>> -> memref<1x120x16xf32, #tpu.memory_space<vmem>>
      %dma_wait3A_87 = tpu.memref_squeeze %dma_wait3A_86 : memref<1x120x16xf32, #tpu.memory_space<vmem>> -> memref<120x16xf32, #tpu.memory_space<vmem>>
      %dma_wait3A_88 = arith.constant 0 : i32
      %dma_wait3A_89 = tpu.memref_slice %arg11[%add3A_48, %dma_wait3A_88] : memref<10112x16xf32, #tpu.memory_space<vmem_shared>> -> memref<120x16xf32, #tpu.memory_space<vmem_shared>>
      tpu.wait_dma2 semaphore(%run_scoped3A_65 : memref<!tpu.dma_semaphore, #tpu.memory_space<semaphore_mem>>) src(%dma_wait3A_89 : memref<120x16xf32, #tpu.memory_space<vmem_shared>>) dst(%dma_wait3A_87 : memref<120x16xf32, #tpu.memory_space<vmem>>)
      tpu.yield
    }) : () -> ()
    %add3A_49 = arith.constant 512 : i32
    %add3A_50 = arith.addi %mul3A_6, %add3A_49 : i32
    %run_scoped3A_51 = arith.constant 0 : i32
    "tpu.region"() ({
      %run_scoped3A_65 = tpu.sem_alloc : memref<!tpu.dma_semaphore, #tpu.memory_space<semaphore_mem>>
      %dma_start3A_66 = arith.constant 0 : i32
      %dma_start3A_67 = arith.constant 0 : i32
      %dma_start3A_68 = tpu.memref_slice %arg9[%run_scoped3A_51, %dma_start3A_66, %dma_start3A_67] : memref<2x128x16xf32, #tpu.memory_space<vmem>> -> memref<1x120x16xf32, #tpu.memory_space<vmem>>
      %dma_start3A_69 = tpu.memref_squeeze %dma_start3A_68 : memref<1x120x16xf32, #tpu.memory_space<vmem>> -> memref<120x16xf32, #tpu.memory_space<vmem>>
      %dma_start3A_70 = arith.constant 0 : i32
      %dma_start3A_71 = tpu.memref_slice %arg6[%arg0, %add3A_50, %dma_start3A_70] : memref<2x10112x16xf32, #tpu.memory_space<hbm>> -> memref<1x120x16xf32, #tpu.memory_space<hbm>>
      %dma_start3A_72 = tpu.memref_squeeze %dma_start3A_71 : memref<1x120x16xf32, #tpu.memory_space<hbm>> -> memref<120x16xf32, #tpu.memory_space<hbm>>
      %dma_start3A_73 = arith.constant 0 : i32
      %dma_start3A_74 = tpu.memref_slice %arg6[%arg0, %add3A_50, %dma_start3A_73] : memref<2x10112x16xf32, #tpu.memory_space<hbm>> -> memref<1x120x16xf32, #tpu.memory_space<hbm>>
      %dma_start3A_75 = tpu.memref_squeeze %dma_start3A_74 : memref<1x120x16xf32, #tpu.memory_space<hbm>> -> memref<120x16xf32, #tpu.memory_space<hbm>>
      %dma_start3A_76 = arith.constant 0 : i32
      %dma_start3A_77 = arith.constant 0 : i32
      %dma_start3A_78 = tpu.memref_slice %arg9[%run_scoped3A_51, %dma_start3A_76, %dma_start3A_77] : memref<2x128x16xf32, #tpu.memory_space<vmem>> -> memref<1x120x16xf32, #tpu.memory_space<vmem>>
      %dma_start3A_79 = tpu.memref_squeeze %dma_start3A_78 : memref<1x120x16xf32, #tpu.memory_space<vmem>> -> memref<120x16xf32, #tpu.memory_space<vmem>>
      tpu.enqueue_dma source(%dma_start3A_79 : memref<120x16xf32, #tpu.memory_space<vmem>>) target(%dma_start3A_75 : memref<120x16xf32, #tpu.memory_space<hbm>>) target_semaphore(%run_scoped3A_65 : memref<!tpu.dma_semaphore, #tpu.memory_space<semaphore_mem>>)
      %dma_wait3A_80 = arith.constant 0 : i32
      %dma_wait3A_81 = arith.constant 0 : i32
      %dma_wait3A_82 = tpu.memref_slice %arg9[%run_scoped3A_51, %dma_wait3A_80, %dma_wait3A_81] : memref<2x128x16xf32, #tpu.memory_space<vmem>> -> memref<1x120x16xf32, #tpu.memory_space<vmem>>
      %dma_wait3A_83 = tpu.memref_squeeze %dma_wait3A_82 : memref<1x120x16xf32, #tpu.memory_space<vmem>> -> memref<120x16xf32, #tpu.memory_space<vmem>>
      %dma_wait3A_84 = arith.constant 0 : i32
      %dma_wait3A_85 = tpu.memref_slice %arg6[%arg0, %add3A_50, %dma_wait3A_84] : memref<2x10112x16xf32, #tpu.memory_space<hbm>> -> memref<1x120x16xf32, #tpu.memory_space<hbm>>
      %dma_wait3A_86 = tpu.memref_squeeze %dma_wait3A_85 : memref<1x120x16xf32, #tpu.memory_space<hbm>> -> memref<120x16xf32, #tpu.memory_space<hbm>>
      %dma_wait3A_87 = arith.constant 0 : i32
      %dma_wait3A_88 = tpu.memref_slice %arg6[%arg0, %add3A_50, %dma_wait3A_87] : memref<2x10112x16xf32, #tpu.memory_space<hbm>> -> memref<1x120x16xf32, #tpu.memory_space<hbm>>
      %dma_wait3A_89 = tpu.memref_squeeze %dma_wait3A_88 : memref<1x120x16xf32, #tpu.memory_space<hbm>> -> memref<120x16xf32, #tpu.memory_space<hbm>>
      %dma_wait3A_90 = arith.constant 0 : i32
      %dma_wait3A_91 = arith.constant 0 : i32
      %dma_wait3A_92 = tpu.memref_slice %arg9[%run_scoped3A_51, %dma_wait3A_90, %dma_wait3A_91] : memref<2x128x16xf32, #tpu.memory_space<vmem>> -> memref<1x120x16xf32, #tpu.memory_space<vmem>>
      %dma_wait3A_93 = tpu.memref_squeeze %dma_wait3A_92 : memref<1x120x16xf32, #tpu.memory_space<vmem>> -> memref<120x16xf32, #tpu.memory_space<vmem>>
      tpu.wait_dma2 semaphore(%run_scoped3A_65 : memref<!tpu.dma_semaphore, #tpu.memory_space<semaphore_mem>>) src(%dma_wait3A_93 : memref<120x16xf32, #tpu.memory_space<vmem>>) dst(%dma_wait3A_89 : memref<120x16xf32, #tpu.memory_space<hbm>>)
      tpu.yield
    }) : () -> ()
    %barrier3A_52 = arith.constant 0 : index
    tpu.barrier barrier_id(%barrier3A_52)
    %scan3A_53 = arith.constant 0 : i32
    %scan3A_54 = arith.constant 4 : i32
    %scan3A_55 = arith.addi %scan3A_53, %scan3A_54 : i32
    %scan3A_56 = arith.constant 1 : i32
    scf.for %scan3A_65 = %scan3A_53 to %scan3A_55 step %scan3A_56  : i32 {
      %mul3A_66 = arith.constant 1 : i32
      %mul3A_67 = arith.muli %scan3A_65, %mul3A_66 : i32
      %add3A_68 = arith.constant 0 : i32
      %add3A_69 = arith.addi %add3A_68, %mul3A_67 : i32
      %mul3A_70 = arith.constant 128 : i32
      %mul3A_71 = arith.muli %add3A_69, %mul3A_70 : i32
      %add3A_72 = arith.addi %mul3A_6, %mul3A_71 : i32
      %run_scoped3A_73 = arith.constant 0 : i32
      "tpu.region"() ({
        %run_scoped3A_78 = tpu.sem_alloc : memref<!tpu.dma_semaphore, #tpu.memory_space<semaphore_mem>>
        %dma_start3A_79 = arith.constant 0 : i32
        %dma_start3A_80 = arith.constant 0 : i32
        %dma_start3A_81 = tpu.memref_slice %arg9[%run_scoped3A_73, %dma_start3A_79, %dma_start3A_80] : memref<2x128x16xf32, #tpu.memory_space<vmem>> -> memref<1x128x16xf32, #tpu.memory_space<vmem>>
        %dma_start3A_82 = tpu.memref_squeeze %dma_start3A_81 : memref<1x128x16xf32, #tpu.memory_space<vmem>> -> memref<128x16xf32, #tpu.memory_space<vmem>>
        %dma_start3A_83 = arith.constant 0 : i32
        %dma_start3A_84 = tpu.memref_slice %arg11[%add3A_72, %dma_start3A_83] : memref<10112x16xf32, #tpu.memory_space<vmem_shared>> -> memref<128x16xf32, #tpu.memory_space<vmem_shared>>
        %dma_start3A_85 = arith.constant 0 : i32
        %dma_start3A_86 = arith.constant 0 : i32
        %dma_start3A_87 = tpu.memref_slice %arg9[%run_scoped3A_73, %dma_start3A_85, %dma_start3A_86] : memref<2x128x16xf32, #tpu.memory_space<vmem>> -> memref<1x128x16xf32, #tpu.memory_space<vmem>>
        %dma_start3A_88 = tpu.memref_squeeze %dma_start3A_87 : memref<1x128x16xf32, #tpu.memory_space<vmem>> -> memref<128x16xf32, #tpu.memory_space<vmem>>
        %dma_start3A_89 = arith.constant 0 : i32
        %dma_start3A_90 = tpu.memref_slice %arg11[%add3A_72, %dma_start3A_89] : memref<10112x16xf32, #tpu.memory_space<vmem_shared>> -> memref<128x16xf32, #tpu.memory_space<vmem_shared>>
        tpu.enqueue_dma source(%dma_start3A_90 : memref<128x16xf32, #tpu.memory_space<vmem_shared>>) target(%dma_start3A_88 : memref<128x16xf32, #tpu.memory_space<vmem>>) target_semaphore(%run_scoped3A_78 : memref<!tpu.dma_semaphore, #tpu.memory_space<semaphore_mem>>)
        %dma_wait3A_91 = arith.constant 0 : i32
        %dma_wait3A_92 = arith.constant 0 : i32
        %dma_wait3A_93 = tpu.memref_slice %arg9[%run_scoped3A_73, %dma_wait3A_91, %dma_wait3A_92] : memref<2x128x16xf32, #tpu.memory_space<vmem>> -> memref<1x128x16xf32, #tpu.memory_space<vmem>>
        %dma_wait3A_94 = tpu.memref_squeeze %dma_wait3A_93 : memref<1x128x16xf32, #tpu.memory_space<vmem>> -> memref<128x16xf32, #tpu.memory_space<vmem>>
        %dma_wait3A_95 = arith.constant 0 : i32
        %dma_wait3A_96 = tpu.memref_slice %arg11[%add3A_72, %dma_wait3A_95] : memref<10112x16xf32, #tpu.memory_space<vmem_shared>> -> memref<128x16xf32, #tpu.memory_space<vmem_shared>>
        %dma_wait3A_97 = arith.constant 0 : i32
        %dma_wait3A_98 = arith.constant 0 : i32
        %dma_wait3A_99 = tpu.memref_slice %arg9[%run_scoped3A_73, %dma_wait3A_97, %dma_wait3A_98] : memref<2x128x16xf32, #tpu.memory_space<vmem>> -> memref<1x128x16xf32, #tpu.memory_space<vmem>>
        %dma_wait3A_100 = tpu.memref_squeeze %dma_wait3A_99 : memref<1x128x16xf32, #tpu.memory_space<vmem>> -> memref<128x16xf32, #tpu.memory_space<vmem>>
        %dma_wait3A_101 = arith.constant 0 : i32
        %dma_wait3A_102 = tpu.memref_slice %arg11[%add3A_72, %dma_wait3A_101] : memref<10112x16xf32, #tpu.memory_space<vmem_shared>> -> memref<128x16xf32, #tpu.memory_space<vmem_shared>>
        tpu.wait_dma2 semaphore(%run_scoped3A_78 : memref<!tpu.dma_semaphore, #tpu.memory_space<semaphore_mem>>) src(%dma_wait3A_102 : memref<128x16xf32, #tpu.memory_space<vmem_shared>>) dst(%dma_wait3A_100 : memref<128x16xf32, #tpu.memory_space<vmem>>)
        tpu.yield
      }) : () -> ()
      %mul3A_74 = arith.constant 128 : i32
      %mul3A_75 = arith.muli %add3A_69, %mul3A_74 : i32
      %add3A_76 = arith.addi %mul3A_6, %mul3A_75 : i32
      %run_scoped3A_77 = arith.constant 0 : i32
      "tpu.region"() ({
        %run_scoped3A_78 = tpu.sem_alloc : memref<!tpu.dma_semaphore, #tpu.memory_space<semaphore_mem>>
        %dma_start3A_79 = arith.constant 0 : i32
        %dma_start3A_80 = arith.constant 0 : i32
        %dma_start3A_81 = tpu.memref_slice %arg9[%run_scoped3A_77, %dma_start3A_79, %dma_start3A_80] : memref<2x128x16xf32, #tpu.memory_space<vmem>> -> memref<1x128x16xf32, #tpu.memory_space<vmem>>
        %dma_start3A_82 = tpu.memref_squeeze %dma_start3A_81 : memref<1x128x16xf32, #tpu.memory_space<vmem>> -> memref<128x16xf32, #tpu.memory_space<vmem>>
        %dma_start3A_83 = arith.constant 0 : i32
        %dma_start3A_84 = tpu.memref_slice %arg6[%arg0, %add3A_76, %dma_start3A_83] : memref<2x10112x16xf32, #tpu.memory_space<hbm>> -> memref<1x128x16xf32, #tpu.memory_space<hbm>>
        %dma_start3A_85 = tpu.memref_squeeze %dma_start3A_84 : memref<1x128x16xf32, #tpu.memory_space<hbm>> -> memref<128x16xf32, #tpu.memory_space<hbm>>
        %dma_start3A_86 = arith.constant 0 : i32
        %dma_start3A_87 = tpu.memref_slice %arg6[%arg0, %add3A_76, %dma_start3A_86] : memref<2x10112x16xf32, #tpu.memory_space<hbm>> -> memref<1x128x16xf32, #tpu.memory_space<hbm>>
        %dma_start3A_88 = tpu.memref_squeeze %dma_start3A_87 : memref<1x128x16xf32, #tpu.memory_space<hbm>> -> memref<128x16xf32, #tpu.memory_space<hbm>>
        %dma_start3A_89 = arith.constant 0 : i32
        %dma_start3A_90 = arith.constant 0 : i32
        %dma_start3A_91 = tpu.memref_slice %arg9[%run_scoped3A_77, %dma_start3A_89, %dma_start3A_90] : memref<2x128x16xf32, #tpu.memory_space<vmem>> -> memref<1x128x16xf32, #tpu.memory_space<vmem>>
        %dma_start3A_92 = tpu.memref_squeeze %dma_start3A_91 : memref<1x128x16xf32, #tpu.memory_space<vmem>> -> memref<128x16xf32, #tpu.memory_space<vmem>>
        tpu.enqueue_dma source(%dma_start3A_92 : memref<128x16xf32, #tpu.memory_space<vmem>>) target(%dma_start3A_88 : memref<128x16xf32, #tpu.memory_space<hbm>>) target_semaphore(%run_scoped3A_78 : memref<!tpu.dma_semaphore, #tpu.memory_space<semaphore_mem>>)
        %dma_wait3A_93 = arith.constant 0 : i32
        %dma_wait3A_94 = arith.constant 0 : i32
        %dma_wait3A_95 = tpu.memref_slice %arg9[%run_scoped3A_77, %dma_wait3A_93, %dma_wait3A_94] : memref<2x128x16xf32, #tpu.memory_space<vmem>> -> memref<1x128x16xf32, #tpu.memory_space<vmem>>
        %dma_wait3A_96 = tpu.memref_squeeze %dma_wait3A_95 : memref<1x128x16xf32, #tpu.memory_space<vmem>> -> memref<128x16xf32, #tpu.memory_space<vmem>>
        %dma_wait3A_97 = arith.constant 0 : i32
        %dma_wait3A_98 = tpu.memref_slice %arg6[%arg0, %add3A_76, %dma_wait3A_97] : memref<2x10112x16xf32, #tpu.memory_space<hbm>> -> memref<1x128x16xf32, #tpu.memory_space<hbm>>
        %dma_wait3A_99 = tpu.memref_squeeze %dma_wait3A_98 : memref<1x128x16xf32, #tpu.memory_space<hbm>> -> memref<128x16xf32, #tpu.memory_space<hbm>>
        %dma_wait3A_100 = arith.constant 0 : i32
        %dma_wait3A_101 = tpu.memref_slice %arg6[%arg0, %add3A_76, %dma_wait3A_100] : memref<2x10112x16xf32, #tpu.memory_space<hbm>> -> memref<1x128x16xf32, #tpu.memory_space<hbm>>
        %dma_wait3A_102 = tpu.memref_squeeze %dma_wait3A_101 : memref<1x128x16xf32, #tpu.memory_space<hbm>> -> memref<128x16xf32, #tpu.memory_space<hbm>>
        %dma_wait3A_103 = arith.constant 0 : i32
        %dma_wait3A_104 = arith.constant 0 : i32
        %dma_wait3A_105 = tpu.memref_slice %arg9[%run_scoped3A_77, %dma_wait3A_103, %dma_wait3A_104] : memref<2x128x16xf32, #tpu.memory_space<vmem>> -> memref<1x128x16xf32, #tpu.memory_space<vmem>>
        %dma_wait3A_106 = tpu.memref_squeeze %dma_wait3A_105 : memref<1x128x16xf32, #tpu.memory_space<vmem>> -> memref<128x16xf32, #tpu.memory_space<vmem>>
        tpu.wait_dma2 semaphore(%run_scoped3A_78 : memref<!tpu.dma_semaphore, #tpu.memory_space<semaphore_mem>>) src(%dma_wait3A_106 : memref<128x16xf32, #tpu.memory_space<vmem>>) dst(%dma_wait3A_102 : memref<128x16xf32, #tpu.memory_space<hbm>>)
        tpu.yield
      }) : () -> ()
    }
    %scan3A_57 = arith.constant 4 : i32
    %add3A_58 = arith.constant 512 : i32
    %add3A_59 = arith.addi %mul3A_6, %add3A_58 : i32
    %run_scoped3A_60 = arith.constant 0 : i32
    "tpu.region"() ({
      %run_scoped3A_65 = tpu.sem_alloc : memref<!tpu.dma_semaphore, #tpu.memory_space<semaphore_mem>>
      %dma_start3A_66 = arith.constant 0 : i32
      %dma_start3A_67 = arith.constant 0 : i32
      %dma_start3A_68 = tpu.memref_slice %arg9[%run_scoped3A_60, %dma_start3A_66, %dma_start3A_67] : memref<2x128x16xf32, #tpu.memory_space<vmem>> -> memref<1x120x16xf32, #tpu.memory_space<vmem>>
      %dma_start3A_69 = tpu.memref_squeeze %dma_start3A_68 : memref<1x120x16xf32, #tpu.memory_space<vmem>> -> memref<120x16xf32, #tpu.memory_space<vmem>>
      %dma_start3A_70 = arith.constant 0 : i32
      %dma_start3A_71 = tpu.memref_slice %arg11[%add3A_59, %dma_start3A_70] : memref<10112x16xf32, #tpu.memory_space<vmem_shared>> -> memref<120x16xf32, #tpu.memory_space<vmem_shared>>
      %dma_start3A_72 = arith.constant 0 : i32
      %dma_start3A_73 = arith.constant 0 : i32
      %dma_start3A_74 = tpu.memref_slice %arg9[%run_scoped3A_60, %dma_start3A_72, %dma_start3A_73] : memref<2x128x16xf32, #tpu.memory_space<vmem>> -> memref<1x120x16xf32, #tpu.memory_space<vmem>>
      %dma_start3A_75 = tpu.memref_squeeze %dma_start3A_74 : memref<1x120x16xf32, #tpu.memory_space<vmem>> -> memref<120x16xf32, #tpu.memory_space<vmem>>
      %dma_start3A_76 = arith.constant 0 : i32
      %dma_start3A_77 = tpu.memref_slice %arg11[%add3A_59, %dma_start3A_76] : memref<10112x16xf32, #tpu.memory_space<vmem_shared>> -> memref<120x16xf32, #tpu.memory_space<vmem_shared>>
      tpu.enqueue_dma source(%dma_start3A_77 : memref<120x16xf32, #tpu.memory_space<vmem_shared>>) target(%dma_start3A_75 : memref<120x16xf32, #tpu.memory_space<vmem>>) target_semaphore(%run_scoped3A_65 : memref<!tpu.dma_semaphore, #tpu.memory_space<semaphore_mem>>)
      %dma_wait3A_78 = arith.constant 0 : i32
      %dma_wait3A_79 = arith.constant 0 : i32
      %dma_wait3A_80 = tpu.memref_slice %arg9[%run_scoped3A_60, %dma_wait3A_78, %dma_wait3A_79] : memref<2x128x16xf32, #tpu.memory_space<vmem>> -> memref<1x120x16xf32, #tpu.memory_space<vmem>>
      %dma_wait3A_81 = tpu.memref_squeeze %dma_wait3A_80 : memref<1x120x16xf32, #tpu.memory_space<vmem>> -> memref<120x16xf32, #tpu.memory_space<vmem>>
      %dma_wait3A_82 = arith.constant 0 : i32
      %dma_wait3A_83 = tpu.memref_slice %arg11[%add3A_59, %dma_wait3A_82] : memref<10112x16xf32, #tpu.memory_space<vmem_shared>> -> memref<120x16xf32, #tpu.memory_space<vmem_shared>>
      %dma_wait3A_84 = arith.constant 0 : i32
      %dma_wait3A_85 = arith.constant 0 : i32
      %dma_wait3A_86 = tpu.memref_slice %arg9[%run_scoped3A_60, %dma_wait3A_84, %dma_wait3A_85] : memref<2x128x16xf32, #tpu.memory_space<vmem>> -> memref<1x120x16xf32, #tpu.memory_space<vmem>>
      %dma_wait3A_87 = tpu.memref_squeeze %dma_wait3A_86 : memref<1x120x16xf32, #tpu.memory_space<vmem>> -> memref<120x16xf32, #tpu.memory_space<vmem>>
      %dma_wait3A_88 = arith.constant 0 : i32
      %dma_wait3A_89 = tpu.memref_slice %arg11[%add3A_59, %dma_wait3A_88] : memref<10112x16xf32, #tpu.memory_space<vmem_shared>> -> memref<120x16xf32, #tpu.memory_space<vmem_shared>>
      tpu.wait_dma2 semaphore(%run_scoped3A_65 : memref<!tpu.dma_semaphore, #tpu.memory_space<semaphore_mem>>) src(%dma_wait3A_89 : memref<120x16xf32, #tpu.memory_space<vmem_shared>>) dst(%dma_wait3A_87 : memref<120x16xf32, #tpu.memory_space<vmem>>)
      tpu.yield
    }) : () -> ()
    %add3A_61 = arith.constant 512 : i32
    %add3A_62 = arith.addi %mul3A_6, %add3A_61 : i32
    %run_scoped3A_63 = arith.constant 0 : i32
    "tpu.region"() ({
      %run_scoped3A_65 = tpu.sem_alloc : memref<!tpu.dma_semaphore, #tpu.memory_space<semaphore_mem>>
      %dma_start3A_66 = arith.constant 0 : i32
      %dma_start3A_67 = arith.constant 0 : i32
      %dma_start3A_68 = tpu.memref_slice %arg9[%run_scoped3A_63, %dma_start3A_66, %dma_start3A_67] : memref<2x128x16xf32, #tpu.memory_space<vmem>> -> memref<1x120x16xf32, #tpu.memory_space<vmem>>
      %dma_start3A_69 = tpu.memref_squeeze %dma_start3A_68 : memref<1x120x16xf32, #tpu.memory_space<vmem>> -> memref<120x16xf32, #tpu.memory_space<vmem>>
      %dma_start3A_70 = arith.constant 0 : i32
      %dma_start3A_71 = tpu.memref_slice %arg6[%arg0, %add3A_62, %dma_start3A_70] : memref<2x10112x16xf32, #tpu.memory_space<hbm>> -> memref<1x120x16xf32, #tpu.memory_space<hbm>>
      %dma_start3A_72 = tpu.memref_squeeze %dma_start3A_71 : memref<1x120x16xf32, #tpu.memory_space<hbm>> -> memref<120x16xf32, #tpu.memory_space<hbm>>
      %dma_start3A_73 = arith.constant 0 : i32
      %dma_start3A_74 = tpu.memref_slice %arg6[%arg0, %add3A_62, %dma_start3A_73] : memref<2x10112x16xf32, #tpu.memory_space<hbm>> -> memref<1x120x16xf32, #tpu.memory_space<hbm>>
      %dma_start3A_75 = tpu.memref_squeeze %dma_start3A_74 : memref<1x120x16xf32, #tpu.memory_space<hbm>> -> memref<120x16xf32, #tpu.memory_space<hbm>>
      %dma_start3A_76 = arith.constant 0 : i32
      %dma_start3A_77 = arith.constant 0 : i32
      %dma_start3A_78 = tpu.memref_slice %arg9[%run_scoped3A_63, %dma_start3A_76, %dma_start3A_77] : memref<2x128x16xf32, #tpu.memory_space<vmem>> -> memref<1x120x16xf32, #tpu.memory_space<vmem>>
      %dma_start3A_79 = tpu.memref_squeeze %dma_start3A_78 : memref<1x120x16xf32, #tpu.memory_space<vmem>> -> memref<120x16xf32, #tpu.memory_space<vmem>>
      tpu.enqueue_dma source(%dma_start3A_79 : memref<120x16xf32, #tpu.memory_space<vmem>>) target(%dma_start3A_75 : memref<120x16xf32, #tpu.memory_space<hbm>>) target_semaphore(%run_scoped3A_65 : memref<!tpu.dma_semaphore, #tpu.memory_space<semaphore_mem>>)
      %dma_wait3A_80 = arith.constant 0 : i32
      %dma_wait3A_81 = arith.constant 0 : i32
      %dma_wait3A_82 = tpu.memref_slice %arg9[%run_scoped3A_63, %dma_wait3A_80, %dma_wait3A_81] : memref<2x128x16xf32, #tpu.memory_space<vmem>> -> memref<1x120x16xf32, #tpu.memory_space<vmem>>
      %dma_wait3A_83 = tpu.memref_squeeze %dma_wait3A_82 : memref<1x120x16xf32, #tpu.memory_space<vmem>> -> memref<120x16xf32, #tpu.memory_space<vmem>>
      %dma_wait3A_84 = arith.constant 0 : i32
      %dma_wait3A_85 = tpu.memref_slice %arg6[%arg0, %add3A_62, %dma_wait3A_84] : memref<2x10112x16xf32, #tpu.memory_space<hbm>> -> memref<1x120x16xf32, #tpu.memory_space<hbm>>
      %dma_wait3A_86 = tpu.memref_squeeze %dma_wait3A_85 : memref<1x120x16xf32, #tpu.memory_space<hbm>> -> memref<120x16xf32, #tpu.memory_space<hbm>>
      %dma_wait3A_87 = arith.constant 0 : i32
      %dma_wait3A_88 = tpu.memref_slice %arg6[%arg0, %add3A_62, %dma_wait3A_87] : memref<2x10112x16xf32, #tpu.memory_space<hbm>> -> memref<1x120x16xf32, #tpu.memory_space<hbm>>
      %dma_wait3A_89 = tpu.memref_squeeze %dma_wait3A_88 : memref<1x120x16xf32, #tpu.memory_space<hbm>> -> memref<120x16xf32, #tpu.memory_space<hbm>>
      %dma_wait3A_90 = arith.constant 0 : i32
      %dma_wait3A_91 = arith.constant 0 : i32
      %dma_wait3A_92 = tpu.memref_slice %arg9[%run_scoped3A_63, %dma_wait3A_90, %dma_wait3A_91] : memref<2x128x16xf32, #tpu.memory_space<vmem>> -> memref<1x120x16xf32, #tpu.memory_space<vmem>>
      %dma_wait3A_93 = tpu.memref_squeeze %dma_wait3A_92 : memref<1x120x16xf32, #tpu.memory_space<vmem>> -> memref<120x16xf32, #tpu.memory_space<vmem>>
      tpu.wait_dma2 semaphore(%run_scoped3A_65 : memref<!tpu.dma_semaphore, #tpu.memory_space<semaphore_mem>>) src(%dma_wait3A_93 : memref<120x16xf32, #tpu.memory_space<vmem>>) dst(%dma_wait3A_89 : memref<120x16xf32, #tpu.memory_space<hbm>>)
      tpu.yield
    }) : () -> ()
    %barrier3A_64 = arith.constant 0 : index
    tpu.barrier barrier_id(%barrier3A_64)
    return
  }
}

#map = affine_map<(d0, d1) -> (0, 0)>
#map1 = affine_map<(d0, d1) -> (0, 0, 0)>
module attributes {stable_mosaic.version = 14 : i64} {
  func.func @agg(%arg0: i32, %arg1: i32, %arg2: memref<10112x40xf32, #tpu.memory_space<hbm>>, %arg3: memref<2560x128xi32, #tpu.memory_space<hbm>>, %arg4: memref<2560x128xi32, #tpu.memory_space<hbm>>, %arg5: memref<128x40xf32, #tpu.memory_space<hbm>>, %arg6: memref<2x10112x40xf32, #tpu.memory_space<hbm>>, %arg7: memref<80x128xi32, #tpu.memory_space<vmem>>, %arg8: memref<80x128xi32, #tpu.memory_space<vmem>>, %arg9: memref<2x128x40xf32, #tpu.memory_space<vmem>>, %arg10: memref<128x40xf32, #tpu.memory_space<vmem>>, %arg11: memref<10112x40xf32, #tpu.memory_space<vmem_shared>>, %arg12: memref<!tpu.dma_semaphore, #tpu.memory_space<semaphore_mem>>, %arg13: memref<!tpu.dma_semaphore, #tpu.memory_space<semaphore_mem>>) attributes {dimension_semantics = [#tpu.dimension_semantics<core_parallel>, #tpu.dimension_semantics<subcore_parallel>], iteration_bounds = array<i64: 2, 16>, scalar_prefetch = 0 : i64, scratch_operands = 7 : i64, tpu.core_type = #tpu.core_type<sc_vector_subcore>, window_params = [{transform_indices = #map}, {transform_indices = #map}, {transform_indices = #map}, {transform_indices = #map}, {transform_indices = #map1}]} {
    %mul3A = arith.constant 2 : i32
    %mul3A_0 = arith.muli %arg1, %mul3A : i32
    %add3A = arith.addi %mul3A_0, %arg0 : i32
    %mul3A_1 = arith.constant 80 : i32
    %mul3A_2 = arith.muli %add3A, %mul3A_1 : i32
    "tpu.region"() ({
      %run_scoped3A_65 = tpu.sem_alloc : memref<!tpu.dma_semaphore, #tpu.memory_space<semaphore_mem>>
      %dma_start3A_66 = arith.constant 0 : i32
      %dma_start3A_67 = tpu.memref_slice %arg3[%mul3A_2, %dma_start3A_66] : memref<2560x128xi32, #tpu.memory_space<hbm>> -> memref<80x128xi32, #tpu.memory_space<hbm>>
      %dma_start3A_68 = arith.constant 0 : i32
      %dma_start3A_69 = tpu.memref_slice %arg3[%mul3A_2, %dma_start3A_68] : memref<2560x128xi32, #tpu.memory_space<hbm>> -> memref<80x128xi32, #tpu.memory_space<hbm>>
      tpu.enqueue_dma source(%dma_start3A_69 : memref<80x128xi32, #tpu.memory_space<hbm>>) target(%arg7 : memref<80x128xi32, #tpu.memory_space<vmem>>) target_semaphore(%run_scoped3A_65 : memref<!tpu.dma_semaphore, #tpu.memory_space<semaphore_mem>>)
      %dma_wait3A_70 = arith.constant 0 : i32
      %dma_wait3A_71 = tpu.memref_slice %arg3[%mul3A_2, %dma_wait3A_70] : memref<2560x128xi32, #tpu.memory_space<hbm>> -> memref<80x128xi32, #tpu.memory_space<hbm>>
      %dma_wait3A_72 = arith.constant 0 : i32
      %dma_wait3A_73 = tpu.memref_slice %arg3[%mul3A_2, %dma_wait3A_72] : memref<2560x128xi32, #tpu.memory_space<hbm>> -> memref<80x128xi32, #tpu.memory_space<hbm>>
      tpu.wait_dma2 semaphore(%run_scoped3A_65 : memref<!tpu.dma_semaphore, #tpu.memory_space<semaphore_mem>>) src(%dma_wait3A_73 : memref<80x128xi32, #tpu.memory_space<hbm>>) dst(%arg7 : memref<80x128xi32, #tpu.memory_space<vmem>>)
      tpu.yield
    }) : () -> ()
    %mul3A_3 = arith.constant 80 : i32
    %mul3A_4 = arith.muli %add3A, %mul3A_3 : i32
    "tpu.region"() ({
      %run_scoped3A_65 = tpu.sem_alloc : memref<!tpu.dma_semaphore, #tpu.memory_space<semaphore_mem>>
      %dma_start3A_66 = arith.constant 0 : i32
      %dma_start3A_67 = tpu.memref_slice %arg4[%mul3A_4, %dma_start3A_66] : memref<2560x128xi32, #tpu.memory_space<hbm>> -> memref<80x128xi32, #tpu.memory_space<hbm>>
      %dma_start3A_68 = arith.constant 0 : i32
      %dma_start3A_69 = tpu.memref_slice %arg4[%mul3A_4, %dma_start3A_68] : memref<2560x128xi32, #tpu.memory_space<hbm>> -> memref<80x128xi32, #tpu.memory_space<hbm>>
      tpu.enqueue_dma source(%dma_start3A_69 : memref<80x128xi32, #tpu.memory_space<hbm>>) target(%arg8 : memref<80x128xi32, #tpu.memory_space<vmem>>) target_semaphore(%run_scoped3A_65 : memref<!tpu.dma_semaphore, #tpu.memory_space<semaphore_mem>>)
      %dma_wait3A_70 = arith.constant 0 : i32
      %dma_wait3A_71 = tpu.memref_slice %arg4[%mul3A_4, %dma_wait3A_70] : memref<2560x128xi32, #tpu.memory_space<hbm>> -> memref<80x128xi32, #tpu.memory_space<hbm>>
      %dma_wait3A_72 = arith.constant 0 : i32
      %dma_wait3A_73 = tpu.memref_slice %arg4[%mul3A_4, %dma_wait3A_72] : memref<2560x128xi32, #tpu.memory_space<hbm>> -> memref<80x128xi32, #tpu.memory_space<hbm>>
      tpu.wait_dma2 semaphore(%run_scoped3A_65 : memref<!tpu.dma_semaphore, #tpu.memory_space<semaphore_mem>>) src(%dma_wait3A_73 : memref<80x128xi32, #tpu.memory_space<hbm>>) dst(%arg8 : memref<80x128xi32, #tpu.memory_space<vmem>>)
      tpu.yield
    }) : () -> ()
    "tpu.region"() ({
      %run_scoped3A_65 = tpu.sem_alloc : memref<!tpu.dma_semaphore, #tpu.memory_space<semaphore_mem>>
      tpu.enqueue_dma source(%arg5 : memref<128x40xf32, #tpu.memory_space<hbm>>) target(%arg10 : memref<128x40xf32, #tpu.memory_space<vmem>>) target_semaphore(%run_scoped3A_65 : memref<!tpu.dma_semaphore, #tpu.memory_space<semaphore_mem>>)
      tpu.wait_dma2 semaphore(%run_scoped3A_65 : memref<!tpu.dma_semaphore, #tpu.memory_space<semaphore_mem>>) src(%arg5 : memref<128x40xf32, #tpu.memory_space<hbm>>) dst(%arg10 : memref<128x40xf32, #tpu.memory_space<vmem>>)
      tpu.yield
    }) : () -> ()
    %mul3A_5 = arith.constant 632 : i32
    %mul3A_6 = arith.muli %arg1, %mul3A_5 : i32
    %scan3A = arith.constant 0 : i32
    %scan3A_7 = arith.constant 4 : i32
    %scan3A_8 = arith.addi %scan3A, %scan3A_7 : i32
    %scan3A_9 = arith.constant 1 : i32
    scf.for %scan3A_65 = %scan3A to %scan3A_8 step %scan3A_9  : i32 {
      %mul3A_66 = arith.constant 1 : i32
      %mul3A_67 = arith.muli %scan3A_65, %mul3A_66 : i32
      %add3A_68 = arith.constant 0 : i32
      %add3A_69 = arith.addi %add3A_68, %mul3A_67 : i32
      %mul3A_70 = arith.constant 128 : i32
      %mul3A_71 = arith.muli %add3A_69, %mul3A_70 : i32
      %add3A_72 = arith.addi %mul3A_6, %mul3A_71 : i32
      "tpu.region"() ({
        %run_scoped3A_73 = tpu.sem_alloc : memref<!tpu.dma_semaphore, #tpu.memory_space<semaphore_mem>>
        %dma_start3A_74 = arith.constant 0 : i32
        %dma_start3A_75 = tpu.memref_slice %arg11[%add3A_72, %dma_start3A_74] : memref<10112x40xf32, #tpu.memory_space<vmem_shared>> -> memref<128x40xf32, #tpu.memory_space<vmem_shared>>
        %dma_start3A_76 = arith.constant 0 : i32
        %dma_start3A_77 = tpu.memref_slice %arg11[%add3A_72, %dma_start3A_76] : memref<10112x40xf32, #tpu.memory_space<vmem_shared>> -> memref<128x40xf32, #tpu.memory_space<vmem_shared>>
        tpu.enqueue_dma source(%arg10 : memref<128x40xf32, #tpu.memory_space<vmem>>) target(%dma_start3A_77 : memref<128x40xf32, #tpu.memory_space<vmem_shared>>) target_semaphore(%run_scoped3A_73 : memref<!tpu.dma_semaphore, #tpu.memory_space<semaphore_mem>>)
        %dma_wait3A_78 = arith.constant 0 : i32
        %dma_wait3A_79 = tpu.memref_slice %arg11[%add3A_72, %dma_wait3A_78] : memref<10112x40xf32, #tpu.memory_space<vmem_shared>> -> memref<128x40xf32, #tpu.memory_space<vmem_shared>>
        %dma_wait3A_80 = arith.constant 0 : i32
        %dma_wait3A_81 = tpu.memref_slice %arg11[%add3A_72, %dma_wait3A_80] : memref<10112x40xf32, #tpu.memory_space<vmem_shared>> -> memref<128x40xf32, #tpu.memory_space<vmem_shared>>
        tpu.wait_dma2 semaphore(%run_scoped3A_73 : memref<!tpu.dma_semaphore, #tpu.memory_space<semaphore_mem>>) src(%arg10 : memref<128x40xf32, #tpu.memory_space<vmem>>) dst(%dma_wait3A_81 : memref<128x40xf32, #tpu.memory_space<vmem_shared>>)
        tpu.yield
      }) : () -> ()
    }
    %scan3A_10 = arith.constant 4 : i32
    %add3A_11 = arith.constant 512 : i32
    %add3A_12 = arith.addi %mul3A_6, %add3A_11 : i32
    "tpu.region"() ({
      %run_scoped3A_65 = tpu.sem_alloc : memref<!tpu.dma_semaphore, #tpu.memory_space<semaphore_mem>>
      %dma_start3A_66 = arith.constant 0 : i32
      %dma_start3A_67 = arith.constant 0 : i32
      %dma_start3A_68 = tpu.memref_slice %arg10[%dma_start3A_66, %dma_start3A_67] : memref<128x40xf32, #tpu.memory_space<vmem>> -> memref<120x40xf32, #tpu.memory_space<vmem>>
      %dma_start3A_69 = arith.constant 0 : i32
      %dma_start3A_70 = tpu.memref_slice %arg11[%add3A_12, %dma_start3A_69] : memref<10112x40xf32, #tpu.memory_space<vmem_shared>> -> memref<120x40xf32, #tpu.memory_space<vmem_shared>>
      %dma_start3A_71 = arith.constant 0 : i32
      %dma_start3A_72 = tpu.memref_slice %arg11[%add3A_12, %dma_start3A_71] : memref<10112x40xf32, #tpu.memory_space<vmem_shared>> -> memref<120x40xf32, #tpu.memory_space<vmem_shared>>
      %dma_start3A_73 = arith.constant 0 : i32
      %dma_start3A_74 = arith.constant 0 : i32
      %dma_start3A_75 = tpu.memref_slice %arg10[%dma_start3A_73, %dma_start3A_74] : memref<128x40xf32, #tpu.memory_space<vmem>> -> memref<120x40xf32, #tpu.memory_space<vmem>>
      tpu.enqueue_dma source(%dma_start3A_75 : memref<120x40xf32, #tpu.memory_space<vmem>>) target(%dma_start3A_72 : memref<120x40xf32, #tpu.memory_space<vmem_shared>>) target_semaphore(%run_scoped3A_65 : memref<!tpu.dma_semaphore, #tpu.memory_space<semaphore_mem>>)
      %dma_wait3A_76 = arith.constant 0 : i32
      %dma_wait3A_77 = arith.constant 0 : i32
      %dma_wait3A_78 = tpu.memref_slice %arg10[%dma_wait3A_76, %dma_wait3A_77] : memref<128x40xf32, #tpu.memory_space<vmem>> -> memref<120x40xf32, #tpu.memory_space<vmem>>
      %dma_wait3A_79 = arith.constant 0 : i32
      %dma_wait3A_80 = tpu.memref_slice %arg11[%add3A_12, %dma_wait3A_79] : memref<10112x40xf32, #tpu.memory_space<vmem_shared>> -> memref<120x40xf32, #tpu.memory_space<vmem_shared>>
      %dma_wait3A_81 = arith.constant 0 : i32
      %dma_wait3A_82 = tpu.memref_slice %arg11[%add3A_12, %dma_wait3A_81] : memref<10112x40xf32, #tpu.memory_space<vmem_shared>> -> memref<120x40xf32, #tpu.memory_space<vmem_shared>>
      %dma_wait3A_83 = arith.constant 0 : i32
      %dma_wait3A_84 = arith.constant 0 : i32
      %dma_wait3A_85 = tpu.memref_slice %arg10[%dma_wait3A_83, %dma_wait3A_84] : memref<128x40xf32, #tpu.memory_space<vmem>> -> memref<120x40xf32, #tpu.memory_space<vmem>>
      tpu.wait_dma2 semaphore(%run_scoped3A_65 : memref<!tpu.dma_semaphore, #tpu.memory_space<semaphore_mem>>) src(%dma_wait3A_85 : memref<120x40xf32, #tpu.memory_space<vmem>>) dst(%dma_wait3A_82 : memref<120x40xf32, #tpu.memory_space<vmem_shared>>)
      tpu.yield
    }) : () -> ()
    %barrier3A = arith.constant 0 : index
    tpu.barrier barrier_id(%barrier3A)
    %delay3A = arith.constant 20000 : i32
    tpu.delay %delay3A
    %barrier3A_13 = arith.constant 0 : index
    tpu.barrier barrier_id(%barrier3A_13)
    %dma_start3A = arith.constant 0 : i32
    %dma_start3A_14 = arith.constant 0 : i32
    %dma_start3A_15 = arith.constant 0 : i32
    %dma_start3A_16 = arith.constant 0 : i32
    %dma_start3A_17 = tpu.memref_slice %arg9[%dma_start3A_14, %dma_start3A_15, %dma_start3A_16] : memref<2x128x40xf32, #tpu.memory_space<vmem>> -> memref<1x128x40xf32, #tpu.memory_space<vmem>>
    %dma_start3A_18 = tpu.memref_squeeze %dma_start3A_17 : memref<1x128x40xf32, #tpu.memory_space<vmem>> -> memref<128x40xf32, #tpu.memory_space<vmem>>
    %dma_start3A_19 = arith.constant 0 : i32
    %dma_start3A_20 = tpu.memref_slice %arg7[%dma_start3A, %dma_start3A_19] : memref<80x128xi32, #tpu.memory_space<vmem>> -> memref<1x128xi32, #tpu.memory_space<vmem>>
    %dma_start3A_21 = tpu.memref_squeeze %dma_start3A_20 : memref<1x128xi32, #tpu.memory_space<vmem>> -> memref<128xi32, #tpu.memory_space<vmem>>
    %dma_start3A_22 = arith.constant 0 : i32
    %dma_start3A_23 = arith.constant 0 : i32
    %dma_start3A_24 = tpu.memref_slice %arg2[%dma_start3A_22, %dma_start3A_23] : memref<10112x40xf32, #tpu.memory_space<hbm>> -> memref<10112x40xf32, #tpu.memory_space<hbm>>
    tpu.enqueue_indirect_dma source(%dma_start3A_24 : memref<10112x40xf32, #tpu.memory_space<hbm>>) target(%dma_start3A_18 : memref<128x40xf32, #tpu.memory_space<vmem>>) offsets(%dma_start3A_21 : memref<128xi32, #tpu.memory_space<vmem>>) semaphore(%arg12 : memref<!tpu.dma_semaphore, #tpu.memory_space<semaphore_mem>>)
    %scan3A_25 = arith.constant 0 : i32
    %scan3A_26 = arith.constant 40 : i32
    %scan3A_27 = arith.addi %scan3A_25, %scan3A_26 : i32
    %scan3A_28 = arith.constant 1 : i32
    scf.for %scan3A_65 = %scan3A_25 to %scan3A_27 step %scan3A_28  : i32 {
      %mul3A_66 = arith.constant 1 : i32
      %mul3A_67 = arith.muli %scan3A_65, %mul3A_66 : i32
      %add3A_68 = arith.constant 0 : i32
      %add3A_69 = arith.addi %add3A_68, %mul3A_67 : i32
      %mul3A_70 = arith.constant 2 : i32
      %mul3A_71 = arith.muli %add3A_69, %mul3A_70 : i32
      %add3A_72 = arith.constant 0 : i32
      %add3A_73 = arith.addi %mul3A_71, %add3A_72 : i32
      %add3A_74 = arith.constant 1 : i32
      %add3A_75 = arith.addi %add3A_73, %add3A_74 : i32
      %rem3A = arith.constant 80 : i32
      %rem3A_76 = arith.remsi %add3A_75, %rem3A : i32
      %dma_start3A_77 = arith.constant 1 : i32
      %dma_start3A_78 = arith.constant 0 : i32
      %dma_start3A_79 = arith.constant 0 : i32
      %dma_start3A_80 = tpu.memref_slice %arg9[%dma_start3A_77, %dma_start3A_78, %dma_start3A_79] : memref<2x128x40xf32, #tpu.memory_space<vmem>> -> memref<1x128x40xf32, #tpu.memory_space<vmem>>
      %dma_start3A_81 = tpu.memref_squeeze %dma_start3A_80 : memref<1x128x40xf32, #tpu.memory_space<vmem>> -> memref<128x40xf32, #tpu.memory_space<vmem>>
      %dma_start3A_82 = arith.constant 0 : i32
      %dma_start3A_83 = tpu.memref_slice %arg7[%rem3A_76, %dma_start3A_82] : memref<80x128xi32, #tpu.memory_space<vmem>> -> memref<1x128xi32, #tpu.memory_space<vmem>>
      %dma_start3A_84 = tpu.memref_squeeze %dma_start3A_83 : memref<1x128xi32, #tpu.memory_space<vmem>> -> memref<128xi32, #tpu.memory_space<vmem>>
      %dma_start3A_85 = arith.constant 0 : i32
      %dma_start3A_86 = arith.constant 0 : i32
      %dma_start3A_87 = tpu.memref_slice %arg2[%dma_start3A_85, %dma_start3A_86] : memref<10112x40xf32, #tpu.memory_space<hbm>> -> memref<10112x40xf32, #tpu.memory_space<hbm>>
      tpu.enqueue_indirect_dma source(%dma_start3A_87 : memref<10112x40xf32, #tpu.memory_space<hbm>>) target(%dma_start3A_81 : memref<128x40xf32, #tpu.memory_space<vmem>>) offsets(%dma_start3A_84 : memref<128xi32, #tpu.memory_space<vmem>>) semaphore(%arg13 : memref<!tpu.dma_semaphore, #tpu.memory_space<semaphore_mem>>)
      %dma_wait3A_88 = arith.constant 0 : i32
      %dma_wait3A_89 = arith.constant 0 : i32
      %dma_wait3A_90 = arith.constant 0 : i32
      %dma_wait3A_91 = tpu.memref_slice %arg9[%dma_wait3A_88, %dma_wait3A_89, %dma_wait3A_90] : memref<2x128x40xf32, #tpu.memory_space<vmem>> -> memref<1x128x40xf32, #tpu.memory_space<vmem>>
      %dma_wait3A_92 = tpu.memref_squeeze %dma_wait3A_91 : memref<1x128x40xf32, #tpu.memory_space<vmem>> -> memref<128x40xf32, #tpu.memory_space<vmem>>
      %dma_wait3A_93 = arith.constant 0 : i32
      %dma_wait3A_94 = tpu.memref_slice %arg7[%add3A_73, %dma_wait3A_93] : memref<80x128xi32, #tpu.memory_space<vmem>> -> memref<1x128xi32, #tpu.memory_space<vmem>>
      %dma_wait3A_95 = tpu.memref_squeeze %dma_wait3A_94 : memref<1x128xi32, #tpu.memory_space<vmem>> -> memref<128xi32, #tpu.memory_space<vmem>>
      %dma_wait3A_96 = arith.constant 0 : i32
      %dma_wait3A_97 = arith.constant 0 : i32
      %dma_wait3A_98 = tpu.memref_slice %arg2[%dma_wait3A_96, %dma_wait3A_97] : memref<10112x40xf32, #tpu.memory_space<hbm>> -> memref<10112x40xf32, #tpu.memory_space<hbm>>
      tpu.wait_indirect_dma semaphore(%arg12 : memref<!tpu.dma_semaphore, #tpu.memory_space<semaphore_mem>>) src(%dma_wait3A_98 : memref<10112x40xf32, #tpu.memory_space<hbm>>) dst(%dma_wait3A_92 : memref<128x40xf32, #tpu.memory_space<vmem>>)
      %run_scoped3A_99 = arith.constant 0 : i32
      "tpu.region"() ({
        %run_scoped3A_131 = tpu.sem_alloc : memref<!tpu.dma_semaphore, #tpu.memory_space<semaphore_mem>>
        %dma_start3A_132 = arith.constant 0 : i32
        %dma_start3A_133 = arith.constant 0 : i32
        %dma_start3A_134 = tpu.memref_slice %arg9[%run_scoped3A_99, %dma_start3A_132, %dma_start3A_133] : memref<2x128x40xf32, #tpu.memory_space<vmem>> -> memref<1x128x40xf32, #tpu.memory_space<vmem>>
        %dma_start3A_135 = tpu.memref_squeeze %dma_start3A_134 : memref<1x128x40xf32, #tpu.memory_space<vmem>> -> memref<128x40xf32, #tpu.memory_space<vmem>>
        %dma_start3A_136 = arith.constant 0 : i32
        %dma_start3A_137 = tpu.memref_slice %arg8[%add3A_73, %dma_start3A_136] : memref<80x128xi32, #tpu.memory_space<vmem>> -> memref<1x128xi32, #tpu.memory_space<vmem>>
        %dma_start3A_138 = tpu.memref_squeeze %dma_start3A_137 : memref<1x128xi32, #tpu.memory_space<vmem>> -> memref<128xi32, #tpu.memory_space<vmem>>
        %dma_start3A_139 = arith.constant 0 : i32
        %dma_start3A_140 = arith.constant 0 : i32
        %dma_start3A_141 = tpu.memref_slice %arg11[%dma_start3A_139, %dma_start3A_140] : memref<10112x40xf32, #tpu.memory_space<vmem_shared>> -> memref<10112x40xf32, #tpu.memory_space<vmem_shared>>
        tpu.enqueue_indirect_dma source(%dma_start3A_135 : memref<128x40xf32, #tpu.memory_space<vmem>>) target(%dma_start3A_141 : memref<10112x40xf32, #tpu.memory_space<vmem_shared>>) offsets(%dma_start3A_138 : memref<128xi32, #tpu.memory_space<vmem>>) semaphore(%run_scoped3A_131 : memref<!tpu.dma_semaphore, #tpu.memory_space<semaphore_mem>>) {add = true}
        %dma_wait3A_142 = arith.constant 0 : i32
        %dma_wait3A_143 = arith.constant 0 : i32
        %dma_wait3A_144 = tpu.memref_slice %arg9[%run_scoped3A_99, %dma_wait3A_142, %dma_wait3A_143] : memref<2x128x40xf32, #tpu.memory_space<vmem>> -> memref<1x128x40xf32, #tpu.memory_space<vmem>>
        %dma_wait3A_145 = tpu.memref_squeeze %dma_wait3A_144 : memref<1x128x40xf32, #tpu.memory_space<vmem>> -> memref<128x40xf32, #tpu.memory_space<vmem>>
        %dma_wait3A_146 = arith.constant 0 : i32
        %dma_wait3A_147 = tpu.memref_slice %arg8[%add3A_73, %dma_wait3A_146] : memref<80x128xi32, #tpu.memory_space<vmem>> -> memref<1x128xi32, #tpu.memory_space<vmem>>
        %dma_wait3A_148 = tpu.memref_squeeze %dma_wait3A_147 : memref<1x128xi32, #tpu.memory_space<vmem>> -> memref<128xi32, #tpu.memory_space<vmem>>
        %dma_wait3A_149 = arith.constant 0 : i32
        %dma_wait3A_150 = arith.constant 0 : i32
        %dma_wait3A_151 = tpu.memref_slice %arg11[%dma_wait3A_149, %dma_wait3A_150] : memref<10112x40xf32, #tpu.memory_space<vmem_shared>> -> memref<10112x40xf32, #tpu.memory_space<vmem_shared>>
        tpu.wait_indirect_dma semaphore(%run_scoped3A_131 : memref<!tpu.dma_semaphore, #tpu.memory_space<semaphore_mem>>) src(%dma_wait3A_145 : memref<128x40xf32, #tpu.memory_space<vmem>>) dst(%dma_wait3A_151 : memref<10112x40xf32, #tpu.memory_space<vmem_shared>>)
        tpu.yield
      }) : () -> ()
      %mul3A_100 = arith.constant 2 : i32
      %mul3A_101 = arith.muli %add3A_69, %mul3A_100 : i32
      %add3A_102 = arith.constant 1 : i32
      %add3A_103 = arith.addi %mul3A_101, %add3A_102 : i32
      %add3A_104 = arith.constant 1 : i32
      %add3A_105 = arith.addi %add3A_103, %add3A_104 : i32
      %rem3A_106 = arith.constant 80 : i32
      %rem3A_107 = arith.remsi %add3A_105, %rem3A_106 : i32
      %dma_start3A_108 = arith.constant 0 : i32
      %dma_start3A_109 = arith.constant 0 : i32
      %dma_start3A_110 = arith.constant 0 : i32
      %dma_start3A_111 = tpu.memref_slice %arg9[%dma_start3A_108, %dma_start3A_109, %dma_start3A_110] : memref<2x128x40xf32, #tpu.memory_space<vmem>> -> memref<1x128x40xf32, #tpu.memory_space<vmem>>
      %dma_start3A_112 = tpu.memref_squeeze %dma_start3A_111 : memref<1x128x40xf32, #tpu.memory_space<vmem>> -> memref<128x40xf32, #tpu.memory_space<vmem>>
      %dma_start3A_113 = arith.constant 0 : i32
      %dma_start3A_114 = tpu.memref_slice %arg7[%rem3A_107, %dma_start3A_113] : memref<80x128xi32, #tpu.memory_space<vmem>> -> memref<1x128xi32, #tpu.memory_space<vmem>>
      %dma_start3A_115 = tpu.memref_squeeze %dma_start3A_114 : memref<1x128xi32, #tpu.memory_space<vmem>> -> memref<128xi32, #tpu.memory_space<vmem>>
      %dma_start3A_116 = arith.constant 0 : i32
      %dma_start3A_117 = arith.constant 0 : i32
      %dma_start3A_118 = tpu.memref_slice %arg2[%dma_start3A_116, %dma_start3A_117] : memref<10112x40xf32, #tpu.memory_space<hbm>> -> memref<10112x40xf32, #tpu.memory_space<hbm>>
      tpu.enqueue_indirect_dma source(%dma_start3A_118 : memref<10112x40xf32, #tpu.memory_space<hbm>>) target(%dma_start3A_112 : memref<128x40xf32, #tpu.memory_space<vmem>>) offsets(%dma_start3A_115 : memref<128xi32, #tpu.memory_space<vmem>>) semaphore(%arg12 : memref<!tpu.dma_semaphore, #tpu.memory_space<semaphore_mem>>)
      %dma_wait3A_119 = arith.constant 1 : i32
      %dma_wait3A_120 = arith.constant 0 : i32
      %dma_wait3A_121 = arith.constant 0 : i32
      %dma_wait3A_122 = tpu.memref_slice %arg9[%dma_wait3A_119, %dma_wait3A_120, %dma_wait3A_121] : memref<2x128x40xf32, #tpu.memory_space<vmem>> -> memref<1x128x40xf32, #tpu.memory_space<vmem>>
      %dma_wait3A_123 = tpu.memref_squeeze %dma_wait3A_122 : memref<1x128x40xf32, #tpu.memory_space<vmem>> -> memref<128x40xf32, #tpu.memory_space<vmem>>
      %dma_wait3A_124 = arith.constant 0 : i32
      %dma_wait3A_125 = tpu.memref_slice %arg7[%add3A_103, %dma_wait3A_124] : memref<80x128xi32, #tpu.memory_space<vmem>> -> memref<1x128xi32, #tpu.memory_space<vmem>>
      %dma_wait3A_126 = tpu.memref_squeeze %dma_wait3A_125 : memref<1x128xi32, #tpu.memory_space<vmem>> -> memref<128xi32, #tpu.memory_space<vmem>>
      %dma_wait3A_127 = arith.constant 0 : i32
      %dma_wait3A_128 = arith.constant 0 : i32
      %dma_wait3A_129 = tpu.memref_slice %arg2[%dma_wait3A_127, %dma_wait3A_128] : memref<10112x40xf32, #tpu.memory_space<hbm>> -> memref<10112x40xf32, #tpu.memory_space<hbm>>
      tpu.wait_indirect_dma semaphore(%arg13 : memref<!tpu.dma_semaphore, #tpu.memory_space<semaphore_mem>>) src(%dma_wait3A_129 : memref<10112x40xf32, #tpu.memory_space<hbm>>) dst(%dma_wait3A_123 : memref<128x40xf32, #tpu.memory_space<vmem>>)
      %run_scoped3A_130 = arith.constant 1 : i32
      "tpu.region"() ({
        %run_scoped3A_131 = tpu.sem_alloc : memref<!tpu.dma_semaphore, #tpu.memory_space<semaphore_mem>>
        %dma_start3A_132 = arith.constant 0 : i32
        %dma_start3A_133 = arith.constant 0 : i32
        %dma_start3A_134 = tpu.memref_slice %arg9[%run_scoped3A_130, %dma_start3A_132, %dma_start3A_133] : memref<2x128x40xf32, #tpu.memory_space<vmem>> -> memref<1x128x40xf32, #tpu.memory_space<vmem>>
        %dma_start3A_135 = tpu.memref_squeeze %dma_start3A_134 : memref<1x128x40xf32, #tpu.memory_space<vmem>> -> memref<128x40xf32, #tpu.memory_space<vmem>>
        %dma_start3A_136 = arith.constant 0 : i32
        %dma_start3A_137 = tpu.memref_slice %arg8[%add3A_103, %dma_start3A_136] : memref<80x128xi32, #tpu.memory_space<vmem>> -> memref<1x128xi32, #tpu.memory_space<vmem>>
        %dma_start3A_138 = tpu.memref_squeeze %dma_start3A_137 : memref<1x128xi32, #tpu.memory_space<vmem>> -> memref<128xi32, #tpu.memory_space<vmem>>
        %dma_start3A_139 = arith.constant 0 : i32
        %dma_start3A_140 = arith.constant 0 : i32
        %dma_start3A_141 = tpu.memref_slice %arg11[%dma_start3A_139, %dma_start3A_140] : memref<10112x40xf32, #tpu.memory_space<vmem_shared>> -> memref<10112x40xf32, #tpu.memory_space<vmem_shared>>
        tpu.enqueue_indirect_dma source(%dma_start3A_135 : memref<128x40xf32, #tpu.memory_space<vmem>>) target(%dma_start3A_141 : memref<10112x40xf32, #tpu.memory_space<vmem_shared>>) offsets(%dma_start3A_138 : memref<128xi32, #tpu.memory_space<vmem>>) semaphore(%run_scoped3A_131 : memref<!tpu.dma_semaphore, #tpu.memory_space<semaphore_mem>>) {add = true}
        %dma_wait3A_142 = arith.constant 0 : i32
        %dma_wait3A_143 = arith.constant 0 : i32
        %dma_wait3A_144 = tpu.memref_slice %arg9[%run_scoped3A_130, %dma_wait3A_142, %dma_wait3A_143] : memref<2x128x40xf32, #tpu.memory_space<vmem>> -> memref<1x128x40xf32, #tpu.memory_space<vmem>>
        %dma_wait3A_145 = tpu.memref_squeeze %dma_wait3A_144 : memref<1x128x40xf32, #tpu.memory_space<vmem>> -> memref<128x40xf32, #tpu.memory_space<vmem>>
        %dma_wait3A_146 = arith.constant 0 : i32
        %dma_wait3A_147 = tpu.memref_slice %arg8[%add3A_103, %dma_wait3A_146] : memref<80x128xi32, #tpu.memory_space<vmem>> -> memref<1x128xi32, #tpu.memory_space<vmem>>
        %dma_wait3A_148 = tpu.memref_squeeze %dma_wait3A_147 : memref<1x128xi32, #tpu.memory_space<vmem>> -> memref<128xi32, #tpu.memory_space<vmem>>
        %dma_wait3A_149 = arith.constant 0 : i32
        %dma_wait3A_150 = arith.constant 0 : i32
        %dma_wait3A_151 = tpu.memref_slice %arg11[%dma_wait3A_149, %dma_wait3A_150] : memref<10112x40xf32, #tpu.memory_space<vmem_shared>> -> memref<10112x40xf32, #tpu.memory_space<vmem_shared>>
        tpu.wait_indirect_dma semaphore(%run_scoped3A_131 : memref<!tpu.dma_semaphore, #tpu.memory_space<semaphore_mem>>) src(%dma_wait3A_145 : memref<128x40xf32, #tpu.memory_space<vmem>>) dst(%dma_wait3A_151 : memref<10112x40xf32, #tpu.memory_space<vmem_shared>>)
        tpu.yield
      }) : () -> ()
    }
    %scan3A_29 = arith.constant 40 : i32
    %dma_wait3A = arith.constant 0 : i32
    %dma_wait3A_30 = arith.constant 0 : i32
    %dma_wait3A_31 = arith.constant 0 : i32
    %dma_wait3A_32 = arith.constant 0 : i32
    %dma_wait3A_33 = tpu.memref_slice %arg9[%dma_wait3A_30, %dma_wait3A_31, %dma_wait3A_32] : memref<2x128x40xf32, #tpu.memory_space<vmem>> -> memref<1x128x40xf32, #tpu.memory_space<vmem>>
    %dma_wait3A_34 = tpu.memref_squeeze %dma_wait3A_33 : memref<1x128x40xf32, #tpu.memory_space<vmem>> -> memref<128x40xf32, #tpu.memory_space<vmem>>
    %dma_wait3A_35 = arith.constant 0 : i32
    %dma_wait3A_36 = tpu.memref_slice %arg7[%dma_wait3A, %dma_wait3A_35] : memref<80x128xi32, #tpu.memory_space<vmem>> -> memref<1x128xi32, #tpu.memory_space<vmem>>
    %dma_wait3A_37 = tpu.memref_squeeze %dma_wait3A_36 : memref<1x128xi32, #tpu.memory_space<vmem>> -> memref<128xi32, #tpu.memory_space<vmem>>
    %dma_wait3A_38 = arith.constant 0 : i32
    %dma_wait3A_39 = arith.constant 0 : i32
    %dma_wait3A_40 = tpu.memref_slice %arg2[%dma_wait3A_38, %dma_wait3A_39] : memref<10112x40xf32, #tpu.memory_space<hbm>> -> memref<10112x40xf32, #tpu.memory_space<hbm>>
    tpu.wait_indirect_dma semaphore(%arg12 : memref<!tpu.dma_semaphore, #tpu.memory_space<semaphore_mem>>) src(%dma_wait3A_40 : memref<10112x40xf32, #tpu.memory_space<hbm>>) dst(%dma_wait3A_34 : memref<128x40xf32, #tpu.memory_space<vmem>>)
    %barrier3A_41 = arith.constant 0 : index
    tpu.barrier barrier_id(%barrier3A_41)
    %scan3A_42 = arith.constant 0 : i32
    %scan3A_43 = arith.constant 4 : i32
    %scan3A_44 = arith.addi %scan3A_42, %scan3A_43 : i32
    %scan3A_45 = arith.constant 1 : i32
    scf.for %scan3A_65 = %scan3A_42 to %scan3A_44 step %scan3A_45  : i32 {
      %mul3A_66 = arith.constant 1 : i32
      %mul3A_67 = arith.muli %scan3A_65, %mul3A_66 : i32
      %add3A_68 = arith.constant 0 : i32
      %add3A_69 = arith.addi %add3A_68, %mul3A_67 : i32
      %mul3A_70 = arith.constant 128 : i32
      %mul3A_71 = arith.muli %add3A_69, %mul3A_70 : i32
      %add3A_72 = arith.addi %mul3A_6, %mul3A_71 : i32
      %run_scoped3A_73 = arith.constant 0 : i32
      "tpu.region"() ({
        %run_scoped3A_78 = tpu.sem_alloc : memref<!tpu.dma_semaphore, #tpu.memory_space<semaphore_mem>>
        %dma_start3A_79 = arith.constant 0 : i32
        %dma_start3A_80 = arith.constant 0 : i32
        %dma_start3A_81 = tpu.memref_slice %arg9[%run_scoped3A_73, %dma_start3A_79, %dma_start3A_80] : memref<2x128x40xf32, #tpu.memory_space<vmem>> -> memref<1x128x40xf32, #tpu.memory_space<vmem>>
        %dma_start3A_82 = tpu.memref_squeeze %dma_start3A_81 : memref<1x128x40xf32, #tpu.memory_space<vmem>> -> memref<128x40xf32, #tpu.memory_space<vmem>>
        %dma_start3A_83 = arith.constant 0 : i32
        %dma_start3A_84 = tpu.memref_slice %arg11[%add3A_72, %dma_start3A_83] : memref<10112x40xf32, #tpu.memory_space<vmem_shared>> -> memref<128x40xf32, #tpu.memory_space<vmem_shared>>
        %dma_start3A_85 = arith.constant 0 : i32
        %dma_start3A_86 = arith.constant 0 : i32
        %dma_start3A_87 = tpu.memref_slice %arg9[%run_scoped3A_73, %dma_start3A_85, %dma_start3A_86] : memref<2x128x40xf32, #tpu.memory_space<vmem>> -> memref<1x128x40xf32, #tpu.memory_space<vmem>>
        %dma_start3A_88 = tpu.memref_squeeze %dma_start3A_87 : memref<1x128x40xf32, #tpu.memory_space<vmem>> -> memref<128x40xf32, #tpu.memory_space<vmem>>
        %dma_start3A_89 = arith.constant 0 : i32
        %dma_start3A_90 = tpu.memref_slice %arg11[%add3A_72, %dma_start3A_89] : memref<10112x40xf32, #tpu.memory_space<vmem_shared>> -> memref<128x40xf32, #tpu.memory_space<vmem_shared>>
        tpu.enqueue_dma source(%dma_start3A_90 : memref<128x40xf32, #tpu.memory_space<vmem_shared>>) target(%dma_start3A_88 : memref<128x40xf32, #tpu.memory_space<vmem>>) target_semaphore(%run_scoped3A_78 : memref<!tpu.dma_semaphore, #tpu.memory_space<semaphore_mem>>)
        %dma_wait3A_91 = arith.constant 0 : i32
        %dma_wait3A_92 = arith.constant 0 : i32
        %dma_wait3A_93 = tpu.memref_slice %arg9[%run_scoped3A_73, %dma_wait3A_91, %dma_wait3A_92] : memref<2x128x40xf32, #tpu.memory_space<vmem>> -> memref<1x128x40xf32, #tpu.memory_space<vmem>>
        %dma_wait3A_94 = tpu.memref_squeeze %dma_wait3A_93 : memref<1x128x40xf32, #tpu.memory_space<vmem>> -> memref<128x40xf32, #tpu.memory_space<vmem>>
        %dma_wait3A_95 = arith.constant 0 : i32
        %dma_wait3A_96 = tpu.memref_slice %arg11[%add3A_72, %dma_wait3A_95] : memref<10112x40xf32, #tpu.memory_space<vmem_shared>> -> memref<128x40xf32, #tpu.memory_space<vmem_shared>>
        %dma_wait3A_97 = arith.constant 0 : i32
        %dma_wait3A_98 = arith.constant 0 : i32
        %dma_wait3A_99 = tpu.memref_slice %arg9[%run_scoped3A_73, %dma_wait3A_97, %dma_wait3A_98] : memref<2x128x40xf32, #tpu.memory_space<vmem>> -> memref<1x128x40xf32, #tpu.memory_space<vmem>>
        %dma_wait3A_100 = tpu.memref_squeeze %dma_wait3A_99 : memref<1x128x40xf32, #tpu.memory_space<vmem>> -> memref<128x40xf32, #tpu.memory_space<vmem>>
        %dma_wait3A_101 = arith.constant 0 : i32
        %dma_wait3A_102 = tpu.memref_slice %arg11[%add3A_72, %dma_wait3A_101] : memref<10112x40xf32, #tpu.memory_space<vmem_shared>> -> memref<128x40xf32, #tpu.memory_space<vmem_shared>>
        tpu.wait_dma2 semaphore(%run_scoped3A_78 : memref<!tpu.dma_semaphore, #tpu.memory_space<semaphore_mem>>) src(%dma_wait3A_102 : memref<128x40xf32, #tpu.memory_space<vmem_shared>>) dst(%dma_wait3A_100 : memref<128x40xf32, #tpu.memory_space<vmem>>)
        tpu.yield
      }) : () -> ()
      %mul3A_74 = arith.constant 128 : i32
      %mul3A_75 = arith.muli %add3A_69, %mul3A_74 : i32
      %add3A_76 = arith.addi %mul3A_6, %mul3A_75 : i32
      %run_scoped3A_77 = arith.constant 0 : i32
      "tpu.region"() ({
        %run_scoped3A_78 = tpu.sem_alloc : memref<!tpu.dma_semaphore, #tpu.memory_space<semaphore_mem>>
        %dma_start3A_79 = arith.constant 0 : i32
        %dma_start3A_80 = arith.constant 0 : i32
        %dma_start3A_81 = tpu.memref_slice %arg9[%run_scoped3A_77, %dma_start3A_79, %dma_start3A_80] : memref<2x128x40xf32, #tpu.memory_space<vmem>> -> memref<1x128x40xf32, #tpu.memory_space<vmem>>
        %dma_start3A_82 = tpu.memref_squeeze %dma_start3A_81 : memref<1x128x40xf32, #tpu.memory_space<vmem>> -> memref<128x40xf32, #tpu.memory_space<vmem>>
        %dma_start3A_83 = arith.constant 0 : i32
        %dma_start3A_84 = tpu.memref_slice %arg6[%arg0, %add3A_76, %dma_start3A_83] : memref<2x10112x40xf32, #tpu.memory_space<hbm>> -> memref<1x128x40xf32, #tpu.memory_space<hbm>>
        %dma_start3A_85 = tpu.memref_squeeze %dma_start3A_84 : memref<1x128x40xf32, #tpu.memory_space<hbm>> -> memref<128x40xf32, #tpu.memory_space<hbm>>
        %dma_start3A_86 = arith.constant 0 : i32
        %dma_start3A_87 = tpu.memref_slice %arg6[%arg0, %add3A_76, %dma_start3A_86] : memref<2x10112x40xf32, #tpu.memory_space<hbm>> -> memref<1x128x40xf32, #tpu.memory_space<hbm>>
        %dma_start3A_88 = tpu.memref_squeeze %dma_start3A_87 : memref<1x128x40xf32, #tpu.memory_space<hbm>> -> memref<128x40xf32, #tpu.memory_space<hbm>>
        %dma_start3A_89 = arith.constant 0 : i32
        %dma_start3A_90 = arith.constant 0 : i32
        %dma_start3A_91 = tpu.memref_slice %arg9[%run_scoped3A_77, %dma_start3A_89, %dma_start3A_90] : memref<2x128x40xf32, #tpu.memory_space<vmem>> -> memref<1x128x40xf32, #tpu.memory_space<vmem>>
        %dma_start3A_92 = tpu.memref_squeeze %dma_start3A_91 : memref<1x128x40xf32, #tpu.memory_space<vmem>> -> memref<128x40xf32, #tpu.memory_space<vmem>>
        tpu.enqueue_dma source(%dma_start3A_92 : memref<128x40xf32, #tpu.memory_space<vmem>>) target(%dma_start3A_88 : memref<128x40xf32, #tpu.memory_space<hbm>>) target_semaphore(%run_scoped3A_78 : memref<!tpu.dma_semaphore, #tpu.memory_space<semaphore_mem>>)
        %dma_wait3A_93 = arith.constant 0 : i32
        %dma_wait3A_94 = arith.constant 0 : i32
        %dma_wait3A_95 = tpu.memref_slice %arg9[%run_scoped3A_77, %dma_wait3A_93, %dma_wait3A_94] : memref<2x128x40xf32, #tpu.memory_space<vmem>> -> memref<1x128x40xf32, #tpu.memory_space<vmem>>
        %dma_wait3A_96 = tpu.memref_squeeze %dma_wait3A_95 : memref<1x128x40xf32, #tpu.memory_space<vmem>> -> memref<128x40xf32, #tpu.memory_space<vmem>>
        %dma_wait3A_97 = arith.constant 0 : i32
        %dma_wait3A_98 = tpu.memref_slice %arg6[%arg0, %add3A_76, %dma_wait3A_97] : memref<2x10112x40xf32, #tpu.memory_space<hbm>> -> memref<1x128x40xf32, #tpu.memory_space<hbm>>
        %dma_wait3A_99 = tpu.memref_squeeze %dma_wait3A_98 : memref<1x128x40xf32, #tpu.memory_space<hbm>> -> memref<128x40xf32, #tpu.memory_space<hbm>>
        %dma_wait3A_100 = arith.constant 0 : i32
        %dma_wait3A_101 = tpu.memref_slice %arg6[%arg0, %add3A_76, %dma_wait3A_100] : memref<2x10112x40xf32, #tpu.memory_space<hbm>> -> memref<1x128x40xf32, #tpu.memory_space<hbm>>
        %dma_wait3A_102 = tpu.memref_squeeze %dma_wait3A_101 : memref<1x128x40xf32, #tpu.memory_space<hbm>> -> memref<128x40xf32, #tpu.memory_space<hbm>>
        %dma_wait3A_103 = arith.constant 0 : i32
        %dma_wait3A_104 = arith.constant 0 : i32
        %dma_wait3A_105 = tpu.memref_slice %arg9[%run_scoped3A_77, %dma_wait3A_103, %dma_wait3A_104] : memref<2x128x40xf32, #tpu.memory_space<vmem>> -> memref<1x128x40xf32, #tpu.memory_space<vmem>>
        %dma_wait3A_106 = tpu.memref_squeeze %dma_wait3A_105 : memref<1x128x40xf32, #tpu.memory_space<vmem>> -> memref<128x40xf32, #tpu.memory_space<vmem>>
        tpu.wait_dma2 semaphore(%run_scoped3A_78 : memref<!tpu.dma_semaphore, #tpu.memory_space<semaphore_mem>>) src(%dma_wait3A_106 : memref<128x40xf32, #tpu.memory_space<vmem>>) dst(%dma_wait3A_102 : memref<128x40xf32, #tpu.memory_space<hbm>>)
        tpu.yield
      }) : () -> ()
    }
    %scan3A_46 = arith.constant 4 : i32
    %add3A_47 = arith.constant 512 : i32
    %add3A_48 = arith.addi %mul3A_6, %add3A_47 : i32
    %run_scoped3A = arith.constant 0 : i32
    "tpu.region"() ({
      %run_scoped3A_65 = tpu.sem_alloc : memref<!tpu.dma_semaphore, #tpu.memory_space<semaphore_mem>>
      %dma_start3A_66 = arith.constant 0 : i32
      %dma_start3A_67 = arith.constant 0 : i32
      %dma_start3A_68 = tpu.memref_slice %arg9[%run_scoped3A, %dma_start3A_66, %dma_start3A_67] : memref<2x128x40xf32, #tpu.memory_space<vmem>> -> memref<1x120x40xf32, #tpu.memory_space<vmem>>
      %dma_start3A_69 = tpu.memref_squeeze %dma_start3A_68 : memref<1x120x40xf32, #tpu.memory_space<vmem>> -> memref<120x40xf32, #tpu.memory_space<vmem>>
      %dma_start3A_70 = arith.constant 0 : i32
      %dma_start3A_71 = tpu.memref_slice %arg11[%add3A_48, %dma_start3A_70] : memref<10112x40xf32, #tpu.memory_space<vmem_shared>> -> memref<120x40xf32, #tpu.memory_space<vmem_shared>>
      %dma_start3A_72 = arith.constant 0 : i32
      %dma_start3A_73 = arith.constant 0 : i32
      %dma_start3A_74 = tpu.memref_slice %arg9[%run_scoped3A, %dma_start3A_72, %dma_start3A_73] : memref<2x128x40xf32, #tpu.memory_space<vmem>> -> memref<1x120x40xf32, #tpu.memory_space<vmem>>
      %dma_start3A_75 = tpu.memref_squeeze %dma_start3A_74 : memref<1x120x40xf32, #tpu.memory_space<vmem>> -> memref<120x40xf32, #tpu.memory_space<vmem>>
      %dma_start3A_76 = arith.constant 0 : i32
      %dma_start3A_77 = tpu.memref_slice %arg11[%add3A_48, %dma_start3A_76] : memref<10112x40xf32, #tpu.memory_space<vmem_shared>> -> memref<120x40xf32, #tpu.memory_space<vmem_shared>>
      tpu.enqueue_dma source(%dma_start3A_77 : memref<120x40xf32, #tpu.memory_space<vmem_shared>>) target(%dma_start3A_75 : memref<120x40xf32, #tpu.memory_space<vmem>>) target_semaphore(%run_scoped3A_65 : memref<!tpu.dma_semaphore, #tpu.memory_space<semaphore_mem>>)
      %dma_wait3A_78 = arith.constant 0 : i32
      %dma_wait3A_79 = arith.constant 0 : i32
      %dma_wait3A_80 = tpu.memref_slice %arg9[%run_scoped3A, %dma_wait3A_78, %dma_wait3A_79] : memref<2x128x40xf32, #tpu.memory_space<vmem>> -> memref<1x120x40xf32, #tpu.memory_space<vmem>>
      %dma_wait3A_81 = tpu.memref_squeeze %dma_wait3A_80 : memref<1x120x40xf32, #tpu.memory_space<vmem>> -> memref<120x40xf32, #tpu.memory_space<vmem>>
      %dma_wait3A_82 = arith.constant 0 : i32
      %dma_wait3A_83 = tpu.memref_slice %arg11[%add3A_48, %dma_wait3A_82] : memref<10112x40xf32, #tpu.memory_space<vmem_shared>> -> memref<120x40xf32, #tpu.memory_space<vmem_shared>>
      %dma_wait3A_84 = arith.constant 0 : i32
      %dma_wait3A_85 = arith.constant 0 : i32
      %dma_wait3A_86 = tpu.memref_slice %arg9[%run_scoped3A, %dma_wait3A_84, %dma_wait3A_85] : memref<2x128x40xf32, #tpu.memory_space<vmem>> -> memref<1x120x40xf32, #tpu.memory_space<vmem>>
      %dma_wait3A_87 = tpu.memref_squeeze %dma_wait3A_86 : memref<1x120x40xf32, #tpu.memory_space<vmem>> -> memref<120x40xf32, #tpu.memory_space<vmem>>
      %dma_wait3A_88 = arith.constant 0 : i32
      %dma_wait3A_89 = tpu.memref_slice %arg11[%add3A_48, %dma_wait3A_88] : memref<10112x40xf32, #tpu.memory_space<vmem_shared>> -> memref<120x40xf32, #tpu.memory_space<vmem_shared>>
      tpu.wait_dma2 semaphore(%run_scoped3A_65 : memref<!tpu.dma_semaphore, #tpu.memory_space<semaphore_mem>>) src(%dma_wait3A_89 : memref<120x40xf32, #tpu.memory_space<vmem_shared>>) dst(%dma_wait3A_87 : memref<120x40xf32, #tpu.memory_space<vmem>>)
      tpu.yield
    }) : () -> ()
    %add3A_49 = arith.constant 512 : i32
    %add3A_50 = arith.addi %mul3A_6, %add3A_49 : i32
    %run_scoped3A_51 = arith.constant 0 : i32
    "tpu.region"() ({
      %run_scoped3A_65 = tpu.sem_alloc : memref<!tpu.dma_semaphore, #tpu.memory_space<semaphore_mem>>
      %dma_start3A_66 = arith.constant 0 : i32
      %dma_start3A_67 = arith.constant 0 : i32
      %dma_start3A_68 = tpu.memref_slice %arg9[%run_scoped3A_51, %dma_start3A_66, %dma_start3A_67] : memref<2x128x40xf32, #tpu.memory_space<vmem>> -> memref<1x120x40xf32, #tpu.memory_space<vmem>>
      %dma_start3A_69 = tpu.memref_squeeze %dma_start3A_68 : memref<1x120x40xf32, #tpu.memory_space<vmem>> -> memref<120x40xf32, #tpu.memory_space<vmem>>
      %dma_start3A_70 = arith.constant 0 : i32
      %dma_start3A_71 = tpu.memref_slice %arg6[%arg0, %add3A_50, %dma_start3A_70] : memref<2x10112x40xf32, #tpu.memory_space<hbm>> -> memref<1x120x40xf32, #tpu.memory_space<hbm>>
      %dma_start3A_72 = tpu.memref_squeeze %dma_start3A_71 : memref<1x120x40xf32, #tpu.memory_space<hbm>> -> memref<120x40xf32, #tpu.memory_space<hbm>>
      %dma_start3A_73 = arith.constant 0 : i32
      %dma_start3A_74 = tpu.memref_slice %arg6[%arg0, %add3A_50, %dma_start3A_73] : memref<2x10112x40xf32, #tpu.memory_space<hbm>> -> memref<1x120x40xf32, #tpu.memory_space<hbm>>
      %dma_start3A_75 = tpu.memref_squeeze %dma_start3A_74 : memref<1x120x40xf32, #tpu.memory_space<hbm>> -> memref<120x40xf32, #tpu.memory_space<hbm>>
      %dma_start3A_76 = arith.constant 0 : i32
      %dma_start3A_77 = arith.constant 0 : i32
      %dma_start3A_78 = tpu.memref_slice %arg9[%run_scoped3A_51, %dma_start3A_76, %dma_start3A_77] : memref<2x128x40xf32, #tpu.memory_space<vmem>> -> memref<1x120x40xf32, #tpu.memory_space<vmem>>
      %dma_start3A_79 = tpu.memref_squeeze %dma_start3A_78 : memref<1x120x40xf32, #tpu.memory_space<vmem>> -> memref<120x40xf32, #tpu.memory_space<vmem>>
      tpu.enqueue_dma source(%dma_start3A_79 : memref<120x40xf32, #tpu.memory_space<vmem>>) target(%dma_start3A_75 : memref<120x40xf32, #tpu.memory_space<hbm>>) target_semaphore(%run_scoped3A_65 : memref<!tpu.dma_semaphore, #tpu.memory_space<semaphore_mem>>)
      %dma_wait3A_80 = arith.constant 0 : i32
      %dma_wait3A_81 = arith.constant 0 : i32
      %dma_wait3A_82 = tpu.memref_slice %arg9[%run_scoped3A_51, %dma_wait3A_80, %dma_wait3A_81] : memref<2x128x40xf32, #tpu.memory_space<vmem>> -> memref<1x120x40xf32, #tpu.memory_space<vmem>>
      %dma_wait3A_83 = tpu.memref_squeeze %dma_wait3A_82 : memref<1x120x40xf32, #tpu.memory_space<vmem>> -> memref<120x40xf32, #tpu.memory_space<vmem>>
      %dma_wait3A_84 = arith.constant 0 : i32
      %dma_wait3A_85 = tpu.memref_slice %arg6[%arg0, %add3A_50, %dma_wait3A_84] : memref<2x10112x40xf32, #tpu.memory_space<hbm>> -> memref<1x120x40xf32, #tpu.memory_space<hbm>>
      %dma_wait3A_86 = tpu.memref_squeeze %dma_wait3A_85 : memref<1x120x40xf32, #tpu.memory_space<hbm>> -> memref<120x40xf32, #tpu.memory_space<hbm>>
      %dma_wait3A_87 = arith.constant 0 : i32
      %dma_wait3A_88 = tpu.memref_slice %arg6[%arg0, %add3A_50, %dma_wait3A_87] : memref<2x10112x40xf32, #tpu.memory_space<hbm>> -> memref<1x120x40xf32, #tpu.memory_space<hbm>>
      %dma_wait3A_89 = tpu.memref_squeeze %dma_wait3A_88 : memref<1x120x40xf32, #tpu.memory_space<hbm>> -> memref<120x40xf32, #tpu.memory_space<hbm>>
      %dma_wait3A_90 = arith.constant 0 : i32
      %dma_wait3A_91 = arith.constant 0 : i32
      %dma_wait3A_92 = tpu.memref_slice %arg9[%run_scoped3A_51, %dma_wait3A_90, %dma_wait3A_91] : memref<2x128x40xf32, #tpu.memory_space<vmem>> -> memref<1x120x40xf32, #tpu.memory_space<vmem>>
      %dma_wait3A_93 = tpu.memref_squeeze %dma_wait3A_92 : memref<1x120x40xf32, #tpu.memory_space<vmem>> -> memref<120x40xf32, #tpu.memory_space<vmem>>
      tpu.wait_dma2 semaphore(%run_scoped3A_65 : memref<!tpu.dma_semaphore, #tpu.memory_space<semaphore_mem>>) src(%dma_wait3A_93 : memref<120x40xf32, #tpu.memory_space<vmem>>) dst(%dma_wait3A_89 : memref<120x40xf32, #tpu.memory_space<hbm>>)
      tpu.yield
    }) : () -> ()
    %barrier3A_52 = arith.constant 0 : index
    tpu.barrier barrier_id(%barrier3A_52)
    %scan3A_53 = arith.constant 0 : i32
    %scan3A_54 = arith.constant 4 : i32
    %scan3A_55 = arith.addi %scan3A_53, %scan3A_54 : i32
    %scan3A_56 = arith.constant 1 : i32
    scf.for %scan3A_65 = %scan3A_53 to %scan3A_55 step %scan3A_56  : i32 {
      %mul3A_66 = arith.constant 1 : i32
      %mul3A_67 = arith.muli %scan3A_65, %mul3A_66 : i32
      %add3A_68 = arith.constant 0 : i32
      %add3A_69 = arith.addi %add3A_68, %mul3A_67 : i32
      %mul3A_70 = arith.constant 128 : i32
      %mul3A_71 = arith.muli %add3A_69, %mul3A_70 : i32
      %add3A_72 = arith.addi %mul3A_6, %mul3A_71 : i32
      %run_scoped3A_73 = arith.constant 0 : i32
      "tpu.region"() ({
        %run_scoped3A_78 = tpu.sem_alloc : memref<!tpu.dma_semaphore, #tpu.memory_space<semaphore_mem>>
        %dma_start3A_79 = arith.constant 0 : i32
        %dma_start3A_80 = arith.constant 0 : i32
        %dma_start3A_81 = tpu.memref_slice %arg9[%run_scoped3A_73, %dma_start3A_79, %dma_start3A_80] : memref<2x128x40xf32, #tpu.memory_space<vmem>> -> memref<1x128x40xf32, #tpu.memory_space<vmem>>
        %dma_start3A_82 = tpu.memref_squeeze %dma_start3A_81 : memref<1x128x40xf32, #tpu.memory_space<vmem>> -> memref<128x40xf32, #tpu.memory_space<vmem>>
        %dma_start3A_83 = arith.constant 0 : i32
        %dma_start3A_84 = tpu.memref_slice %arg11[%add3A_72, %dma_start3A_83] : memref<10112x40xf32, #tpu.memory_space<vmem_shared>> -> memref<128x40xf32, #tpu.memory_space<vmem_shared>>
        %dma_start3A_85 = arith.constant 0 : i32
        %dma_start3A_86 = arith.constant 0 : i32
        %dma_start3A_87 = tpu.memref_slice %arg9[%run_scoped3A_73, %dma_start3A_85, %dma_start3A_86] : memref<2x128x40xf32, #tpu.memory_space<vmem>> -> memref<1x128x40xf32, #tpu.memory_space<vmem>>
        %dma_start3A_88 = tpu.memref_squeeze %dma_start3A_87 : memref<1x128x40xf32, #tpu.memory_space<vmem>> -> memref<128x40xf32, #tpu.memory_space<vmem>>
        %dma_start3A_89 = arith.constant 0 : i32
        %dma_start3A_90 = tpu.memref_slice %arg11[%add3A_72, %dma_start3A_89] : memref<10112x40xf32, #tpu.memory_space<vmem_shared>> -> memref<128x40xf32, #tpu.memory_space<vmem_shared>>
        tpu.enqueue_dma source(%dma_start3A_90 : memref<128x40xf32, #tpu.memory_space<vmem_shared>>) target(%dma_start3A_88 : memref<128x40xf32, #tpu.memory_space<vmem>>) target_semaphore(%run_scoped3A_78 : memref<!tpu.dma_semaphore, #tpu.memory_space<semaphore_mem>>)
        %dma_wait3A_91 = arith.constant 0 : i32
        %dma_wait3A_92 = arith.constant 0 : i32
        %dma_wait3A_93 = tpu.memref_slice %arg9[%run_scoped3A_73, %dma_wait3A_91, %dma_wait3A_92] : memref<2x128x40xf32, #tpu.memory_space<vmem>> -> memref<1x128x40xf32, #tpu.memory_space<vmem>>
        %dma_wait3A_94 = tpu.memref_squeeze %dma_wait3A_93 : memref<1x128x40xf32, #tpu.memory_space<vmem>> -> memref<128x40xf32, #tpu.memory_space<vmem>>
        %dma_wait3A_95 = arith.constant 0 : i32
        %dma_wait3A_96 = tpu.memref_slice %arg11[%add3A_72, %dma_wait3A_95] : memref<10112x40xf32, #tpu.memory_space<vmem_shared>> -> memref<128x40xf32, #tpu.memory_space<vmem_shared>>
        %dma_wait3A_97 = arith.constant 0 : i32
        %dma_wait3A_98 = arith.constant 0 : i32
        %dma_wait3A_99 = tpu.memref_slice %arg9[%run_scoped3A_73, %dma_wait3A_97, %dma_wait3A_98] : memref<2x128x40xf32, #tpu.memory_space<vmem>> -> memref<1x128x40xf32, #tpu.memory_space<vmem>>
        %dma_wait3A_100 = tpu.memref_squeeze %dma_wait3A_99 : memref<1x128x40xf32, #tpu.memory_space<vmem>> -> memref<128x40xf32, #tpu.memory_space<vmem>>
        %dma_wait3A_101 = arith.constant 0 : i32
        %dma_wait3A_102 = tpu.memref_slice %arg11[%add3A_72, %dma_wait3A_101] : memref<10112x40xf32, #tpu.memory_space<vmem_shared>> -> memref<128x40xf32, #tpu.memory_space<vmem_shared>>
        tpu.wait_dma2 semaphore(%run_scoped3A_78 : memref<!tpu.dma_semaphore, #tpu.memory_space<semaphore_mem>>) src(%dma_wait3A_102 : memref<128x40xf32, #tpu.memory_space<vmem_shared>>) dst(%dma_wait3A_100 : memref<128x40xf32, #tpu.memory_space<vmem>>)
        tpu.yield
      }) : () -> ()
      %mul3A_74 = arith.constant 128 : i32
      %mul3A_75 = arith.muli %add3A_69, %mul3A_74 : i32
      %add3A_76 = arith.addi %mul3A_6, %mul3A_75 : i32
      %run_scoped3A_77 = arith.constant 0 : i32
      "tpu.region"() ({
        %run_scoped3A_78 = tpu.sem_alloc : memref<!tpu.dma_semaphore, #tpu.memory_space<semaphore_mem>>
        %dma_start3A_79 = arith.constant 0 : i32
        %dma_start3A_80 = arith.constant 0 : i32
        %dma_start3A_81 = tpu.memref_slice %arg9[%run_scoped3A_77, %dma_start3A_79, %dma_start3A_80] : memref<2x128x40xf32, #tpu.memory_space<vmem>> -> memref<1x128x40xf32, #tpu.memory_space<vmem>>
        %dma_start3A_82 = tpu.memref_squeeze %dma_start3A_81 : memref<1x128x40xf32, #tpu.memory_space<vmem>> -> memref<128x40xf32, #tpu.memory_space<vmem>>
        %dma_start3A_83 = arith.constant 0 : i32
        %dma_start3A_84 = tpu.memref_slice %arg6[%arg0, %add3A_76, %dma_start3A_83] : memref<2x10112x40xf32, #tpu.memory_space<hbm>> -> memref<1x128x40xf32, #tpu.memory_space<hbm>>
        %dma_start3A_85 = tpu.memref_squeeze %dma_start3A_84 : memref<1x128x40xf32, #tpu.memory_space<hbm>> -> memref<128x40xf32, #tpu.memory_space<hbm>>
        %dma_start3A_86 = arith.constant 0 : i32
        %dma_start3A_87 = tpu.memref_slice %arg6[%arg0, %add3A_76, %dma_start3A_86] : memref<2x10112x40xf32, #tpu.memory_space<hbm>> -> memref<1x128x40xf32, #tpu.memory_space<hbm>>
        %dma_start3A_88 = tpu.memref_squeeze %dma_start3A_87 : memref<1x128x40xf32, #tpu.memory_space<hbm>> -> memref<128x40xf32, #tpu.memory_space<hbm>>
        %dma_start3A_89 = arith.constant 0 : i32
        %dma_start3A_90 = arith.constant 0 : i32
        %dma_start3A_91 = tpu.memref_slice %arg9[%run_scoped3A_77, %dma_start3A_89, %dma_start3A_90] : memref<2x128x40xf32, #tpu.memory_space<vmem>> -> memref<1x128x40xf32, #tpu.memory_space<vmem>>
        %dma_start3A_92 = tpu.memref_squeeze %dma_start3A_91 : memref<1x128x40xf32, #tpu.memory_space<vmem>> -> memref<128x40xf32, #tpu.memory_space<vmem>>
        tpu.enqueue_dma source(%dma_start3A_92 : memref<128x40xf32, #tpu.memory_space<vmem>>) target(%dma_start3A_88 : memref<128x40xf32, #tpu.memory_space<hbm>>) target_semaphore(%run_scoped3A_78 : memref<!tpu.dma_semaphore, #tpu.memory_space<semaphore_mem>>)
        %dma_wait3A_93 = arith.constant 0 : i32
        %dma_wait3A_94 = arith.constant 0 : i32
        %dma_wait3A_95 = tpu.memref_slice %arg9[%run_scoped3A_77, %dma_wait3A_93, %dma_wait3A_94] : memref<2x128x40xf32, #tpu.memory_space<vmem>> -> memref<1x128x40xf32, #tpu.memory_space<vmem>>
        %dma_wait3A_96 = tpu.memref_squeeze %dma_wait3A_95 : memref<1x128x40xf32, #tpu.memory_space<vmem>> -> memref<128x40xf32, #tpu.memory_space<vmem>>
        %dma_wait3A_97 = arith.constant 0 : i32
        %dma_wait3A_98 = tpu.memref_slice %arg6[%arg0, %add3A_76, %dma_wait3A_97] : memref<2x10112x40xf32, #tpu.memory_space<hbm>> -> memref<1x128x40xf32, #tpu.memory_space<hbm>>
        %dma_wait3A_99 = tpu.memref_squeeze %dma_wait3A_98 : memref<1x128x40xf32, #tpu.memory_space<hbm>> -> memref<128x40xf32, #tpu.memory_space<hbm>>
        %dma_wait3A_100 = arith.constant 0 : i32
        %dma_wait3A_101 = tpu.memref_slice %arg6[%arg0, %add3A_76, %dma_wait3A_100] : memref<2x10112x40xf32, #tpu.memory_space<hbm>> -> memref<1x128x40xf32, #tpu.memory_space<hbm>>
        %dma_wait3A_102 = tpu.memref_squeeze %dma_wait3A_101 : memref<1x128x40xf32, #tpu.memory_space<hbm>> -> memref<128x40xf32, #tpu.memory_space<hbm>>
        %dma_wait3A_103 = arith.constant 0 : i32
        %dma_wait3A_104 = arith.constant 0 : i32
        %dma_wait3A_105 = tpu.memref_slice %arg9[%run_scoped3A_77, %dma_wait3A_103, %dma_wait3A_104] : memref<2x128x40xf32, #tpu.memory_space<vmem>> -> memref<1x128x40xf32, #tpu.memory_space<vmem>>
        %dma_wait3A_106 = tpu.memref_squeeze %dma_wait3A_105 : memref<1x128x40xf32, #tpu.memory_space<vmem>> -> memref<128x40xf32, #tpu.memory_space<vmem>>
        tpu.wait_dma2 semaphore(%run_scoped3A_78 : memref<!tpu.dma_semaphore, #tpu.memory_space<semaphore_mem>>) src(%dma_wait3A_106 : memref<128x40xf32, #tpu.memory_space<vmem>>) dst(%dma_wait3A_102 : memref<128x40xf32, #tpu.memory_space<hbm>>)
        tpu.yield
      }) : () -> ()
    }
    %scan3A_57 = arith.constant 4 : i32
    %add3A_58 = arith.constant 512 : i32
    %add3A_59 = arith.addi %mul3A_6, %add3A_58 : i32
    %run_scoped3A_60 = arith.constant 0 : i32
    "tpu.region"() ({
      %run_scoped3A_65 = tpu.sem_alloc : memref<!tpu.dma_semaphore, #tpu.memory_space<semaphore_mem>>
      %dma_start3A_66 = arith.constant 0 : i32
      %dma_start3A_67 = arith.constant 0 : i32
      %dma_start3A_68 = tpu.memref_slice %arg9[%run_scoped3A_60, %dma_start3A_66, %dma_start3A_67] : memref<2x128x40xf32, #tpu.memory_space<vmem>> -> memref<1x120x40xf32, #tpu.memory_space<vmem>>
      %dma_start3A_69 = tpu.memref_squeeze %dma_start3A_68 : memref<1x120x40xf32, #tpu.memory_space<vmem>> -> memref<120x40xf32, #tpu.memory_space<vmem>>
      %dma_start3A_70 = arith.constant 0 : i32
      %dma_start3A_71 = tpu.memref_slice %arg11[%add3A_59, %dma_start3A_70] : memref<10112x40xf32, #tpu.memory_space<vmem_shared>> -> memref<120x40xf32, #tpu.memory_space<vmem_shared>>
      %dma_start3A_72 = arith.constant 0 : i32
      %dma_start3A_73 = arith.constant 0 : i32
      %dma_start3A_74 = tpu.memref_slice %arg9[%run_scoped3A_60, %dma_start3A_72, %dma_start3A_73] : memref<2x128x40xf32, #tpu.memory_space<vmem>> -> memref<1x120x40xf32, #tpu.memory_space<vmem>>
      %dma_start3A_75 = tpu.memref_squeeze %dma_start3A_74 : memref<1x120x40xf32, #tpu.memory_space<vmem>> -> memref<120x40xf32, #tpu.memory_space<vmem>>
      %dma_start3A_76 = arith.constant 0 : i32
      %dma_start3A_77 = tpu.memref_slice %arg11[%add3A_59, %dma_start3A_76] : memref<10112x40xf32, #tpu.memory_space<vmem_shared>> -> memref<120x40xf32, #tpu.memory_space<vmem_shared>>
      tpu.enqueue_dma source(%dma_start3A_77 : memref<120x40xf32, #tpu.memory_space<vmem_shared>>) target(%dma_start3A_75 : memref<120x40xf32, #tpu.memory_space<vmem>>) target_semaphore(%run_scoped3A_65 : memref<!tpu.dma_semaphore, #tpu.memory_space<semaphore_mem>>)
      %dma_wait3A_78 = arith.constant 0 : i32
      %dma_wait3A_79 = arith.constant 0 : i32
      %dma_wait3A_80 = tpu.memref_slice %arg9[%run_scoped3A_60, %dma_wait3A_78, %dma_wait3A_79] : memref<2x128x40xf32, #tpu.memory_space<vmem>> -> memref<1x120x40xf32, #tpu.memory_space<vmem>>
      %dma_wait3A_81 = tpu.memref_squeeze %dma_wait3A_80 : memref<1x120x40xf32, #tpu.memory_space<vmem>> -> memref<120x40xf32, #tpu.memory_space<vmem>>
      %dma_wait3A_82 = arith.constant 0 : i32
      %dma_wait3A_83 = tpu.memref_slice %arg11[%add3A_59, %dma_wait3A_82] : memref<10112x40xf32, #tpu.memory_space<vmem_shared>> -> memref<120x40xf32, #tpu.memory_space<vmem_shared>>
      %dma_wait3A_84 = arith.constant 0 : i32
      %dma_wait3A_85 = arith.constant 0 : i32
      %dma_wait3A_86 = tpu.memref_slice %arg9[%run_scoped3A_60, %dma_wait3A_84, %dma_wait3A_85] : memref<2x128x40xf32, #tpu.memory_space<vmem>> -> memref<1x120x40xf32, #tpu.memory_space<vmem>>
      %dma_wait3A_87 = tpu.memref_squeeze %dma_wait3A_86 : memref<1x120x40xf32, #tpu.memory_space<vmem>> -> memref<120x40xf32, #tpu.memory_space<vmem>>
      %dma_wait3A_88 = arith.constant 0 : i32
      %dma_wait3A_89 = tpu.memref_slice %arg11[%add3A_59, %dma_wait3A_88] : memref<10112x40xf32, #tpu.memory_space<vmem_shared>> -> memref<120x40xf32, #tpu.memory_space<vmem_shared>>
      tpu.wait_dma2 semaphore(%run_scoped3A_65 : memref<!tpu.dma_semaphore, #tpu.memory_space<semaphore_mem>>) src(%dma_wait3A_89 : memref<120x40xf32, #tpu.memory_space<vmem_shared>>) dst(%dma_wait3A_87 : memref<120x40xf32, #tpu.memory_space<vmem>>)
      tpu.yield
    }) : () -> ()
    %add3A_61 = arith.constant 512 : i32
    %add3A_62 = arith.addi %mul3A_6, %add3A_61 : i32
    %run_scoped3A_63 = arith.constant 0 : i32
    "tpu.region"() ({
      %run_scoped3A_65 = tpu.sem_alloc : memref<!tpu.dma_semaphore, #tpu.memory_space<semaphore_mem>>
      %dma_start3A_66 = arith.constant 0 : i32
      %dma_start3A_67 = arith.constant 0 : i32
      %dma_start3A_68 = tpu.memref_slice %arg9[%run_scoped3A_63, %dma_start3A_66, %dma_start3A_67] : memref<2x128x40xf32, #tpu.memory_space<vmem>> -> memref<1x120x40xf32, #tpu.memory_space<vmem>>
      %dma_start3A_69 = tpu.memref_squeeze %dma_start3A_68 : memref<1x120x40xf32, #tpu.memory_space<vmem>> -> memref<120x40xf32, #tpu.memory_space<vmem>>
      %dma_start3A_70 = arith.constant 0 : i32
      %dma_start3A_71 = tpu.memref_slice %arg6[%arg0, %add3A_62, %dma_start3A_70] : memref<2x10112x40xf32, #tpu.memory_space<hbm>> -> memref<1x120x40xf32, #tpu.memory_space<hbm>>
      %dma_start3A_72 = tpu.memref_squeeze %dma_start3A_71 : memref<1x120x40xf32, #tpu.memory_space<hbm>> -> memref<120x40xf32, #tpu.memory_space<hbm>>
      %dma_start3A_73 = arith.constant 0 : i32
      %dma_start3A_74 = tpu.memref_slice %arg6[%arg0, %add3A_62, %dma_start3A_73] : memref<2x10112x40xf32, #tpu.memory_space<hbm>> -> memref<1x120x40xf32, #tpu.memory_space<hbm>>
      %dma_start3A_75 = tpu.memref_squeeze %dma_start3A_74 : memref<1x120x40xf32, #tpu.memory_space<hbm>> -> memref<120x40xf32, #tpu.memory_space<hbm>>
      %dma_start3A_76 = arith.constant 0 : i32
      %dma_start3A_77 = arith.constant 0 : i32
      %dma_start3A_78 = tpu.memref_slice %arg9[%run_scoped3A_63, %dma_start3A_76, %dma_start3A_77] : memref<2x128x40xf32, #tpu.memory_space<vmem>> -> memref<1x120x40xf32, #tpu.memory_space<vmem>>
      %dma_start3A_79 = tpu.memref_squeeze %dma_start3A_78 : memref<1x120x40xf32, #tpu.memory_space<vmem>> -> memref<120x40xf32, #tpu.memory_space<vmem>>
      tpu.enqueue_dma source(%dma_start3A_79 : memref<120x40xf32, #tpu.memory_space<vmem>>) target(%dma_start3A_75 : memref<120x40xf32, #tpu.memory_space<hbm>>) target_semaphore(%run_scoped3A_65 : memref<!tpu.dma_semaphore, #tpu.memory_space<semaphore_mem>>)
      %dma_wait3A_80 = arith.constant 0 : i32
      %dma_wait3A_81 = arith.constant 0 : i32
      %dma_wait3A_82 = tpu.memref_slice %arg9[%run_scoped3A_63, %dma_wait3A_80, %dma_wait3A_81] : memref<2x128x40xf32, #tpu.memory_space<vmem>> -> memref<1x120x40xf32, #tpu.memory_space<vmem>>
      %dma_wait3A_83 = tpu.memref_squeeze %dma_wait3A_82 : memref<1x120x40xf32, #tpu.memory_space<vmem>> -> memref<120x40xf32, #tpu.memory_space<vmem>>
      %dma_wait3A_84 = arith.constant 0 : i32
      %dma_wait3A_85 = tpu.memref_slice %arg6[%arg0, %add3A_62, %dma_wait3A_84] : memref<2x10112x40xf32, #tpu.memory_space<hbm>> -> memref<1x120x40xf32, #tpu.memory_space<hbm>>
      %dma_wait3A_86 = tpu.memref_squeeze %dma_wait3A_85 : memref<1x120x40xf32, #tpu.memory_space<hbm>> -> memref<120x40xf32, #tpu.memory_space<hbm>>
      %dma_wait3A_87 = arith.constant 0 : i32
      %dma_wait3A_88 = tpu.memref_slice %arg6[%arg0, %add3A_62, %dma_wait3A_87] : memref<2x10112x40xf32, #tpu.memory_space<hbm>> -> memref<1x120x40xf32, #tpu.memory_space<hbm>>
      %dma_wait3A_89 = tpu.memref_squeeze %dma_wait3A_88 : memref<1x120x40xf32, #tpu.memory_space<hbm>> -> memref<120x40xf32, #tpu.memory_space<hbm>>
      %dma_wait3A_90 = arith.constant 0 : i32
      %dma_wait3A_91 = arith.constant 0 : i32
      %dma_wait3A_92 = tpu.memref_slice %arg9[%run_scoped3A_63, %dma_wait3A_90, %dma_wait3A_91] : memref<2x128x40xf32, #tpu.memory_space<vmem>> -> memref<1x120x40xf32, #tpu.memory_space<vmem>>
      %dma_wait3A_93 = tpu.memref_squeeze %dma_wait3A_92 : memref<1x120x40xf32, #tpu.memory_space<vmem>> -> memref<120x40xf32, #tpu.memory_space<vmem>>
      tpu.wait_dma2 semaphore(%run_scoped3A_65 : memref<!tpu.dma_semaphore, #tpu.memory_space<semaphore_mem>>) src(%dma_wait3A_93 : memref<120x40xf32, #tpu.memory_space<vmem>>) dst(%dma_wait3A_89 : memref<120x40xf32, #tpu.memory_space<hbm>>)
      tpu.yield
    }) : () -> ()
    %barrier3A_64 = arith.constant 0 : index
    tpu.barrier barrier_id(%barrier3A_64)
    return
  }
}

module attributes {stable_mosaic.version = 14 : i64} {
  func.func @_mm1_body(%arg0: i32, %arg1: memref<1264x128xf32, #tpu.memory_space<vmem>>, %arg2: memref<128x16xf32, #tpu.memory_space<vmem>>, %arg3: memref<2x1264x1xf32, #tpu.memory_space<vmem>>, %arg4: memref<1264x16xf32, #tpu.memory_space<vmem>>, %arg5: memref<1264x1xf32, #tpu.memory_space<vmem>>) attributes {dimension_semantics = [#tpu.dimension_semantics<arbitrary>], iteration_bounds = array<i64: 8>, scalar_prefetch = 0 : i64, scratch_operands = 0 : i64, tpu.core_type = #tpu.core_type<tc>, window_params = [{transform_indices = @transform_0, window_bounds = array<i64: 1264, 128>}, {pipeline_mode = #tpu.pipeline_mode<synchronous>, transform_indices = @transform_1, window_bounds = array<i64: 128, 16>}, {transform_indices = @transform_2, window_bounds = array<i64: 2, 1264, 1>}, {transform_indices = @transform_3, window_bounds = array<i64: 1264, 16>}, {transform_indices = @transform_4, window_bounds = array<i64: 1264, 1>}]} {
    %get3A = arith.constant 0 : index
    %get3A_0 = arith.constant 0 : index
    %get3A_1 = arith.constant 0 : index
    %get3A_2 = vector.load %arg3[%get3A, %get3A_0, %get3A_1] : memref<2x1264x1xf32, #tpu.memory_space<vmem>>, vector<2x1264x1xf32>
    %slice3A = vector.extract_strided_slice %get3A_2 {offsets = [0, 0, 0], sizes = [1, 1264, 1], strides = [1, 1, 1]} : vector<2x1264x1xf32> to vector<1x1264x1xf32>
    %squeeze3A = vector.shape_cast %slice3A : vector<1x1264x1xf32> to vector<1264x1xf32>
    %add3A = arith.constant 0.000000e+00 : f32
    %add3A_3 = vector.broadcast %add3A : f32 to vector<1264x1xf32>
    %add3A_4 = arith.addf %add3A_3, %squeeze3A : vector<1264x1xf32>
    %slice3A_5 = vector.extract_strided_slice %get3A_2 {offsets = [1, 0, 0], sizes = [1, 1264, 1], strides = [1, 1, 1]} : vector<2x1264x1xf32> to vector<1x1264x1xf32>
    %squeeze3A_6 = vector.shape_cast %slice3A_5 : vector<1x1264x1xf32> to vector<1264x1xf32>
    %add3A_7 = arith.addf %add3A_4, %squeeze3A_6 : vector<1264x1xf32>
    %add3A_8 = arith.constant 1.000000e+00 : f32
    %add3A_9 = vector.broadcast %add3A_8 : f32 to vector<1264x1xf32>
    %add3A_10 = arith.addf %add3A_9, %add3A_7 : vector<1264x1xf32>
    %rsqrt3A = math.rsqrt %add3A_10 : vector<1264x1xf32>
    %get3A_11 = arith.constant 0 : index
    %get3A_12 = arith.constant 0 : index
    %get3A_13 = vector.load %arg1[%get3A_11, %get3A_12] : memref<1264x128xf32, #tpu.memory_space<vmem>>, vector<1264x128xf32>
    %get3A_14 = arith.constant 0 : index
    %get3A_15 = arith.constant 0 : index
    %get3A_16 = vector.load %arg2[%get3A_14, %get3A_15] : memref<128x16xf32, #tpu.memory_space<vmem>>, vector<128x16xf32>
    %dot_general3A = arith.constant dense<0.000000e+00> : vector<1264x16xf32>
    %dot_general3A_17 = tpu.matmul %get3A_13, %get3A_16, %dot_general3A {dimension_numbers = #tpu.dot_dimension_numbers<[1], [0], [0], [1], [0, 0, 1, 1], [], []>, transpose_lhs_hint = false} : vector<1264x128xf32>, vector<128x16xf32>, vector<1264x16xf32> -> vector<1264x16xf32>
    %mul3A = vector.broadcast %rsqrt3A : vector<1264x1xf32> to vector<1264x16xf32>
    %mul3A_18 = arith.mulf %dot_general3A_17, %mul3A : vector<1264x16xf32>
    %swap3A = arith.constant 0 : index
    %swap3A_19 = arith.constant 0 : index
    %swap3A_20 = vector.load %arg4[%swap3A, %swap3A_19] : memref<1264x16xf32, #tpu.memory_space<vmem>>, vector<1264x16xf32>
    tpu.vector_store %arg4[%swap3A, %swap3A_19], %mul3A_18 {strides = array<i32>} : memref<1264x16xf32, #tpu.memory_space<vmem>>, vector<1264x16xf32>,
    %swap3A_21 = arith.constant 0 : index
    %swap3A_22 = arith.constant 0 : index
    %swap3A_23 = vector.load %arg5[%swap3A_21, %swap3A_22] : memref<1264x1xf32, #tpu.memory_space<vmem>>, vector<1264x1xf32>
    tpu.vector_store %arg5[%swap3A_21, %swap3A_22], %rsqrt3A {strides = array<i32>} : memref<1264x1xf32, #tpu.memory_space<vmem>>, vector<1264x1xf32>,
    return
  }
  func.func @transform_0(%arg0: i32) -> (i32, i32) {
    %c0_i32 = arith.constant 0 : i32
    %c0_i32_0 = arith.constant 0 : i32
    return %arg0, %c0_i32 : i32, i32
  }
  func.func @transform_1(%arg0: i32) -> (i32, i32) {
    %c0_i32 = arith.constant 0 : i32
    %c0_i32_0 = arith.constant 0 : i32
    %c0_i32_1 = arith.constant 0 : i32
    return %c0_i32, %c0_i32_0 : i32, i32
  }
  func.func @transform_2(%arg0: i32) -> (i32, i32, i32) {
    %c0_i32 = arith.constant 0 : i32
    %c0_i32_0 = arith.constant 0 : i32
    %c0_i32_1 = arith.constant 0 : i32
    return %c0_i32, %arg0, %c0_i32_0 : i32, i32, i32
  }
  func.func @transform_3(%arg0: i32) -> (i32, i32) {
    %c0_i32 = arith.constant 0 : i32
    %c0_i32_0 = arith.constant 0 : i32
    return %arg0, %c0_i32 : i32, i32
  }
  func.func @transform_4(%arg0: i32) -> (i32, i32) {
    %c0_i32 = arith.constant 0 : i32
    %c0_i32_0 = arith.constant 0 : i32
    return %arg0, %c0_i32 : i32, i32
  }
}

module attributes {stable_mosaic.version = 14 : i64} {
  func.func @_mm2_body(%arg0: i32, %arg1: memref<2x1264x16xf32, #tpu.memory_space<vmem>>, %arg2: memref<1264x16xf32, #tpu.memory_space<vmem>>, %arg3: memref<1264x1xf32, #tpu.memory_space<vmem>>, %arg4: memref<1x16xf32, #tpu.memory_space<vmem>>, %arg5: memref<16x40xf32, #tpu.memory_space<vmem>>, %arg6: memref<1264x40xf32, #tpu.memory_space<vmem>>) attributes {dimension_semantics = [#tpu.dimension_semantics<arbitrary>], iteration_bounds = array<i64: 8>, scalar_prefetch = 0 : i64, scratch_operands = 0 : i64, tpu.core_type = #tpu.core_type<tc>, window_params = [{transform_indices = @transform_0, window_bounds = array<i64: 2, 1264, 16>}, {transform_indices = @transform_1, window_bounds = array<i64: 1264, 16>}, {transform_indices = @transform_2, window_bounds = array<i64: 1264, 1>}, {pipeline_mode = #tpu.pipeline_mode<synchronous>, transform_indices = @transform_3, window_bounds = array<i64: 1, 16>}, {pipeline_mode = #tpu.pipeline_mode<synchronous>, transform_indices = @transform_4, window_bounds = array<i64: 16, 40>}, {transform_indices = @transform_5, window_bounds = array<i64: 1264, 40>}]} {
    %get3A = arith.constant 0 : index
    %get3A_0 = arith.constant 0 : index
    %get3A_1 = arith.constant 0 : index
    %get3A_2 = vector.load %arg1[%get3A, %get3A_0, %get3A_1] : memref<2x1264x16xf32, #tpu.memory_space<vmem>>, vector<2x1264x16xf32>
    %get3A_3 = arith.constant 0 : index
    %get3A_4 = arith.constant 0 : index
    %get3A_5 = vector.load %arg3[%get3A_3, %get3A_4] : memref<1264x1xf32, #tpu.memory_space<vmem>>, vector<1264x1xf32>
    %slice3A = vector.extract_strided_slice %get3A_2 {offsets = [0, 0, 0], sizes = [1, 1264, 16], strides = [1, 1, 1]} : vector<2x1264x16xf32> to vector<1x1264x16xf32>
    %squeeze3A = vector.shape_cast %slice3A : vector<1x1264x16xf32> to vector<1264x16xf32>
    %add3A = arith.constant 0.000000e+00 : f32
    %add3A_6 = vector.broadcast %add3A : f32 to vector<1264x16xf32>
    %add3A_7 = arith.addf %add3A_6, %squeeze3A : vector<1264x16xf32>
    %slice3A_8 = vector.extract_strided_slice %get3A_2 {offsets = [1, 0, 0], sizes = [1, 1264, 16], strides = [1, 1, 1]} : vector<2x1264x16xf32> to vector<1x1264x16xf32>
    %squeeze3A_9 = vector.shape_cast %slice3A_8 : vector<1x1264x16xf32> to vector<1264x16xf32>
    %add3A_10 = arith.addf %add3A_7, %squeeze3A_9 : vector<1264x16xf32>
    %get3A_11 = arith.constant 0 : index
    %get3A_12 = arith.constant 0 : index
    %get3A_13 = vector.load %arg2[%get3A_11, %get3A_12] : memref<1264x16xf32, #tpu.memory_space<vmem>>, vector<1264x16xf32>
    %add3A_14 = arith.addf %add3A_10, %get3A_13 : vector<1264x16xf32>
    %mul3A = vector.broadcast %get3A_5 : vector<1264x1xf32> to vector<1264x16xf32>
    %mul3A_15 = arith.mulf %mul3A, %add3A_14 : vector<1264x16xf32>
    %get3A_16 = arith.constant 0 : index
    %get3A_17 = arith.constant 0 : index
    %get3A_18 = vector.load %arg4[%get3A_16, %get3A_17] : memref<1x16xf32, #tpu.memory_space<vmem>>, vector<1x16xf32>
    %add3A_19 = vector.broadcast %get3A_18 : vector<1x16xf32> to vector<1264x16xf32>
    %add3A_20 = arith.addf %mul3A_15, %add3A_19 : vector<1264x16xf32>
    %max3A = arith.constant 0.000000e+00 : f32
    %max3A_21 = vector.broadcast %max3A : f32 to vector<1264x16xf32>
    %max3A_22 = arith.maximumf %add3A_20, %max3A_21 : vector<1264x16xf32>
    %get3A_23 = arith.constant 0 : index
    %get3A_24 = arith.constant 0 : index
    %get3A_25 = vector.load %arg5[%get3A_23, %get3A_24] : memref<16x40xf32, #tpu.memory_space<vmem>>, vector<16x40xf32>
    %dot_general3A = arith.constant dense<0.000000e+00> : vector<1264x40xf32>
    %dot_general3A_26 = tpu.matmul %max3A_22, %get3A_25, %dot_general3A {dimension_numbers = #tpu.dot_dimension_numbers<[1], [0], [0], [1], [0, 0, 1, 1], [], []>, transpose_lhs_hint = false} : vector<1264x16xf32>, vector<16x40xf32>, vector<1264x40xf32> -> vector<1264x40xf32>
    %mul3A_27 = vector.broadcast %get3A_5 : vector<1264x1xf32> to vector<1264x40xf32>
    %mul3A_28 = arith.mulf %dot_general3A_26, %mul3A_27 : vector<1264x40xf32>
    %swap3A = arith.constant 0 : index
    %swap3A_29 = arith.constant 0 : index
    %swap3A_30 = vector.load %arg6[%swap3A, %swap3A_29] : memref<1264x40xf32, #tpu.memory_space<vmem>>, vector<1264x40xf32>
    tpu.vector_store %arg6[%swap3A, %swap3A_29], %mul3A_28 {strides = array<i32>} : memref<1264x40xf32, #tpu.memory_space<vmem>>, vector<1264x40xf32>,
    return
  }
  func.func @transform_0(%arg0: i32) -> (i32, i32, i32) {
    %c0_i32 = arith.constant 0 : i32
    %c0_i32_0 = arith.constant 0 : i32
    %c0_i32_1 = arith.constant 0 : i32
    return %c0_i32, %arg0, %c0_i32_0 : i32, i32, i32
  }
  func.func @transform_1(%arg0: i32) -> (i32, i32) {
    %c0_i32 = arith.constant 0 : i32
    %c0_i32_0 = arith.constant 0 : i32
    return %arg0, %c0_i32 : i32, i32
  }
  func.func @transform_2(%arg0: i32) -> (i32, i32) {
    %c0_i32 = arith.constant 0 : i32
    %c0_i32_0 = arith.constant 0 : i32
    return %arg0, %c0_i32 : i32, i32
  }
  func.func @transform_3(%arg0: i32) -> (i32, i32) {
    %c0_i32 = arith.constant 0 : i32
    %c0_i32_0 = arith.constant 0 : i32
    %c0_i32_1 = arith.constant 0 : i32
    return %c0_i32, %c0_i32_0 : i32, i32
  }
  func.func @transform_4(%arg0: i32) -> (i32, i32) {
    %c0_i32 = arith.constant 0 : i32
    %c0_i32_0 = arith.constant 0 : i32
    %c0_i32_1 = arith.constant 0 : i32
    return %c0_i32, %c0_i32_0 : i32, i32
  }
  func.func @transform_5(%arg0: i32) -> (i32, i32) {
    %c0_i32 = arith.constant 0 : i32
    %c0_i32_0 = arith.constant 0 : i32
    return %arg0, %c0_i32 : i32, i32
  }
}

module attributes {stable_mosaic.version = 14 : i64} {
  func.func @_final_body(%arg0: i32, %arg1: memref<2x1264x40xf32, #tpu.memory_space<vmem>>, %arg2: memref<1264x40xf32, #tpu.memory_space<vmem>>, %arg3: memref<1264x1xf32, #tpu.memory_space<vmem>>, %arg4: memref<1x40xf32, #tpu.memory_space<vmem>>, %arg5: memref<1264x40xf32, #tpu.memory_space<vmem>>) attributes {dimension_semantics = [#tpu.dimension_semantics<arbitrary>], iteration_bounds = array<i64: 8>, scalar_prefetch = 0 : i64, scratch_operands = 0 : i64, tpu.core_type = #tpu.core_type<tc>, window_params = [{transform_indices = @transform_0, window_bounds = array<i64: 2, 1264, 40>}, {transform_indices = @transform_1, window_bounds = array<i64: 1264, 40>}, {transform_indices = @transform_2, window_bounds = array<i64: 1264, 1>}, {pipeline_mode = #tpu.pipeline_mode<synchronous>, transform_indices = @transform_3, window_bounds = array<i64: 1, 40>}, {transform_indices = @transform_4, window_bounds = array<i64: 1264, 40>}]} {
    %get3A = arith.constant 0 : index
    %get3A_0 = arith.constant 0 : index
    %get3A_1 = arith.constant 0 : index
    %get3A_2 = vector.load %arg1[%get3A, %get3A_0, %get3A_1] : memref<2x1264x40xf32, #tpu.memory_space<vmem>>, vector<2x1264x40xf32>
    %slice3A = vector.extract_strided_slice %get3A_2 {offsets = [0, 0, 0], sizes = [1, 1264, 40], strides = [1, 1, 1]} : vector<2x1264x40xf32> to vector<1x1264x40xf32>
    %squeeze3A = vector.shape_cast %slice3A : vector<1x1264x40xf32> to vector<1264x40xf32>
    %add3A = arith.constant 0.000000e+00 : f32
    %add3A_3 = vector.broadcast %add3A : f32 to vector<1264x40xf32>
    %add3A_4 = arith.addf %add3A_3, %squeeze3A : vector<1264x40xf32>
    %slice3A_5 = vector.extract_strided_slice %get3A_2 {offsets = [1, 0, 0], sizes = [1, 1264, 40], strides = [1, 1, 1]} : vector<2x1264x40xf32> to vector<1x1264x40xf32>
    %squeeze3A_6 = vector.shape_cast %slice3A_5 : vector<1x1264x40xf32> to vector<1264x40xf32>
    %add3A_7 = arith.addf %add3A_4, %squeeze3A_6 : vector<1264x40xf32>
    %get3A_8 = arith.constant 0 : index
    %get3A_9 = arith.constant 0 : index
    %get3A_10 = vector.load %arg3[%get3A_8, %get3A_9] : memref<1264x1xf32, #tpu.memory_space<vmem>>, vector<1264x1xf32>
    %get3A_11 = arith.constant 0 : index
    %get3A_12 = arith.constant 0 : index
    %get3A_13 = vector.load %arg2[%get3A_11, %get3A_12] : memref<1264x40xf32, #tpu.memory_space<vmem>>, vector<1264x40xf32>
    %add3A_14 = arith.addf %add3A_7, %get3A_13 : vector<1264x40xf32>
    %mul3A = vector.broadcast %get3A_10 : vector<1264x1xf32> to vector<1264x40xf32>
    %mul3A_15 = arith.mulf %mul3A, %add3A_14 : vector<1264x40xf32>
    %get3A_16 = arith.constant 0 : index
    %get3A_17 = arith.constant 0 : index
    %get3A_18 = vector.load %arg4[%get3A_16, %get3A_17] : memref<1x40xf32, #tpu.memory_space<vmem>>, vector<1x40xf32>
    %add3A_19 = vector.broadcast %get3A_18 : vector<1x40xf32> to vector<1264x40xf32>
    %add3A_20 = arith.addf %mul3A_15, %add3A_19 : vector<1264x40xf32>
    %reduce_max3A = arith.constant dense<0xFF800000> : vector<1264xf32>
    %reduce_max3A_21 = vector.multi_reduction <maximumf>, %add3A_20, %reduce_max3A [1] : vector<1264x40xf32> to vector<1264xf32>
    %broadcast_in_dim3A = vector.shape_cast %reduce_max3A_21 : vector<1264xf32> to vector<1264x1xf32>
    %sub3A = vector.broadcast %broadcast_in_dim3A : vector<1264x1xf32> to vector<1264x40xf32>
    %sub3A_22 = arith.subf %add3A_20, %sub3A : vector<1264x40xf32>
    %exp3A = math.exp %sub3A_22 : vector<1264x40xf32>
    %reduce_sum3A = arith.constant dense<0.000000e+00> : vector<1264xf32>
    %reduce_sum3A_23 = vector.multi_reduction <add>, %exp3A, %reduce_sum3A [1] : vector<1264x40xf32> to vector<1264xf32>
    %broadcast_in_dim3A_24 = vector.shape_cast %reduce_sum3A_23 : vector<1264xf32> to vector<1264x1xf32>
    %log3A = math.log %broadcast_in_dim3A_24 : vector<1264x1xf32>
    %add3A_25 = arith.addf %broadcast_in_dim3A, %log3A : vector<1264x1xf32>
    %sub3A_26 = vector.broadcast %add3A_25 : vector<1264x1xf32> to vector<1264x40xf32>
    %sub3A_27 = arith.subf %add3A_20, %sub3A_26 : vector<1264x40xf32>
    %swap3A = arith.constant 0 : index
    %swap3A_28 = arith.constant 0 : index
    %swap3A_29 = vector.load %arg5[%swap3A, %swap3A_28] : memref<1264x40xf32, #tpu.memory_space<vmem>>, vector<1264x40xf32>
    tpu.vector_store %arg5[%swap3A, %swap3A_28], %sub3A_27 {strides = array<i32>} : memref<1264x40xf32, #tpu.memory_space<vmem>>, vector<1264x40xf32>,
    return
  }
  func.func @transform_0(%arg0: i32) -> (i32, i32, i32) {
    %c0_i32 = arith.constant 0 : i32
    %c0_i32_0 = arith.constant 0 : i32
    %c0_i32_1 = arith.constant 0 : i32
    return %c0_i32, %arg0, %c0_i32_0 : i32, i32, i32
  }
  func.func @transform_1(%arg0: i32) -> (i32, i32) {
    %c0_i32 = arith.constant 0 : i32
    %c0_i32_0 = arith.constant 0 : i32
    return %arg0, %c0_i32 : i32, i32
  }
  func.func @transform_2(%arg0: i32) -> (i32, i32) {
    %c0_i32 = arith.constant 0 : i32
    %c0_i32_0 = arith.constant 0 : i32
    return %arg0, %c0_i32 : i32, i32
  }
  func.func @transform_3(%arg0: i32) -> (i32, i32) {
    %c0_i32 = arith.constant 0 : i32
    %c0_i32_0 = arith.constant 0 : i32
    %c0_i32_1 = arith.constant 0 : i32
    return %c0_i32, %c0_i32_0 : i32, i32
  }
  func.func @transform_4(%arg0: i32) -> (i32, i32) {
    %c0_i32 = arith.constant 0 : i32
    %c0_i32_0 = arith.constant 0 : i32
    return %arg0, %c0_i32 : i32, i32
  }
}

</mosaic_0001>

<sc_bundles>
// kernel: kernel.11.cloned.1.call-start
scs
__scs_entry_jumppad:
0x0: {  	(pc) =	sbr.rel $0x88, $3  }
0x1: {  	(tag) =	ssettag $0x0;
	lr =	simm.s32 $0x1  }
0x2: {  	[smem:$0x3F9B] =	sst lr;
	_ =	strace $0xD0000000  }
0x3: {  	_ = 	snop  }
0x4: {  	_ = 	snop  }
0x5: {  	_ = 	snop  }
0x6: {  	_ = 	snop  }
0x7: {  	_ = 	snop  }
__scs_overlays_trampoline_lowered:
0x8: {  	[smem:$0x3FAA] =	sst s0  }
0x9: {  	[smem:$0x3FAB] =	sst s1  }
0xa: {  	[smem:$0x3FAC] =	sst s2  }
0xb: {  	[smem:$0x3FAD] =	sst s3  }
0xc: {  	[smem:$0x3FAE] =	sst s4  }
0xd: {  	[smem:$0x3FAF] =	sst s5  }
0xe: {  	[smem:$0x3FB0] =	sst s6  }
0xf: {  	[smem:$0x3FB1] =	sst s7  }
0x10: {  	[smem:$0x3FB2] =	sst s8  }
0x11: {  	[smem:$0x3FB3] =	sst s9;
	s0 =	simm.s32 @!p0 $0x0  }
0x12: {  	s1 =	sld [smem:$0x3F99];
	s0 =	simm.s32 @p0 $0x1  }
0x13: {  	[smem:$0x3FB4] =	sst s0;
	s0 =	simm.s32 @!p1 $0x0  }
0x14: {  	s2 =	sld [smem:$0x3F98];
	s0 =	simm.s32 @p1 $0x1  }
0x15: {  	[smem:$0x3FB5] =	sst s0;
	s0 =	simm.s32 @!p2 $0x0  }
0x16: {  	s3 =	sld [smem:$0x3FDB];
	s0 =	simm.s32 @p2 $0x1  }
0x17: {  	s4 =	simm.s32 $0x1BF5;
	[smem:$0x3FB7] =	sst s0  }
0x18: {  	s0 =	sld [smem:$0x3F9A];
	_ =	swait.ge [sflag:s4], $0x0  }
0x19: {  	s7 =	sld [smem:$0x3F9B]  }
0x1a: {  	s8 =	sadd.s32 $0xFFFFE003, lr  }
0x1b: {  	s9 =	sadd.s32 $0xFFFFFEF7, lr;
	s5 =	simm.s32 $0xFFFFFFFF;
	p2 =	slt.u32 s8, $0xFFFFF086  }
0x1c: {  	p1 =	slt.u32 s9, $0xF7A;
	s5 =	simm.s32 @!p2 $0x0  }
0x1d: {  	s5 =	simm.s32 @p1 $0x1;
	p0 =	seq.s32 s7, s2  }
0x1e: {  	s7 =	smul.u32 @!p0 $0xF7A, s2;
	p2 =	seq.s32 @!p0 s5, $0x0  }
0x1f: {  	s9 =	smul.u32 $0xF7A, s1;
	s8 =	simm.s32 @!p0 $0x1BF5;
	p2 =	por !p2, p0  }
0x20: {  	[sflag:s8] =	ssyncset.s32 @!p0 $0xFFFFF086;
	s6 =	sadd.s32 @!p0 s3, s7;
	s7 =	simm.s32 @!p0 $0x108  }
0x21: {  	s3 =	sadd.s32 s3, s9;
	s6 =	sadd.s32 @!p0 $0x88, s6;
	s7 =	simm.s32 @p2 $0x1082  }
0x22: {  	[simem:s7], [sflag:s8] =	dma.local @!p0 [hbm:s6], $0xF7A  }
0x23: {  	s9 =	sor.u32 $0xD0000000, s2;
	s6 =	simm.s32 $0x108;
	_ =	swait.ge @!p0 [sflag:s8], $0x0  }
0x24: {  	s3 =	sadd.s32 $0x88, s3;
	s6 =	simm.s32 @!p1 $0x1082;
	[sflag:s4] =	ssyncset.s32 $0xFFFFF086  }
0x25: {  	[simem:s6], [sflag:s4] =	dma.local [hbm:s3], $0xF7A  }
0x26: {  	[smem:$0x3F9B] =	sst s1;
	(tag) =	ssettag s2;
	_ =	strace s9  }
0x27: {  	s1 =	sld [smem:$0x3FAB]  }
0x28: {  	s2 =	sld [smem:$0x3FAC]  }
0x29: {  	s4 =	sld [smem:$0x3FAE]  }
0x2a: {  	p0 =	seq.s32 s5, $0x0;
	s5 =	sld [smem:$0x3FAF]  }
0x2b: {  	s6 =	sld [smem:$0x3FB0]  }
0x2c: {  	s7 =	sld [smem:$0x3FB1]  }
0x2d: {  	s3 =	simm.s32 $0x108;
	s8 =	sld [smem:$0x3FB2]  }
0x2e: {  	s3 =	simm.s32 @!p0 $0x1082;
	s9 =	sld [smem:$0x3FB3]  }
0x2f: {  	lr =	sadd.s32 s0, s3;
	s0 =	sld [smem:$0x3FAA]  }
0x30: {  	s3 =	sld [smem:$0x3FAD]  }
0x31: {  	[smem:$0x3FB6] =	sst s10  }
0x32: {  	s10 =	sld [smem:$0x3FB4];
	_ =	sdelay $0x3  }
0x33: {  	p0 =	seq.s32 s10, $0x1;
	s10 =	sld [smem:$0x3FB6];
	_ =	sdelay $0x3  }
0x34: {  	[smem:$0x3FB6] =	sst s10  }
0x35: {  	s10 =	sld [smem:$0x3FB5];
	_ =	sdelay $0x3  }
0x36: {  	p1 =	seq.s32 s10, $0x1;
	s10 =	sld [smem:$0x3FB6];
	_ =	sdelay $0x3  }
0x37: {  	[smem:$0x3FB6] =	sst s10  }
0x38: {  	s10 =	sld [smem:$0x3FB7]  }
0x39: {  	_ = 	snop;
	(pc) =	sbr.ind lr, $3  }
0x3a: {  	_ = 	snop  }
0x3b: {  	_ = 	snop  }
0x3c: {  	p2 =	seq.s32 s10, $0x1;
	s10 =	sld [smem:$0x3FB6]  }
0x3d: {  	_ =	shalt  }
0x3e: {  	_ =	shalt  }
0x3f: {  	_ =	shalt  }
0x40: {  	_ =	shalt  }
0x41: {  	_ =	shalt  }
0x42: {  	_ =	shalt  }
0x43: {  	_ =	shalt  }
0x44: {  	_ =	shalt  }
0x45: {  	_ =	shalt  }
0x46: {  	_ =	shalt  }
0x47: {  	_ =	shalt  }
0x48: {  	_ =	shalt  }
0x49: {  	_ =	shalt  }
0x4a: {  	_ =	shalt  }
0x4b: {  	_ =	shalt  }
0x4c: {  	_ =	shalt  }
0x4d: {  	_ =	shalt  }
0x4e: {  	_ =	shalt  }
0x4f: {  	_ =	shalt  }
0x50: {  	_ =	shalt  }
0x51: {  	_ =	shalt  }
0x52: {  	_ =	shalt  }
0x53: {  	_ =	shalt  }
0x54: {  	_ =	shalt  }
0x55: {  	_ =	shalt  }
0x56: {  	_ =	shalt  }
0x57: {  	_ =	shalt  }
0x58: {  	_ =	shalt  }
0x59: {  	_ =	shalt  }
0x5a: {  	_ =	shalt  }
0x5b: {  	_ =	shalt  }
0x5c: {  	_ =	shalt  }
0x5d: {  	_ =	shalt  }
0x5e: {  	_ =	shalt  }
0x5f: {  	_ =	shalt  }
0x60: {  	_ =	shalt  }
0x61: {  	_ =	shalt  }
0x62: {  	_ =	shalt  }
0x63: {  	_ =	shalt  }
0x64: {  	_ =	shalt  }
0x65: {  	_ =	shalt  }
0x66: {  	_ =	shalt  }
0x67: {  	_ =	shalt  }
0x68: {  	_ =	shalt  }
0x69: {  	_ =	shalt  }
0x6a: {  	_ =	shalt  }
0x6b: {  	_ =	shalt  }
0x6c: {  	_ =	shalt  }
0x6d: {  	_ =	shalt  }
0x6e: {  	_ =	shalt  }
0x6f: {  	_ =	shalt  }
0x70: {  	_ =	shalt  }
0x71: {  	_ =	shalt  }
0x72: {  	_ =	shalt  }
0x73: {  	_ =	shalt  }
0x74: {  	_ =	shalt  }
0x75: {  	_ =	shalt  }
0x76: {  	_ =	shalt  }
0x77: {  	_ =	shalt  }
0x78: {  	_ =	shalt  }
0x79: {  	_ =	shalt  }
0x7a: {  	_ =	shalt  }
0x7b: {  	_ =	shalt  }
0x7c: {  	_ =	shalt  }
0x7d: {  	_ =	shalt  }
0x7e: {  	_ =	shalt  }
0x7f: {  	_ =	shalt  }
0x80: {  	_ =	shalt  }
0x81: {  	_ =	shalt  }
0x82: {  	_ =	shalt  }
0x83: {  	_ =	shalt  }
0x84: {  	_ =	shalt  }
0x85: {  	_ =	shalt  }
0x86: {  	_ =	shalt  }
0x87: {  	_ =	shalt  }
.Lfunc_end0:
.L_simem_size_0:
called_computation.1_lowered:
.L_overlay_start_0:
0x88: {  	s2 =	sld [smem:$0x3FD9]  }
0x89: {  	s3 =	sld [smem:$0x3FFE];
	_ =	sdelay $0x1  }
0x8a: {  	s1 =	srdreg.scid  }
0x8b: {  	s0 =	sand.u32 $0x1, s1  }
0x8c: {  	s17 =	sshll.u32 s0, $0xA;
	s2 =	sadd.s32 s3, s2  }
0x8d: {  	s2 =	sadd.s32 s2, s17  }
0x8e: {  	[smem:$0x3FC2] =	sst s2  }
0x8f: {  	_ = 	snop  }
0x90: {  	s2 =	sld [smem:$0x3FD0];
	(tm) =	ssettm $0x1  }
0x91: {  	s18 =	sld [smem:$0x3FFB];
	_ =	sdelay $0x3  }
0x92: {  	_ =	strace s18  }
0x93: {  	s3 =	sld [smem:$0x3FFC];
	_ =	sdelay $0x3  }
0x94: {  	_ =	strace s3  }
0x95: {  	s3 =	sld [smem:$0x3FFD];
	_ =	sdelay $0x3  }
0x96: {  	_ =	strace s3  }
0x97: {  	_ =	strace $0x8FFFFFFF  }
0x98: {  	s19 =	sld [smem:$0x3FDB];
	_ =	sdelay $0x1  }
0x99: {  	s4 =	simm.s32 $_scs_section_size  }
0x9a: {  	s5 =	simm.s32 $_size__tile_overlayer_lowered;
	s6 =	simm.s32 $_tile_overlayer_lowered  }
0x9b: {  	s22 =	simm.s32 $0x1BFF;
	s21 =	sshll.u32 s6, $0x1;
	s3 =	sadd.s32 s4, s19  }
0x9c: {  	s7 =	simm.s32 $0x0;
	s20 =	sshll.u32 s5, $0x1;
	s5 =	sadd.s32 s21, s3  }
0x9d: {  	[timem:s7], [sflag:s22] =	dma.local [hbm:s5], s20  }
0x9e: {  	_ =	swait.ge [sflag:s22], s20  }
0x9f: {  	s4 =	ssub.s32 $0x0, s20;
	[sflag:s22] =	ssyncset.done $0x0  }
0xa0: {  	[sflag:s22] =	ssyncadd.s32 s4;
	_ =	sdelay $0x1  }
0xa1: {  	s23 =	simm.s32 $0x1B8B  }
0xa2: {  	_ =	swait.ge [sflag:s23], $0x1  }
0xa3: {  	[sflag:s23] =	ssyncset.done $0x0  }
0xa4: {  	s25 =	simm.s32 $0x1B8E;
	s24 =	sld [smem:$0x3FFE];
	[sflag:s23] =	ssyncadd.s32 $0xFFFFFFFF  }
0xa5: {  	s26 =	simm.s32 $execute0_lowered;
	[smem:$0x3FD2] =	sst s25  }
0xa6: {  	s5 =	sshll.u32 s26, $0x1;
	_ =	strace $0x80000049;
	[dreg:$0x1] =	wrdreg $0xFFFFFFFF  }
0xa7: {  	s28 =	simm.s32 $_size_execute0_lowered;
	s3 =	sadd.s32 s3, s5;
	[dreg:$0x0] =	wrdreg $0x0  }
0xa8: {  	s5 =	sshll.u32 s28, $0x1;
	[dreg:$0x2] =	wrdreg s3  }
0xa9: {  	[dreg:$0x3] =	wrdreg s5  }
0xaa: {  	[dreg:$0x4] =	wrdreg $0xC0  }
0xab: {  	_ =	task [dreg:s7], $0x5FFFF  }
0xac: {  	[dreg:$0x1] =	wrdreg $0xFFFFFFFF  }
0xad: {  	[dreg:$0x0] =	wrdreg $0x60  }
0xae: {  	[dreg:$0x2] =	wrdreg s24  }
0xaf: {  	[dreg:$0x3] =	wrdreg s2  }
0xb0: {  	[dreg:$0x4] =	wrdreg $0x68000  }
0xb1: {  	[dreg:$0x5] =	wrdreg $0x9  }
0xb2: {  	_ =	task.clear_ibuf [dreg:s7], $0x6FFFF;
	_ =	strace $0x90000049  }
0xb3: {  	s29 =	simm.s32 $0x9;
	_ =	strace $0x8000004B  }
0xb4: {  	_ =	swait.ge [sflag:s29], $0x1  }
0xb5: {  	[sflag:s29] =	ssyncadd.s32 $0xFFFFFFFF  }
0xb6: {  	_ =	strace $0x9000004B  }
0xb7: {  	_ =	sfence  }
0xb8: {  	s30 =	sld [smem:$0x0];
	_ =	sdelay $0x2  }
0xb9: {  	s31 =	sshll.u32 s1, $0xD;
	s1 =	sshrl.u32 s1, $0x2  }
0xba: {  	s3 =	sand.u32 $0x4000, s31;
	s1 =	sadd.s32 s1, s30  }
0xbb: {  	s0 =	sor.u32 s3, s0;
	s1 =	sshll.u32 s1, $0x11  }
0xbc: {  	s0 =	sor.u32 s1, s0  }
0xbd: {  	s0 =	sadd.s32 $0x8F2B, s0  }
0xbe: {  	[sflag:s0] =	ssyncadd.remote.s32 $0x1  }
0xbf: {  	_ =	sfence.sel $0xFFFF  }
0xc0: {  	[dreg:$0x0] =	wrdreg $0xFFFFFFFF;
	(pc) =	sbr.abs _section_cstart, $3  }
0xc1: {  	[dreg:$0x1] =	wrdreg $0xFFFFFFFF  }
0xc2: {  	_ =	task.clear_ibuf [dreg:s7], $0x2FFFF;
	_ =	strace $0x9FFFFFFF  }
0xc3: {  	(tm) =	ssettm $0x7FFFFFFF  }
tec
execute0_lowered:
.L_overlay_start_1:
0x0: {  	(tag) =	ssettag $0x1  }
0x1: {  	s0 =	rddreg [dreg:$0x0]  }
0x2: {  	s1 =	rddreg [dreg:$0x1]  }
0x3: {  	s3 =	srdreg.scid;
	s10 =	stileid.u32  }
0x4: {  	s2 =	rddreg [dreg:$0x2];
	s28 =	simm.s32 $0x5000;
	s29 =	simm.s32 $0x5800  }
0x5: {  	s30 =	simm.s32 $0x1;
	s31 =	simm.s32 $0x2;
	s8 =	smul.u32 $0x9E00, s10  }
0x6: {  	s6 =	sand.u32 $0x1, s3;
	s4 =	sshll.u32 s10, $0x1;
	s18 =	smul.u32 $0x2780, s10  }
0x7: {  	s3 =	simm.s32 $0x0;
	s4 =	sor.u32 s6, s4;
	s19 =	smul.u32 $0x27800, s6  }
0x8: {  	[smem:$0x7FF] =	sst s3;
	s9 =	ssub.s32 $0x2, s6;
	s5 =	smul.u32 $0x500, s4  }
0x9: {  	_ =	strace $0x8000004A;
	s4 =	sadd.s32 $0x15A00, s0;
	s17 =	sshrl.u32 s9, $0x1  }
0xa: {  	s20 =	sadd.s32 $0x2000, s18;
	s8 =	sshrl.u32 s8, $0x2;
	s11 =	sadd.s32 s18, s2  }
0xb: {  	s25 =	sadd.s32 $0x1000, s18;
	s22 =	sadd.s32 s19, s20;
	s8 =	sadd.s32 s8, s2  }
0xc: {  	s23 =	sadd.s32 s19, s18;
	s26 =	sadd.s32 s19, s25;
	s7 =	sadd.s32 s5, s0  }
0xd: {  	s0 =	sadd.s32 $0x1600, s0;
	s10 =	sshrl.u32 s22, $0x3;
	s13 =	sadd.s32 $0x800, s8  }
0xe: {  	s14 =	sadd.s32 $0x1000, s8;
	s15 =	sadd.s32 $0x1800, s8;
	[dreg:$0x4] =	wrdreg s0  }
0xf: {  	s0 =	ssub.s32 s9, s17;
	s5 =	sadd.s32 $0xBA00, s7;
	s21 =	sadd.s32 $0x1A00, s7  }
0x10: {  	s9 =	sadd.s32 s20, s2;
	s10 =	sadd.s32 s1, s10;
	[dreg:$0x5] =	wrdreg s5  }
0x11: {  	s20 =	sadd.s32 $0x800, s18;
	[dreg:$0x6] =	wrdreg s21;
	s12 =	smax.u32 s0, $0x1  }
0x12: {  	s0 =	sshrl.u32 s23, $0x3;
	s17 =	sadd.s32 s20, s2;
	s24 =	sadd.s32 s19, s20  }
0x13: {  	s21 =	sadd.s32 $0x1800, s18;
	s23 =	simm.s32 $0x3;
	s16 =	sadd.s32 s1, s0  }
0x14: {  	s0 =	sshrl.u32 s24, $0x3;
	s22 =	sadd.s32 s19, s21;
	s19 =	sadd.s32 s25, s2  }
0x15: {  	s21 =	sadd.s32 s21, s2;
	s25 =	simm.s32 $0x6000;
	s18 =	sadd.s32 s1, s0  }
0x16: {  	s0 =	sshrl.u32 s26, $0x3;
	s22 =	sshrl.u32 s22, $0x3;
	s26 =	simm.s32 $0x80  }
0x17: {  	s20 =	sadd.s32 s1, s0;
	s22 =	sadd.s32 s1, s22;
	s1 =	simm.s32 $0x0  }
.LBB2_1:
0x18: {  	s0 =	rddreg [dreg:$0x5]  }
0x19: {  	[tilespmem:s3], [sflag:$0x3] =	stream.linear.gather [hbm4b:s0+s3], $0x2800, $0x38;
	[tilespmem:$0x8F80] =	vst v63  }
0x1a: {  	_ =	swait.ge [sflag:s23], $0x2800  }
0x1b: {  	[sflag:s23] =	ssyncset.done $0x0  }
0x1c: {  	s5 =	simm.s32 $0x2800;
	s7 =	rddreg [dreg:$0x6];
	[sflag:s23] =	ssyncadd.s32 $0xFFFFD800  }
0x1d: {  	[tilespmem:s5], [sflag:$0x3] =	stream.linear.gather [hbm4b:s7+s3], $0x2800, $0x38;
	[tilespmem:$0x8F80] =	vst v63  }
0x1e: {  	_ =	swait.ge [sflag:s23], $0x2800  }
0x1f: {  	[sflag:s23] =	ssyncset.done $0x0  }
0x20: {  	s24 =	rddreg [dreg:$0x4];
	[sflag:s23] =	ssyncadd.s32 $0xFFFFD800  }
0x21: {  	[tilespmem:s25], [sflag:$0x3] =	stream.linear.gather [hbm4b:s24+s3], $0x800, $0x38;
	[tilespmem:$0x8F80] =	vst v63  }
0x22: {  	_ =	swait.ge [sflag:s23], $0x800  }
0x23: {  	[sflag:s23] =	ssyncset.done $0x0  }
0x24: {  	[sflag:s23] =	ssyncadd.s32 $0xFFFFF800  }
0x25: {  	[spmem:s8] =	stream.linear.scatter [tilespmem:s25], [sflag:$0x3], $0x800, $0x38;
	[tilespmem:$0x8F80] =	vst v63  }
0x26: {  	_ =	swait.ge [sflag:s23], $0x800  }
0x27: {  	[sflag:s23] =	ssyncset.done $0x0  }
0x28: {  	[sflag:s23] =	ssyncadd.s32 $0xFFFFF800  }
0x29: {  	[spmem:s13] =	stream.linear.scatter [tilespmem:s25], [sflag:$0x3], $0x800, $0x38;
	[tilespmem:$0x8F80] =	vst v63  }
0x2a: {  	_ =	swait.ge [sflag:s23], $0x800  }
0x2b: {  	[sflag:s23] =	ssyncset.done $0x0  }
0x2c: {  	[sflag:s23] =	ssyncadd.s32 $0xFFFFF800  }
0x2d: {  	[spmem:s14] =	stream.linear.scatter [tilespmem:s25], [sflag:$0x3], $0x800, $0x38;
	[tilespmem:$0x8F80] =	vst v63  }
0x2e: {  	_ =	swait.ge [sflag:s23], $0x800  }
0x2f: {  	[sflag:s23] =	ssyncset.done $0x0  }
0x30: {  	[sflag:s23] =	ssyncadd.s32 $0xFFFFF800  }
0x31: {  	[spmem:s15] =	stream.linear.scatter [tilespmem:s25], [sflag:$0x3], $0x800, $0x38;
	[tilespmem:$0x8F80] =	vst v63  }
0x32: {  	_ =	swait.ge [sflag:s23], $0x800  }
0x33: {  	[sflag:s23] =	ssyncset.done $0x0  }
0x34: {  	[sflag:s23] =	ssyncadd.s32 $0xFFFFF800  }
0x35: {  	[spmem:s9] =	stream.linear.scatter [tilespmem:s25], [sflag:$0x3], $0x780, $0x38;
	[tilespmem:$0x8F80] =	vst v63  }
0x36: {  	_ =	swait.ge [sflag:s23], $0x780  }
0x37: {  	[sflag:s23] =	ssyncset.done $0x0  }
0x38: {  	[sflag:s23] =	ssyncadd.s32 $0xFFFFF880  }
0x39: {  	[bflag:$0x0] =	sbarrier.arrive $0xFFFF  }
0x3a: {  	_ =	sdelay $0x7ff  }
0x3b: {  	_ =	sdelay $0x7ff  }
0x3c: {  	_ =	sdelay $0x7ff  }
0x3d: {  	_ =	sdelay $0x7ff  }
0x3e: {  	_ =	sdelay $0x7ff  }
0x3f: {  	_ =	sdelay $0x7ff  }
0x40: {  	_ =	sdelay $0x7ff  }
0x41: {  	_ =	sdelay $0x7ff  }
0x42: {  	_ =	sdelay $0x7ff  }
0x43: {  	_ =	sdelay $0x7ff  }
0x44: {  	_ =	sdelay $0x7ff  }
0x45: {  	_ =	sdelay $0x7ff  }
0x46: {  	_ =	sdelay $0x7ff  }
0x47: {  	_ =	sdelay $0x7ff  }
0x48: {  	_ =	sdelay $0x7ff  }
0x49: {  	_ =	sdelay $0x7ff  }
0x4a: {  	_ =	sdelay $0x7ff  }
0x4b: {  	_ =	sdelay $0x7ff  }
0x4c: {  	_ =	sdelay $0xc9  }
0x4d: {  	[bflag:$0x0] =	sbarrier.arrive $0xFFFF  }
0x4e: {  	[tilespmem:s28], [sflag:$0x1] =	stream.indirect.gather [hbm4b:s4+s26], $0x10, s3, s26, $0xb8;
	[tilespmem:$0x8F80] =	vst v63  }
0x4f: {  	s5 =	simm.s32 $0x80  }
0x50: {  	[tilespmem:s29], [sflag:$0x2] =	stream.indirect.gather [hbm4b:s4+s26], $0x10, s5, s26, $0xb8;
	[tilespmem:$0x8F80] =	vst v63  }
0x51: {  	_ =	swait.ge [sflag:s30], $0x800  }
0x52: {  	[sflag:s30] =	ssyncset.done $0x0  }
0x53: {  	s6 =	simm.s32 $0x2800;
	[sflag:s30] =	ssyncadd.s32 $0xFFFFF800  }
0x54: {  	[spmem:s2] =	stream.indirect.scatter.add.f32 [tilespmem:s28], [sflag:$0x3], $0x10, s6, s26, $0xb8;
	[tilespmem:$0x8F80] =	vst v63  }
0x55: {  	_ =	swait.ge [sflag:s23], $0x800  }
0x56: {  	[sflag:s23] =	ssyncset.done $0x0  }
0x57: {  	s7 =	simm.s32 $0x100;
	[sflag:s23] =	ssyncadd.s32 $0xFFFFF800  }
0x58: {  	[tilespmem:s28], [sflag:$0x1] =	stream.indirect.gather [hbm4b:s4+s26], $0x10, s7, s26, $0xb8;
	[tilespmem:$0x8F80] =	vst v63  }
0x59: {  	_ =	swait.ge [sflag:s31], $0x800  }
0x5a: {  	[sflag:s31] =	ssyncset.done $0x0  }
0x5b: {  	s24 =	simm.s32 $0x2880;
	[sflag:s31] =	ssyncadd.s32 $0xFFFFF800  }
0x5c: {  	[spmem:s2] =	stream.indirect.scatter.add.f32 [tilespmem:s29], [sflag:$0x3], $0x10, s24, s26, $0xb8;
	[tilespmem:$0x8F80] =	vst v63  }
0x5d: {  	_ =	swait.ge [sflag:s23], $0x800  }
0x5e: {  	s0 =	simm.s32 $0x100;
	s24 =	simm.s32 $0x800;
	[sflag:s23] =	ssyncset.done $0x0  }
.LBB2_2:
0x5f: {  	s5 =	sadd.s32 $0x80, s0  }
0x60: {  	[sflag:s23] =	ssyncadd.s32 $0xFFFFF800;
	s6 =	smov.u32 s24;
	s7 =	sadd.s32 $0x400, s24  }
0x61: {  	[tilespmem:s29], [sflag:$0x2] =	stream.indirect.gather [hbm4b:s4+s26], $0x10, s5, s26, $0xb8;
	[tilespmem:$0x8F80] =	vst v63  }
0x62: {  	p0 =	sne.s32 s24, $0x9800;
	_ =	swait.ge [sflag:s30], $0x800  }
0x63: {  	[sflag:s30] =	ssyncset.done $0x0  }
0x64: {  	s5 =	sadd.s32 $0x2800, s0;
	[sflag:s30] =	ssyncadd.s32 $0xFFFFF800  }
0x65: {  	[spmem:s2] =	stream.indirect.scatter.add.f32 [tilespmem:s28], [sflag:$0x3], $0x10, s5, s26, $0xb8;
	[tilespmem:$0x8F80] =	vst v63  }
0x66: {  	_ =	swait.ge [sflag:s23], $0x800  }
0x67: {  	[sflag:s23] =	ssyncset.done $0x0  }
0x68: {  	s5 =	sadd.s32 $0x100, s0;
	[sflag:s23] =	ssyncadd.s32 $0xFFFFF800  }
0x69: {  	[tilespmem:s28], [sflag:$0x1] =	stream.indirect.gather [hbm4b:s4+s26], $0x10, s5, s26, $0xb8;
	[tilespmem:$0x8F80] =	vst v63  }
0x6a: {  	_ =	swait.ge [sflag:s31], $0x800  }
.Ltmp0:
0x6b: {  	[sflag:s31] =	ssyncset.done $0x0;
	(pc) =	sbr.rel @p0 .LBB2_2-.Ltmp0, $4  }
0x6c: {  	s0 =	sadd.s32 $0x2880, s0;
	[sflag:s31] =	ssyncadd.s32 $0xFFFFF800  }
0x6d: {  	[spmem:s2] =	stream.indirect.scatter.add.f32 [tilespmem:s29], [sflag:$0x3], $0x10, s0, s26, $0xb8;
	[tilespmem:$0x8F80] =	vst v63  }
0x6e: {  	_ =	swait.ge [sflag:s23], $0x800  }
0x6f: {  	s24 =	smov.u32 s7;
	s0 =	sshra.s32 s6, $0x2;
	[sflag:s23] =	ssyncset.done $0x0  }
0x70: {  	s5 =	sadd.s32 $0x80, s0;
	[sflag:s23] =	ssyncadd.s32 $0xFFFFF800  }
0x71: {  	[tilespmem:s29], [sflag:$0x2] =	stream.indirect.gather [hbm4b:s4+s26], $0x10, s5, s26, $0xb8;
	[tilespmem:$0x8F80] =	vst v63  }
0x72: {  	_ =	swait.ge [sflag:s30], $0x800  }
0x73: {  	[sflag:s30] =	ssyncset.done $0x0  }
0x74: {  	s7 =	sadd.s32 $0x2800, s0;
	[sflag:s30] =	ssyncadd.s32 $0xFFFFF800  }
0x75: {  	[spmem:s2] =	stream.indirect.scatter.add.f32 [tilespmem:s28], [sflag:$0x3], $0x10, s7, s26, $0xb8;
	[tilespmem:$0x8F80] =	vst v63  }
0x76: {  	_ =	swait.ge [sflag:s23], $0x800  }
0x77: {  	[sflag:s23] =	ssyncset.done $0x0  }
0x78: {  	s24 =	sadd.s32 $0x100, s0;
	[sflag:s23] =	ssyncadd.s32 $0xFFFFF800  }
0x79: {  	[tilespmem:s28], [sflag:$0x1] =	stream.indirect.gather [hbm4b:s4+s26], $0x10, s24, s26, $0xb8;
	[tilespmem:$0x8F80] =	vst v63  }
0x7a: {  	_ =	swait.ge [sflag:s31], $0x800  }
0x7b: {  	[sflag:s31] =	ssyncset.done $0x0  }
0x7c: {  	s5 =	sadd.s32 $0x2880, s0;
	[sflag:s31] =	ssyncadd.s32 $0xFFFFF800  }
0x7d: {  	[spmem:s2] =	stream.indirect.scatter.add.f32 [tilespmem:s29], [sflag:$0x3], $0x10, s5, s26, $0xb8;
	[tilespmem:$0x8F80] =	vst v63  }
0x7e: {  	_ =	swait.ge [sflag:s23], $0x800  }
0x7f: {  	[sflag:s23] =	ssyncset.done $0x0  }
0x80: {  	s6 =	simm.s32 $0x2780;
	[sflag:s23] =	ssyncadd.s32 $0xFFFFF800  }
0x81: {  	[tilespmem:s29], [sflag:$0x2] =	stream.indirect.gather [hbm4b:s4+s26], $0x10, s6, s26, $0xb8;
	[tilespmem:$0x8F80] =	vst v63  }
0x82: {  	_ =	swait.ge [sflag:s30], $0x800  }
0x83: {  	[sflag:s30] =	ssyncset.done $0x0  }
0x84: {  	s7 =	simm.s32 $0x4F00;
	[sflag:s30] =	ssyncadd.s32 $0xFFFFF800  }
0x85: {  	[spmem:s2] =	stream.indirect.scatter.add.f32 [tilespmem:s28], [sflag:$0x3], $0x10, s7, s26, $0xb8;
	[tilespmem:$0x8F80] =	vst v63  }
0x86: {  	_ =	swait.ge [sflag:s23], $0x800  }
0x87: {  	[sflag:s23] =	ssyncset.done $0x0  }
0x88: {  	[sflag:s23] =	ssyncadd.s32 $0xFFFFF800  }
0x89: {  	[tilespmem:s28], [sflag:$0x1] =	stream.indirect.gather [hbm4b:s4+s26], $0x10, s3, s26, $0xb8;
	[tilespmem:$0x8F80] =	vst v63  }
0x8a: {  	_ =	swait.ge [sflag:s31], $0x800  }
0x8b: {  	[sflag:s31] =	ssyncset.done $0x0  }
0x8c: {  	s24 =	simm.s32 $0x4F80;
	[sflag:s31] =	ssyncadd.s32 $0xFFFFF800  }
0x8d: {  	[spmem:s2] =	stream.indirect.scatter.add.f32 [tilespmem:s29], [sflag:$0x3], $0x10, s24, s26, $0xb8;
	[tilespmem:$0x8F80] =	vst v63  }
0x8e: {  	_ =	swait.ge [sflag:s23], $0x800  }
0x8f: {  	[sflag:s23] =	ssyncset.done $0x0  }
0x90: {  	[sflag:s23] =	ssyncadd.s32 $0xFFFFF800  }
0x91: {  	_ =	swait.ge [sflag:s30], $0x800  }
0x92: {  	[sflag:s30] =	ssyncset.done $0x0  }
0x93: {  	[sflag:s30] =	ssyncadd.s32 $0xFFFFF800  }
0x94: {  	[bflag:$0x0] =	sbarrier.arrive $0xFFFF  }
0x95: {  	[tilespmem:s28], [sflag:$0x3] =	stream.linear.gather [spmem:s11], $0x800, $0x38;
	[tilespmem:$0x8F80] =	vst v63  }
0x96: {  	_ =	swait.ge [sflag:s23], $0x800  }
0x97: {  	[sflag:s23] =	ssyncset.done $0x0  }
0x98: {  	[sflag:s23] =	ssyncadd.s32 $0xFFFFF800  }
0x99: {  	[hbm4b:s16+s3] =	stream.linear.scatter [tilespmem:s28], [sflag:$0x3], $0x800, $0x38;
	[tilespmem:$0x8F80] =	vst v63  }
0x9a: {  	_ =	swait.ge [sflag:s23], $0x800  }
0x9b: {  	[sflag:s23] =	ssyncset.done $0x0  }
0x9c: {  	[sflag:s23] =	ssyncadd.s32 $0xFFFFF800  }
0x9d: {  	[tilespmem:s28], [sflag:$0x3] =	stream.linear.gather [spmem:s17], $0x800, $0x38;
	[tilespmem:$0x8F80] =	vst v63  }
0x9e: {  	_ =	swait.ge [sflag:s23], $0x800  }
0x9f: {  	[sflag:s23] =	ssyncset.done $0x0  }
0xa0: {  	[sflag:s23] =	ssyncadd.s32 $0xFFFFF800  }
0xa1: {  	[hbm4b:s18+s3] =	stream.linear.scatter [tilespmem:s28], [sflag:$0x3], $0x800, $0x38;
	[tilespmem:$0x8F80] =	vst v63  }
0xa2: {  	_ =	swait.ge [sflag:s23], $0x800  }
0xa3: {  	[sflag:s23] =	ssyncset.done $0x0  }
0xa4: {  	[sflag:s23] =	ssyncadd.s32 $0xFFFFF800  }
0xa5: {  	[tilespmem:s28], [sflag:$0x3] =	stream.linear.gather [spmem:s19], $0x800, $0x38;
	[tilespmem:$0x8F80] =	vst v63  }
0xa6: {  	_ =	swait.ge [sflag:s23], $0x800  }
0xa7: {  	[sflag:s23] =	ssyncset.done $0x0  }
0xa8: {  	[sflag:s23] =	ssyncadd.s32 $0xFFFFF800  }
0xa9: {  	[hbm4b:s20+s3] =	stream.linear.scatter [tilespmem:s28], [sflag:$0x3], $0x800, $0x38;
	[tilespmem:$0x8F80] =	vst v63  }
0xaa: {  	_ =	swait.ge [sflag:s23], $0x800  }
0xab: {  	[sflag:s23] =	ssyncset.done $0x0  }
0xac: {  	[sflag:s23] =	ssyncadd.s32 $0xFFFFF800  }
0xad: {  	[tilespmem:s28], [sflag:$0x3] =	stream.linear.gather [spmem:s21], $0x800, $0x38;
	[tilespmem:$0x8F80] =	vst v63  }
0xae: {  	_ =	swait.ge [sflag:s23], $0x800  }
0xaf: {  	[sflag:s23] =	ssyncset.done $0x0  }
0xb0: {  	[sflag:s23] =	ssyncadd.s32 $0xFFFFF800  }
0xb1: {  	[hbm4b:s22+s3] =	stream.linear.scatter [tilespmem:s28], [sflag:$0x3], $0x800, $0x38;
	[tilespmem:$0x8F80] =	vst v63  }
0xb2: {  	_ =	swait.ge [sflag:s23], $0x800  }
0xb3: {  	[sflag:s23] =	ssyncset.done $0x0  }
0xb4: {  	[sflag:s23] =	ssyncadd.s32 $0xFFFFF800  }
0xb5: {  	[tilespmem:s28], [sflag:$0x3] =	stream.linear.gather [spmem:s9], $0x780, $0x38;
	[tilespmem:$0x8F80] =	vst v63  }
0xb6: {  	_ =	swait.ge [sflag:s23], $0x780  }
0xb7: {  	[sflag:s23] =	ssyncset.done $0x0  }
0xb8: {  	[sflag:s23] =	ssyncadd.s32 $0xFFFFF880  }
0xb9: {  	[hbm4b:s10+s3] =	stream.linear.scatter [tilespmem:s28], [sflag:$0x3], $0x780, $0x38;
	[tilespmem:$0x8F80] =	vst v63  }
0xba: {  	_ =	swait.ge [sflag:s23], $0x780  }
0xbb: {  	[sflag:s23] =	ssyncset.done $0x0  }
0xbc: {  	[sflag:s23] =	ssyncadd.s32 $0xFFFFF880  }
0xbd: {  	[bflag:$0x0] =	sbarrier.arrive $0xFFFF  }
0xbe: {  	[tilespmem:s28], [sflag:$0x3] =	stream.linear.gather [spmem:s11], $0x800, $0x38;
	[tilespmem:$0x8F80] =	vst v63  }
0xbf: {  	_ =	swait.ge [sflag:s23], $0x800  }
0xc0: {  	[sflag:s23] =	ssyncset.done $0x0  }
0xc1: {  	[sflag:s23] =	ssyncadd.s32 $0xFFFFF800  }
0xc2: {  	[hbm4b:s16+s3] =	stream.linear.scatter [tilespmem:s28], [sflag:$0x3], $0x800, $0x38;
	[tilespmem:$0x8F80] =	vst v63  }
0xc3: {  	_ =	swait.ge [sflag:s23], $0x800  }
0xc4: {  	[sflag:s23] =	ssyncset.done $0x0  }
0xc5: {  	[sflag:s23] =	ssyncadd.s32 $0xFFFFF800  }
0xc6: {  	[tilespmem:s28], [sflag:$0x3] =	stream.linear.gather [spmem:s17], $0x800, $0x38;
	[tilespmem:$0x8F80] =	vst v63  }
0xc7: {  	_ =	swait.ge [sflag:s23], $0x800  }
0xc8: {  	[sflag:s23] =	ssyncset.done $0x0  }
0xc9: {  	[sflag:s23] =	ssyncadd.s32 $0xFFFFF800  }
0xca: {  	[hbm4b:s18+s3] =	stream.linear.scatter [tilespmem:s28], [sflag:$0x3], $0x800, $0x38;
	[tilespmem:$0x8F80] =	vst v63  }
0xcb: {  	_ =	swait.ge [sflag:s23], $0x800  }
0xcc: {  	[sflag:s23] =	ssyncset.done $0x0  }
0xcd: {  	[sflag:s23] =	ssyncadd.s32 $0xFFFFF800  }
0xce: {  	[tilespmem:s28], [sflag:$0x3] =	stream.linear.gather [spmem:s19], $0x800, $0x38;
	[tilespmem:$0x8F80] =	vst v63  }
0xcf: {  	_ =	swait.ge [sflag:s23], $0x800  }
0xd0: {  	[sflag:s23] =	ssyncset.done $0x0  }
0xd1: {  	[sflag:s23] =	ssyncadd.s32 $0xFFFFF800  }
0xd2: {  	[hbm4b:s20+s3] =	stream.linear.scatter [tilespmem:s28], [sflag:$0x3], $0x800, $0x38;
	[tilespmem:$0x8F80] =	vst v63  }
0xd3: {  	_ =	swait.ge [sflag:s23], $0x800  }
0xd4: {  	[sflag:s23] =	ssyncset.done $0x0  }
0xd5: {  	[sflag:s23] =	ssyncadd.s32 $0xFFFFF800  }
0xd6: {  	[tilespmem:s28], [sflag:$0x3] =	stream.linear.gather [spmem:s21], $0x800, $0x38;
	[tilespmem:$0x8F80] =	vst v63  }
0xd7: {  	_ =	swait.ge [sflag:s23], $0x800  }
0xd8: {  	[sflag:s23] =	ssyncset.done $0x0  }
0xd9: {  	[sflag:s23] =	ssyncadd.s32 $0xFFFFF800  }
0xda: {  	[hbm4b:s22+s3] =	stream.linear.scatter [tilespmem:s28], [sflag:$0x3], $0x800, $0x38;
	[tilespmem:$0x8F80] =	vst v63  }
0xdb: {  	_ =	swait.ge [sflag:s23], $0x800  }
0xdc: {  	[sflag:s23] =	ssyncset.done $0x0  }
0xdd: {  	[sflag:s23] =	ssyncadd.s32 $0xFFFFF800  }
0xde: {  	[tilespmem:s28], [sflag:$0x3] =	stream.linear.gather [spmem:s9], $0x780, $0x38;
	[tilespmem:$0x8F80] =	vst v63  }
0xdf: {  	_ =	swait.ge [sflag:s23], $0x780  }
0xe0: {  	s1 =	sadd.s32 $0x1, s1;
	[sflag:s23] =	ssyncset.done $0x0  }
0xe1: {  	p0 =	sne.s32 s1, s12;
	[sflag:s23] =	ssyncadd.s32 $0xFFFFF880  }
0xe2: {  	[hbm4b:s10+s3] =	stream.linear.scatter [tilespmem:s28], [sflag:$0x3], $0x780, $0x38;
	[tilespmem:$0x8F80] =	vst v63  }
.Ltmp1:
0xe3: {  	_ =	swait.ge [sflag:s23], $0x780;
	(pc) =	sbr.rel @p0 .LBB2_1-.Ltmp1, $3  }
0xe4: {  	[sflag:s23] =	ssyncset.done $0x0  }
0xe5: {  	[sflag:s23] =	ssyncadd.s32 $0xFFFFF880  }
0xe6: {  	[bflag:$0x0] =	sbarrier.arrive $0xFFFF;
	_ =	sdelay $0x1  }
0xe7: {  	_ =	sfence.sel $0x180000  }
0xe8: {  	[bflag:$0x0] =	sbarrier.arrive $0xFFFF  }
0xe9: {  	_ =	strace $0x9000004A  }
0xea: {  	s0 =	stileid.u32;
	[bflag:$0x2] =	sbarrier.arrive $0xFFFF  }
0xeb: {  	p0 =	sne.s32 s0, $0x0;
	s0 =	rddreg [dreg:$0x3]  }
0xec: {  	s0 =	sadd.s32 @!p0 $0x100000, s0  }
0xed: {  	[sflag:s0] =	ssyncadd.tile.s32 @!p0 $0x1;
	_ =	shalt  }
.Lfunc_end2:
_tile_overlayer_lowered:
.L_overlay_start_2:
0xee: {  	(tag) =	ssettag $0x2  }
0xef: {  	s0 =	rddreg [dreg:$0x0];
	s2 =	stileid.u32  }
0xf0: {  	s1 =	rddreg [dreg:$0x1];
	p0 =	sne.s32 s2, $0x0  }
0xf1: {  	s3 =	rddreg [dreg:$0x2];
	[bflag:$0x3] =	sbarrier.arrive $0xFFFF;
	s2 =	simm.s32 @!p0 $0x1C03  }
0xf2: {  	[timem:s3], [sflag:s2] =	dma.local @!p0 [hbm:s0], s1  }
0xf3: {  	s0 =	simm.s32 @!p0 $0x3  }
0xf4: {  	_ =	swait.ge @!p0 [sflag:s0], s1  }
0xf5: {  	s1 =	ssub.s32 @!p0 $0x0, s1;
	[sflag:s0] =	ssyncset.done @!p0 $0x0  }
0xf6: {  	[sflag:s0] =	ssyncadd.s32 @!p0 s1  }
0xf7: {  	[bflag:$0x3] =	sbarrier.arrive $0xFFFF  }
0xf8: {  	_ =	shalt  }

// kernel: kernel.14.cloned.1.call-start
scs
__scs_entry_jumppad:
0x0: {  	(pc) =	sbr.rel $0x88, $3  }
0x1: {  	(tag) =	ssettag $0x0;
	lr =	simm.s32 $0x1  }
0x2: {  	[smem:$0x3F9B] =	sst lr;
	_ =	strace $0xD0000000  }
0x3: {  	_ = 	snop  }
0x4: {  	_ = 	snop  }
0x5: {  	_ = 	snop  }
0x6: {  	_ = 	snop  }
0x7: {  	_ = 	snop  }
__scs_overlays_trampoline_lowered:
0x8: {  	[smem:$0x3FAA] =	sst s0  }
0x9: {  	[smem:$0x3FAB] =	sst s1  }
0xa: {  	[smem:$0x3FAC] =	sst s2  }
0xb: {  	[smem:$0x3FAD] =	sst s3  }
0xc: {  	[smem:$0x3FAE] =	sst s4  }
0xd: {  	[smem:$0x3FAF] =	sst s5  }
0xe: {  	[smem:$0x3FB0] =	sst s6  }
0xf: {  	[smem:$0x3FB1] =	sst s7  }
0x10: {  	[smem:$0x3FB2] =	sst s8  }
0x11: {  	[smem:$0x3FB3] =	sst s9;
	s0 =	simm.s32 @!p0 $0x0  }
0x12: {  	s1 =	sld [smem:$0x3F99];
	s0 =	simm.s32 @p0 $0x1  }
0x13: {  	[smem:$0x3FB4] =	sst s0;
	s0 =	simm.s32 @!p1 $0x0  }
0x14: {  	s2 =	sld [smem:$0x3F98];
	s0 =	simm.s32 @p1 $0x1  }
0x15: {  	[smem:$0x3FB5] =	sst s0;
	s0 =	simm.s32 @!p2 $0x0  }
0x16: {  	s3 =	sld [smem:$0x3FDB];
	s0 =	simm.s32 @p2 $0x1  }
0x17: {  	s4 =	simm.s32 $0x1BF5;
	[smem:$0x3FB7] =	sst s0  }
0x18: {  	s0 =	sld [smem:$0x3F9A];
	_ =	swait.ge [sflag:s4], $0x0  }
0x19: {  	s7 =	sld [smem:$0x3F9B]  }
0x1a: {  	s8 =	sadd.s32 $0xFFFFE003, lr  }
0x1b: {  	s9 =	sadd.s32 $0xFFFFFEF7, lr;
	s5 =	simm.s32 $0xFFFFFFFF;
	p2 =	slt.u32 s8, $0xFFFFF086  }
0x1c: {  	p1 =	slt.u32 s9, $0xF7A;
	s5 =	simm.s32 @!p2 $0x0  }
0x1d: {  	s5 =	simm.s32 @p1 $0x1;
	p0 =	seq.s32 s7, s2  }
0x1e: {  	s7 =	smul.u32 @!p0 $0xF7A, s2;
	p2 =	seq.s32 @!p0 s5, $0x0  }
0x1f: {  	s9 =	smul.u32 $0xF7A, s1;
	s8 =	simm.s32 @!p0 $0x1BF5;
	p2 =	por !p2, p0  }
0x20: {  	[sflag:s8] =	ssyncset.s32 @!p0 $0xFFFFF086;
	s6 =	sadd.s32 @!p0 s3, s7;
	s7 =	simm.s32 @!p0 $0x108  }
0x21: {  	s3 =	sadd.s32 s3, s9;
	s6 =	sadd.s32 @!p0 $0x88, s6;
	s7 =	simm.s32 @p2 $0x1082  }
0x22: {  	[simem:s7], [sflag:s8] =	dma.local @!p0 [hbm:s6], $0xF7A  }
0x23: {  	s9 =	sor.u32 $0xD0000000, s2;
	s6 =	simm.s32 $0x108;
	_ =	swait.ge @!p0 [sflag:s8], $0x0  }
0x24: {  	s3 =	sadd.s32 $0x88, s3;
	s6 =	simm.s32 @!p1 $0x1082;
	[sflag:s4] =	ssyncset.s32 $0xFFFFF086  }
0x25: {  	[simem:s6], [sflag:s4] =	dma.local [hbm:s3], $0xF7A  }
0x26: {  	[smem:$0x3F9B] =	sst s1;
	(tag) =	ssettag s2;
	_ =	strace s9  }
0x27: {  	s1 =	sld [smem:$0x3FAB]  }
0x28: {  	s2 =	sld [smem:$0x3FAC]  }
0x29: {  	s4 =	sld [smem:$0x3FAE]  }
0x2a: {  	p0 =	seq.s32 s5, $0x0;
	s5 =	sld [smem:$0x3FAF]  }
0x2b: {  	s6 =	sld [smem:$0x3FB0]  }
0x2c: {  	s7 =	sld [smem:$0x3FB1]  }
0x2d: {  	s3 =	simm.s32 $0x108;
	s8 =	sld [smem:$0x3FB2]  }
0x2e: {  	s3 =	simm.s32 @!p0 $0x1082;
	s9 =	sld [smem:$0x3FB3]  }
0x2f: {  	lr =	sadd.s32 s0, s3;
	s0 =	sld [smem:$0x3FAA]  }
0x30: {  	s3 =	sld [smem:$0x3FAD]  }
0x31: {  	[smem:$0x3FB6] =	sst s10  }
0x32: {  	s10 =	sld [smem:$0x3FB4];
	_ =	sdelay $0x3  }
0x33: {  	p0 =	seq.s32 s10, $0x1;
	s10 =	sld [smem:$0x3FB6];
	_ =	sdelay $0x3  }
0x34: {  	[smem:$0x3FB6] =	sst s10  }
0x35: {  	s10 =	sld [smem:$0x3FB5];
	_ =	sdelay $0x3  }
0x36: {  	p1 =	seq.s32 s10, $0x1;
	s10 =	sld [smem:$0x3FB6];
	_ =	sdelay $0x3  }
0x37: {  	[smem:$0x3FB6] =	sst s10  }
0x38: {  	s10 =	sld [smem:$0x3FB7]  }
0x39: {  	_ = 	snop;
	(pc) =	sbr.ind lr, $3  }
0x3a: {  	_ = 	snop  }
0x3b: {  	_ = 	snop  }
0x3c: {  	p2 =	seq.s32 s10, $0x1;
	s10 =	sld [smem:$0x3FB6]  }
0x3d: {  	_ =	shalt  }
0x3e: {  	_ =	shalt  }
0x3f: {  	_ =	shalt  }
0x40: {  	_ =	shalt  }
0x41: {  	_ =	shalt  }
0x42: {  	_ =	shalt  }
0x43: {  	_ =	shalt  }
0x44: {  	_ =	shalt  }
0x45: {  	_ =	shalt  }
0x46: {  	_ =	shalt  }
0x47: {  	_ =	shalt  }
0x48: {  	_ =	shalt  }
0x49: {  	_ =	shalt  }
0x4a: {  	_ =	shalt  }
0x4b: {  	_ =	shalt  }
0x4c: {  	_ =	shalt  }
0x4d: {  	_ =	shalt  }
0x4e: {  	_ =	shalt  }
0x4f: {  	_ =	shalt  }
0x50: {  	_ =	shalt  }
0x51: {  	_ =	shalt  }
0x52: {  	_ =	shalt  }
0x53: {  	_ =	shalt  }
0x54: {  	_ =	shalt  }
0x55: {  	_ =	shalt  }
0x56: {  	_ =	shalt  }
0x57: {  	_ =	shalt  }
0x58: {  	_ =	shalt  }
0x59: {  	_ =	shalt  }
0x5a: {  	_ =	shalt  }
0x5b: {  	_ =	shalt  }
0x5c: {  	_ =	shalt  }
0x5d: {  	_ =	shalt  }
0x5e: {  	_ =	shalt  }
0x5f: {  	_ =	shalt  }
0x60: {  	_ =	shalt  }
0x61: {  	_ =	shalt  }
0x62: {  	_ =	shalt  }
0x63: {  	_ =	shalt  }
0x64: {  	_ =	shalt  }
0x65: {  	_ =	shalt  }
0x66: {  	_ =	shalt  }
0x67: {  	_ =	shalt  }
0x68: {  	_ =	shalt  }
0x69: {  	_ =	shalt  }
0x6a: {  	_ =	shalt  }
0x6b: {  	_ =	shalt  }
0x6c: {  	_ =	shalt  }
0x6d: {  	_ =	shalt  }
0x6e: {  	_ =	shalt  }
0x6f: {  	_ =	shalt  }
0x70: {  	_ =	shalt  }
0x71: {  	_ =	shalt  }
0x72: {  	_ =	shalt  }
0x73: {  	_ =	shalt  }
0x74: {  	_ =	shalt  }
0x75: {  	_ =	shalt  }
0x76: {  	_ =	shalt  }
0x77: {  	_ =	shalt  }
0x78: {  	_ =	shalt  }
0x79: {  	_ =	shalt  }
0x7a: {  	_ =	shalt  }
0x7b: {  	_ =	shalt  }
0x7c: {  	_ =	shalt  }
0x7d: {  	_ =	shalt  }
0x7e: {  	_ =	shalt  }
0x7f: {  	_ =	shalt  }
0x80: {  	_ =	shalt  }
0x81: {  	_ =	shalt  }
0x82: {  	_ =	shalt  }
0x83: {  	_ =	shalt  }
0x84: {  	_ =	shalt  }
0x85: {  	_ =	shalt  }
0x86: {  	_ =	shalt  }
0x87: {  	_ =	shalt  }
.Lfunc_end0:
.L_simem_size_0:
called_computation.2_lowered:
.L_overlay_start_0:
0x88: {  	s2 =	sld [smem:$0x3FD9]  }
0x89: {  	s3 =	sld [smem:$0x3FFE];
	_ =	sdelay $0x1  }
0x8a: {  	s1 =	srdreg.scid  }
0x8b: {  	s0 =	sand.u32 $0x1, s1  }
0x8c: {  	s17 =	sshll.u32 s0, $0xA;
	s2 =	sadd.s32 s3, s2  }
0x8d: {  	s2 =	sadd.s32 s2, s17  }
0x8e: {  	[smem:$0x3FC2] =	sst s2  }
0x8f: {  	_ = 	snop  }
0x90: {  	s2 =	sld [smem:$0x3FD0];
	(tm) =	ssettm $0x1  }
0x91: {  	s18 =	sld [smem:$0x3FFB];
	_ =	sdelay $0x3  }
0x92: {  	_ =	strace s18  }
0x93: {  	s3 =	sld [smem:$0x3FFC];
	_ =	sdelay $0x3  }
0x94: {  	_ =	strace s3  }
0x95: {  	s3 =	sld [smem:$0x3FFD];
	_ =	sdelay $0x3  }
0x96: {  	_ =	strace s3  }
0x97: {  	_ =	strace $0x8FFFFFFF  }
0x98: {  	s19 =	sld [smem:$0x3FDB];
	_ =	sdelay $0x1  }
0x99: {  	s4 =	simm.s32 $_scs_section_size  }
0x9a: {  	s5 =	simm.s32 $_size__tile_overlayer_lowered;
	s6 =	simm.s32 $_tile_overlayer_lowered  }
0x9b: {  	s22 =	simm.s32 $0x1BFF;
	s21 =	sshll.u32 s6, $0x1;
	s3 =	sadd.s32 s4, s19  }
0x9c: {  	s7 =	simm.s32 $0x0;
	s20 =	sshll.u32 s5, $0x1;
	s5 =	sadd.s32 s21, s3  }
0x9d: {  	[timem:s7], [sflag:s22] =	dma.local [hbm:s5], s20  }
0x9e: {  	_ =	swait.ge [sflag:s22], s20  }
0x9f: {  	s4 =	ssub.s32 $0x0, s20;
	[sflag:s22] =	ssyncset.done $0x0  }
0xa0: {  	[sflag:s22] =	ssyncadd.s32 s4;
	_ =	sdelay $0x1  }
0xa1: {  	s23 =	simm.s32 $0x1B8B  }
0xa2: {  	_ =	swait.ge [sflag:s23], $0x1  }
0xa3: {  	[sflag:s23] =	ssyncset.done $0x0  }
0xa4: {  	s25 =	simm.s32 $0x1B8E;
	s24 =	sld [smem:$0x3FFE];
	[sflag:s23] =	ssyncadd.s32 $0xFFFFFFFF  }
0xa5: {  	s26 =	simm.s32 $execute0_lowered;
	[smem:$0x3FD2] =	sst s25  }
0xa6: {  	s5 =	sshll.u32 s26, $0x1;
	_ =	strace $0x8000004C;
	[dreg:$0x1] =	wrdreg $0xFFFFFFFF  }
0xa7: {  	s28 =	simm.s32 $_size_execute0_lowered;
	s3 =	sadd.s32 s3, s5;
	[dreg:$0x0] =	wrdreg $0x0  }
0xa8: {  	s5 =	sshll.u32 s28, $0x1;
	[dreg:$0x2] =	wrdreg s3  }
0xa9: {  	[dreg:$0x3] =	wrdreg s5  }
0xaa: {  	[dreg:$0x4] =	wrdreg $0xC0  }
0xab: {  	_ =	task [dreg:s7], $0x5FFFF  }
0xac: {  	[dreg:$0x1] =	wrdreg $0xFFFFFFFF  }
0xad: {  	[dreg:$0x0] =	wrdreg $0x60  }
0xae: {  	[dreg:$0x2] =	wrdreg s2  }
0xaf: {  	[dreg:$0x3] =	wrdreg s24  }
0xb0: {  	[dreg:$0x4] =	wrdreg $0x8C000  }
0xb1: {  	[dreg:$0x5] =	wrdreg $0x9  }
0xb2: {  	_ =	task.clear_ibuf [dreg:s7], $0x6FFFF;
	_ =	strace $0x9000004C  }
0xb3: {  	s29 =	simm.s32 $0x9;
	_ =	strace $0x8000004E  }
0xb4: {  	_ =	swait.ge [sflag:s29], $0x1  }
0xb5: {  	[sflag:s29] =	ssyncadd.s32 $0xFFFFFFFF  }
0xb6: {  	_ =	strace $0x9000004E  }
0xb7: {  	_ =	sfence  }
0xb8: {  	s30 =	sld [smem:$0x0];
	_ =	sdelay $0x2  }
0xb9: {  	s31 =	sshll.u32 s1, $0xD;
	s1 =	sshrl.u32 s1, $0x2  }
0xba: {  	s3 =	sand.u32 $0x4000, s31;
	s1 =	sadd.s32 s1, s30  }
0xbb: {  	s0 =	sor.u32 s3, s0;
	s1 =	sshll.u32 s1, $0x11  }
0xbc: {  	s0 =	sor.u32 s1, s0  }
0xbd: {  	s0 =	sadd.s32 $0x8F2B, s0  }
0xbe: {  	[sflag:s0] =	ssyncadd.remote.s32 $0x1  }
0xbf: {  	_ =	sfence.sel $0xFFFF  }
0xc0: {  	[dreg:$0x0] =	wrdreg $0xFFFFFFFF;
	(pc) =	sbr.abs _section_cstart, $3  }
0xc1: {  	[dreg:$0x1] =	wrdreg $0xFFFFFFFF  }
0xc2: {  	_ =	task.clear_ibuf [dreg:s7], $0x2FFFF;
	_ =	strace $0x9FFFFFFF  }
0xc3: {  	(tm) =	ssettm $0x7FFFFFFF  }
tec
execute0_lowered:
.L_overlay_start_1:
0x0: {  	(tag) =	ssettag $0x1  }
0x1: {  	s1 =	rddreg [dreg:$0x0]  }
0x2: {  	s0 =	srdreg.scid;
	s2 =	rddreg [dreg:$0x1]  }
0x3: {  	s12 =	stileid.u32;
	s3 =	rddreg [dreg:$0x2];
	s28 =	simm.s32 $0x5000  }
0x4: {  	s29 =	simm.s32 $0x6400;
	s30 =	simm.s32 $0x1;
	s18 =	smul.u32 $0x62C0, s12  }
0x5: {  	s0 =	sand.u32 $0x1, s0;
	s4 =	sshll.u32 s12, $0x1;
	s20 =	smul.u32 $0x278, s12  }
0x6: {  	s31 =	simm.s32 $0x2;
	s14 =	smul.u32 $0x18B00, s12;
	s5 =	sor.u32 s0, s4  }
0x7: {  	s4 =	simm.s32 $0x0;
	s6 =	ssub.s32 $0x2, s0;
	s0 =	smul.u32 $0x62C00, s0  }
0x8: {  	s19 =	sadd.s32 $0x1600, s2;
	s5 =	smul.u32 $0x500, s5;
	[smem:$0x7FF] =	sst s4  }
0x9: {  	s8 =	sshrl.u32 s6, $0x1;
	s9 =	sadd.s32 $0x5000, s18;
	s15 =	sadd.s32 $0x80, s20  }
0xa: {  	s12 =	sshrl.u32 s14, $0x2;
	s16 =	sadd.s32 $0xA000, s14;
	s14 =	sadd.s32 $0xF000, s14  }
0xb: {  	s25 =	sadd.s32 $0x2800, s18;
	_ =	strace $0x8000004D;
	[dreg:$0x4] =	wrdreg s19  }
0xc: {  	s11 =	ssub.s32 s6, s8;
	s10 =	sadd.s32 s0, s9;
	s8 =	sadd.s32 s9, s3  }
0xd: {  	s13 =	smul.u32 $0xA0, s15;
	s12 =	sadd.s32 s12, s3;
	s16 =	sshrl.u32 s16, $0x2  }
0xe: {  	s17 =	sshrl.u32 s14, $0x2;
	s19 =	sadd.s32 s0, s18;
	s20 =	smul.u32 $0x28, s15  }
0xf: {  	s7 =	sadd.s32 s5, s2;
	s2 =	sadd.s32 $0x15A00, s2;
	s10 =	sshrl.u32 s10, $0x3  }
0x10: {  	s11 =	smax.u32 s11, $0x1;
	s14 =	sadd.s32 s16, s3;
	s15 =	sadd.s32 s17, s3  }
0x11: {  	s23 =	sshrl.u32 s19, $0x3;
	s21 =	sadd.s32 $0xBA00, s7;
	s22 =	sadd.s32 $0x1A00, s7  }
0x12: {  	s9 =	sadd.s32 s2, s10;
	s10 =	sadd.s32 s18, s3;
	s13 =	sshrl.u32 s13, $0x2  }
0x13: {  	s16 =	sadd.s32 s2, s23;
	s17 =	sadd.s32 s20, s3;
	[dreg:$0x5] =	wrdreg s21  }
0x14: {  	s24 =	sadd.s32 s0, s20;
	s23 =	simm.s32 $0x3;
	[dreg:$0x6] =	wrdreg s22  }
0x15: {  	s13 =	sadd.s32 s13, s3;
	s19 =	sshrl.u32 s24, $0x3;
	s21 =	sadd.s32 $0x3C00, s18  }
0x16: {  	s22 =	sadd.s32 s0, s25;
	s18 =	sadd.s32 s2, s19;
	s0 =	sadd.s32 s0, s21  }
0x17: {  	s19 =	sadd.s32 s25, s3;
	s26 =	sshrl.u32 s22, $0x3;
	s21 =	sadd.s32 s21, s3  }
0x18: {  	s25 =	simm.s32 $0x7800;
	s0 =	sshrl.u32 s0, $0x3;
	s20 =	sadd.s32 s2, s26  }
0x19: {  	s26 =	simm.s32 $0x80;
	s22 =	sadd.s32 s2, s0;
	s2 =	simm.s32 $0x0  }
.LBB2_1:
0x1a: {  	s0 =	rddreg [dreg:$0x5]  }
0x1b: {  	[tilespmem:s4], [sflag:$0x3] =	stream.linear.gather [hbm4b:s0+s4], $0x2800, $0x38;
	[tilespmem:$0xEEC0] =	vst v63  }
0x1c: {  	_ =	swait.ge [sflag:s23], $0x2800  }
0x1d: {  	[sflag:s23] =	ssyncset.done $0x0  }
0x1e: {  	s5 =	simm.s32 $0x2800;
	s7 =	rddreg [dreg:$0x6];
	[sflag:s23] =	ssyncadd.s32 $0xFFFFD800  }
0x1f: {  	[tilespmem:s5], [sflag:$0x3] =	stream.linear.gather [hbm4b:s7+s4], $0x2800, $0x38;
	[tilespmem:$0xEEC0] =	vst v63  }
0x20: {  	_ =	swait.ge [sflag:s23], $0x2800  }
0x21: {  	[sflag:s23] =	ssyncset.done $0x0  }
0x22: {  	s24 =	rddreg [dreg:$0x4];
	[sflag:s23] =	ssyncadd.s32 $0xFFFFD800  }
0x23: {  	[tilespmem:s25], [sflag:$0x3] =	stream.linear.gather [hbm4b:s24+s4], $0x1400, $0x38;
	[tilespmem:$0xEEC0] =	vst v63  }
0x24: {  	_ =	swait.ge [sflag:s23], $0x1400  }
0x25: {  	[sflag:s23] =	ssyncset.done $0x0  }
0x26: {  	[sflag:s23] =	ssyncadd.s32 $0xFFFFEC00  }
0x27: {  	[spmem:s12] =	stream.linear.scatter [tilespmem:s25], [sflag:$0x3], $0x1400, $0x38;
	[tilespmem:$0xEEC0] =	vst v63  }
0x28: {  	_ =	swait.ge [sflag:s23], $0x1400  }
0x29: {  	[sflag:s23] =	ssyncset.done $0x0  }
0x2a: {  	[sflag:s23] =	ssyncadd.s32 $0xFFFFEC00  }
0x2b: {  	[spmem:s13] =	stream.linear.scatter [tilespmem:s25], [sflag:$0x3], $0x1400, $0x38;
	[tilespmem:$0xEEC0] =	vst v63  }
0x2c: {  	_ =	swait.ge [sflag:s23], $0x1400  }
0x2d: {  	[sflag:s23] =	ssyncset.done $0x0  }
0x2e: {  	[sflag:s23] =	ssyncadd.s32 $0xFFFFEC00  }
0x2f: {  	[spmem:s14] =	stream.linear.scatter [tilespmem:s25], [sflag:$0x3], $0x1400, $0x38;
	[tilespmem:$0xEEC0] =	vst v63  }
0x30: {  	_ =	swait.ge [sflag:s23], $0x1400  }
0x31: {  	[sflag:s23] =	ssyncset.done $0x0  }
0x32: {  	[sflag:s23] =	ssyncadd.s32 $0xFFFFEC00  }
0x33: {  	[spmem:s15] =	stream.linear.scatter [tilespmem:s25], [sflag:$0x3], $0x1400, $0x38;
	[tilespmem:$0xEEC0] =	vst v63  }
0x34: {  	_ =	swait.ge [sflag:s23], $0x1400  }
0x35: {  	[sflag:s23] =	ssyncset.done $0x0  }
0x36: {  	[sflag:s23] =	ssyncadd.s32 $0xFFFFEC00  }
0x37: {  	[spmem:s8] =	stream.linear.scatter [tilespmem:s25], [sflag:$0x3], $0x12C0, $0x38;
	[tilespmem:$0xEEC0] =	vst v63  }
0x38: {  	_ =	swait.ge [sflag:s23], $0x12C0  }
0x39: {  	[sflag:s23] =	ssyncset.done $0x0  }
0x3a: {  	[sflag:s23] =	ssyncadd.s32 $0xFFFFED40  }
0x3b: {  	[bflag:$0x0] =	sbarrier.arrive $0xFFFF  }
0x3c: {  	_ =	sdelay $0x7ff  }
0x3d: {  	_ =	sdelay $0x7ff  }
0x3e: {  	_ =	sdelay $0x7ff  }
0x3f: {  	_ =	sdelay $0x7ff  }
0x40: {  	_ =	sdelay $0x7ff  }
0x41: {  	_ =	sdelay $0x7ff  }
0x42: {  	_ =	sdelay $0x7ff  }
0x43: {  	_ =	sdelay $0x7ff  }
0x44: {  	_ =	sdelay $0x7ff  }
0x45: {  	_ =	sdelay $0x7ff  }
0x46: {  	_ =	sdelay $0x7ff  }
0x47: {  	_ =	sdelay $0x7ff  }
0x48: {  	_ =	sdelay $0x7ff  }
0x49: {  	_ =	sdelay $0x7ff  }
0x4a: {  	_ =	sdelay $0x7ff  }
0x4b: {  	_ =	sdelay $0x7ff  }
0x4c: {  	_ =	sdelay $0x7ff  }
0x4d: {  	_ =	sdelay $0x7ff  }
0x4e: {  	_ =	sdelay $0xc9  }
0x4f: {  	[bflag:$0x0] =	sbarrier.arrive $0xFFFF  }
0x50: {  	[tilespmem:s28], [sflag:$0x1] =	stream.indirect.gather [hbm4b:s1+s26], $0x28, s4, s26, $0xb8;
	[tilespmem:$0xEEC0] =	vst v63  }
0x51: {  	s5 =	simm.s32 $0x80  }
0x52: {  	[tilespmem:s29], [sflag:$0x2] =	stream.indirect.gather [hbm4b:s1+s26], $0x28, s5, s26, $0xb8;
	[tilespmem:$0xEEC0] =	vst v63  }
0x53: {  	_ =	swait.ge [sflag:s30], $0x1400  }
0x54: {  	[sflag:s30] =	ssyncset.done $0x0  }
0x55: {  	s6 =	simm.s32 $0x2800;
	[sflag:s30] =	ssyncadd.s32 $0xFFFFEC00  }
0x56: {  	[spmem:s3] =	stream.indirect.scatter.add.f32 [tilespmem:s28], [sflag:$0x3], $0x28, s6, s26, $0xb8;
	[tilespmem:$0xEEC0] =	vst v63  }
0x57: {  	_ =	swait.ge [sflag:s23], $0x1400  }
0x58: {  	[sflag:s23] =	ssyncset.done $0x0  }
0x59: {  	s7 =	simm.s32 $0x100;
	[sflag:s23] =	ssyncadd.s32 $0xFFFFEC00  }
0x5a: {  	[tilespmem:s28], [sflag:$0x1] =	stream.indirect.gather [hbm4b:s1+s26], $0x28, s7, s26, $0xb8;
	[tilespmem:$0xEEC0] =	vst v63  }
0x5b: {  	_ =	swait.ge [sflag:s31], $0x1400  }
0x5c: {  	[sflag:s31] =	ssyncset.done $0x0  }
0x5d: {  	s24 =	simm.s32 $0x2880;
	[sflag:s31] =	ssyncadd.s32 $0xFFFFEC00  }
0x5e: {  	[spmem:s3] =	stream.indirect.scatter.add.f32 [tilespmem:s29], [sflag:$0x3], $0x28, s24, s26, $0xb8;
	[tilespmem:$0xEEC0] =	vst v63  }
0x5f: {  	_ =	swait.ge [sflag:s23], $0x1400  }
0x60: {  	s0 =	simm.s32 $0x100;
	s24 =	simm.s32 $0x800;
	[sflag:s23] =	ssyncset.done $0x0  }
.LBB2_2:
0x61: {  	s5 =	sadd.s32 $0x80, s0  }
0x62: {  	[sflag:s23] =	ssyncadd.s32 $0xFFFFEC00;
	s6 =	smov.u32 s24;
	s7 =	sadd.s32 $0x400, s24  }
0x63: {  	[tilespmem:s29], [sflag:$0x2] =	stream.indirect.gather [hbm4b:s1+s26], $0x28, s5, s26, $0xb8;
	[tilespmem:$0xEEC0] =	vst v63  }
0x64: {  	p0 =	sne.s32 s24, $0x9800;
	_ =	swait.ge [sflag:s30], $0x1400  }
0x65: {  	[sflag:s30] =	ssyncset.done $0x0  }
0x66: {  	s5 =	sadd.s32 $0x2800, s0;
	[sflag:s30] =	ssyncadd.s32 $0xFFFFEC00  }
0x67: {  	[spmem:s3] =	stream.indirect.scatter.add.f32 [tilespmem:s28], [sflag:$0x3], $0x28, s5, s26, $0xb8;
	[tilespmem:$0xEEC0] =	vst v63  }
0x68: {  	_ =	swait.ge [sflag:s23], $0x1400  }
0x69: {  	[sflag:s23] =	ssyncset.done $0x0  }
0x6a: {  	s5 =	sadd.s32 $0x100, s0;
	[sflag:s23] =	ssyncadd.s32 $0xFFFFEC00  }
0x6b: {  	[tilespmem:s28], [sflag:$0x1] =	stream.indirect.gather [hbm4b:s1+s26], $0x28, s5, s26, $0xb8;
	[tilespmem:$0xEEC0] =	vst v63  }
0x6c: {  	_ =	swait.ge [sflag:s31], $0x1400  }
.Ltmp0:
0x6d: {  	[sflag:s31] =	ssyncset.done $0x0;
	(pc) =	sbr.rel @p0 .LBB2_2-.Ltmp0, $4  }
0x6e: {  	s0 =	sadd.s32 $0x2880, s0;
	[sflag:s31] =	ssyncadd.s32 $0xFFFFEC00  }
0x6f: {  	[spmem:s3] =	stream.indirect.scatter.add.f32 [tilespmem:s29], [sflag:$0x3], $0x28, s0, s26, $0xb8;
	[tilespmem:$0xEEC0] =	vst v63  }
0x70: {  	_ =	swait.ge [sflag:s23], $0x1400  }
0x71: {  	s24 =	smov.u32 s7;
	s0 =	sshra.s32 s6, $0x2;
	[sflag:s23] =	ssyncset.done $0x0  }
0x72: {  	s5 =	sadd.s32 $0x80, s0;
	[sflag:s23] =	ssyncadd.s32 $0xFFFFEC00  }
0x73: {  	[tilespmem:s29], [sflag:$0x2] =	stream.indirect.gather [hbm4b:s1+s26], $0x28, s5, s26, $0xb8;
	[tilespmem:$0xEEC0] =	vst v63  }
0x74: {  	_ =	swait.ge [sflag:s30], $0x1400  }
0x75: {  	[sflag:s30] =	ssyncset.done $0x0  }
0x76: {  	s7 =	sadd.s32 $0x2800, s0;
	[sflag:s30] =	ssyncadd.s32 $0xFFFFEC00  }
0x77: {  	[spmem:s3] =	stream.indirect.scatter.add.f32 [tilespmem:s28], [sflag:$0x3], $0x28, s7, s26, $0xb8;
	[tilespmem:$0xEEC0] =	vst v63  }
0x78: {  	_ =	swait.ge [sflag:s23], $0x1400  }
0x79: {  	[sflag:s23] =	ssyncset.done $0x0  }
0x7a: {  	s24 =	sadd.s32 $0x100, s0;
	[sflag:s23] =	ssyncadd.s32 $0xFFFFEC00  }
0x7b: {  	[tilespmem:s28], [sflag:$0x1] =	stream.indirect.gather [hbm4b:s1+s26], $0x28, s24, s26, $0xb8;
	[tilespmem:$0xEEC0] =	vst v63  }
0x7c: {  	_ =	swait.ge [sflag:s31], $0x1400  }
0x7d: {  	[sflag:s31] =	ssyncset.done $0x0  }
0x7e: {  	s5 =	sadd.s32 $0x2880, s0;
	[sflag:s31] =	ssyncadd.s32 $0xFFFFEC00  }
0x7f: {  	[spmem:s3] =	stream.indirect.scatter.add.f32 [tilespmem:s29], [sflag:$0x3], $0x28, s5, s26, $0xb8;
	[tilespmem:$0xEEC0] =	vst v63  }
0x80: {  	_ =	swait.ge [sflag:s23], $0x1400  }
0x81: {  	[sflag:s23] =	ssyncset.done $0x0  }
0x82: {  	s6 =	simm.s32 $0x2780;
	[sflag:s23] =	ssyncadd.s32 $0xFFFFEC00  }
0x83: {  	[tilespmem:s29], [sflag:$0x2] =	stream.indirect.gather [hbm4b:s1+s26], $0x28, s6, s26, $0xb8;
	[tilespmem:$0xEEC0] =	vst v63  }
0x84: {  	_ =	swait.ge [sflag:s30], $0x1400  }
0x85: {  	[sflag:s30] =	ssyncset.done $0x0  }
0x86: {  	s7 =	simm.s32 $0x4F00;
	[sflag:s30] =	ssyncadd.s32 $0xFFFFEC00  }
0x87: {  	[spmem:s3] =	stream.indirect.scatter.add.f32 [tilespmem:s28], [sflag:$0x3], $0x28, s7, s26, $0xb8;
	[tilespmem:$0xEEC0] =	vst v63  }
0x88: {  	_ =	swait.ge [sflag:s23], $0x1400  }
0x89: {  	[sflag:s23] =	ssyncset.done $0x0  }
0x8a: {  	[sflag:s23] =	ssyncadd.s32 $0xFFFFEC00  }
0x8b: {  	[tilespmem:s28], [sflag:$0x1] =	stream.indirect.gather [hbm4b:s1+s26], $0x28, s4, s26, $0xb8;
	[tilespmem:$0xEEC0] =	vst v63  }
0x8c: {  	_ =	swait.ge [sflag:s31], $0x1400  }
0x8d: {  	[sflag:s31] =	ssyncset.done $0x0  }
0x8e: {  	s24 =	simm.s32 $0x4F80;
	[sflag:s31] =	ssyncadd.s32 $0xFFFFEC00  }
0x8f: {  	[spmem:s3] =	stream.indirect.scatter.add.f32 [tilespmem:s29], [sflag:$0x3], $0x28, s24, s26, $0xb8;
	[tilespmem:$0xEEC0] =	vst v63  }
0x90: {  	_ =	swait.ge [sflag:s23], $0x1400  }
0x91: {  	[sflag:s23] =	ssyncset.done $0x0  }
0x92: {  	[sflag:s23] =	ssyncadd.s32 $0xFFFFEC00  }
0x93: {  	_ =	swait.ge [sflag:s30], $0x1400  }
0x94: {  	[sflag:s30] =	ssyncset.done $0x0  }
0x95: {  	[sflag:s30] =	ssyncadd.s32 $0xFFFFEC00  }
0x96: {  	[bflag:$0x0] =	sbarrier.arrive $0xFFFF  }
0x97: {  	[tilespmem:s28], [sflag:$0x3] =	stream.linear.gather [spmem:s10], $0x1400, $0x38;
	[tilespmem:$0xEEC0] =	vst v63  }
0x98: {  	_ =	swait.ge [sflag:s23], $0x1400  }
0x99: {  	[sflag:s23] =	ssyncset.done $0x0  }
0x9a: {  	[sflag:s23] =	ssyncadd.s32 $0xFFFFEC00  }
0x9b: {  	[hbm4b:s16+s4] =	stream.linear.scatter [tilespmem:s28], [sflag:$0x3], $0x1400, $0x38;
	[tilespmem:$0xEEC0] =	vst v63  }
0x9c: {  	_ =	swait.ge [sflag:s23], $0x1400  }
0x9d: {  	[sflag:s23] =	ssyncset.done $0x0  }
0x9e: {  	[sflag:s23] =	ssyncadd.s32 $0xFFFFEC00  }
0x9f: {  	[tilespmem:s28], [sflag:$0x3] =	stream.linear.gather [spmem:s17], $0x1400, $0x38;
	[tilespmem:$0xEEC0] =	vst v63  }
0xa0: {  	_ =	swait.ge [sflag:s23], $0x1400  }
0xa1: {  	[sflag:s23] =	ssyncset.done $0x0  }
0xa2: {  	[sflag:s23] =	ssyncadd.s32 $0xFFFFEC00  }
0xa3: {  	[hbm4b:s18+s4] =	stream.linear.scatter [tilespmem:s28], [sflag:$0x3], $0x1400, $0x38;
	[tilespmem:$0xEEC0] =	vst v63  }
0xa4: {  	_ =	swait.ge [sflag:s23], $0x1400  }
0xa5: {  	[sflag:s23] =	ssyncset.done $0x0  }
0xa6: {  	[sflag:s23] =	ssyncadd.s32 $0xFFFFEC00  }
0xa7: {  	[tilespmem:s28], [sflag:$0x3] =	stream.linear.gather [spmem:s19], $0x1400, $0x38;
	[tilespmem:$0xEEC0] =	vst v63  }
0xa8: {  	_ =	swait.ge [sflag:s23], $0x1400  }
0xa9: {  	[sflag:s23] =	ssyncset.done $0x0  }
0xaa: {  	[sflag:s23] =	ssyncadd.s32 $0xFFFFEC00  }
0xab: {  	[hbm4b:s20+s4] =	stream.linear.scatter [tilespmem:s28], [sflag:$0x3], $0x1400, $0x38;
	[tilespmem:$0xEEC0] =	vst v63  }
0xac: {  	_ =	swait.ge [sflag:s23], $0x1400  }
0xad: {  	[sflag:s23] =	ssyncset.done $0x0  }
0xae: {  	[sflag:s23] =	ssyncadd.s32 $0xFFFFEC00  }
0xaf: {  	[tilespmem:s28], [sflag:$0x3] =	stream.linear.gather [spmem:s21], $0x1400, $0x38;
	[tilespmem:$0xEEC0] =	vst v63  }
0xb0: {  	_ =	swait.ge [sflag:s23], $0x1400  }
0xb1: {  	[sflag:s23] =	ssyncset.done $0x0  }
0xb2: {  	[sflag:s23] =	ssyncadd.s32 $0xFFFFEC00  }
0xb3: {  	[hbm4b:s22+s4] =	stream.linear.scatter [tilespmem:s28], [sflag:$0x3], $0x1400, $0x38;
	[tilespmem:$0xEEC0] =	vst v63  }
0xb4: {  	_ =	swait.ge [sflag:s23], $0x1400  }
0xb5: {  	[sflag:s23] =	ssyncset.done $0x0  }
0xb6: {  	[sflag:s23] =	ssyncadd.s32 $0xFFFFEC00  }
0xb7: {  	[tilespmem:s28], [sflag:$0x3] =	stream.linear.gather [spmem:s8], $0x12C0, $0x38;
	[tilespmem:$0xEEC0] =	vst v63  }
0xb8: {  	_ =	swait.ge [sflag:s23], $0x12C0  }
0xb9: {  	[sflag:s23] =	ssyncset.done $0x0  }
0xba: {  	[sflag:s23] =	ssyncadd.s32 $0xFFFFED40  }
0xbb: {  	[hbm4b:s9+s4] =	stream.linear.scatter [tilespmem:s28], [sflag:$0x3], $0x12C0, $0x38;
	[tilespmem:$0xEEC0] =	vst v63  }
0xbc: {  	_ =	swait.ge [sflag:s23], $0x12C0  }
0xbd: {  	[sflag:s23] =	ssyncset.done $0x0  }
0xbe: {  	[sflag:s23] =	ssyncadd.s32 $0xFFFFED40  }
0xbf: {  	[bflag:$0x0] =	sbarrier.arrive $0xFFFF  }
0xc0: {  	[tilespmem:s28], [sflag:$0x3] =	stream.linear.gather [spmem:s10], $0x1400, $0x38;
	[tilespmem:$0xEEC0] =	vst v63  }
0xc1: {  	_ =	swait.ge [sflag:s23], $0x1400  }
0xc2: {  	[sflag:s23] =	ssyncset.done $0x0  }
0xc3: {  	[sflag:s23] =	ssyncadd.s32 $0xFFFFEC00  }
0xc4: {  	[hbm4b:s16+s4] =	stream.linear.scatter [tilespmem:s28], [sflag:$0x3], $0x1400, $0x38;
	[tilespmem:$0xEEC0] =	vst v63  }
0xc5: {  	_ =	swait.ge [sflag:s23], $0x1400  }
0xc6: {  	[sflag:s23] =	ssyncset.done $0x0  }
0xc7: {  	[sflag:s23] =	ssyncadd.s32 $0xFFFFEC00  }
0xc8: {  	[tilespmem:s28], [sflag:$0x3] =	stream.linear.gather [spmem:s17], $0x1400, $0x38;
	[tilespmem:$0xEEC0] =	vst v63  }
0xc9: {  	_ =	swait.ge [sflag:s23], $0x1400  }
0xca: {  	[sflag:s23] =	ssyncset.done $0x0  }
0xcb: {  	[sflag:s23] =	ssyncadd.s32 $0xFFFFEC00  }
0xcc: {  	[hbm4b:s18+s4] =	stream.linear.scatter [tilespmem:s28], [sflag:$0x3], $0x1400, $0x38;
	[tilespmem:$0xEEC0] =	vst v63  }
0xcd: {  	_ =	swait.ge [sflag:s23], $0x1400  }
0xce: {  	[sflag:s23] =	ssyncset.done $0x0  }
0xcf: {  	[sflag:s23] =	ssyncadd.s32 $0xFFFFEC00  }
0xd0: {  	[tilespmem:s28], [sflag:$0x3] =	stream.linear.gather [spmem:s19], $0x1400, $0x38;
	[tilespmem:$0xEEC0] =	vst v63  }
0xd1: {  	_ =	swait.ge [sflag:s23], $0x1400  }
0xd2: {  	[sflag:s23] =	ssyncset.done $0x0  }
0xd3: {  	[sflag:s23] =	ssyncadd.s32 $0xFFFFEC00  }
0xd4: {  	[hbm4b:s20+s4] =	stream.linear.scatter [tilespmem:s28], [sflag:$0x3], $0x1400, $0x38;
	[tilespmem:$0xEEC0] =	vst v63  }
0xd5: {  	_ =	swait.ge [sflag:s23], $0x1400  }
0xd6: {  	[sflag:s23] =	ssyncset.done $0x0  }
0xd7: {  	[sflag:s23] =	ssyncadd.s32 $0xFFFFEC00  }
0xd8: {  	[tilespmem:s28], [sflag:$0x3] =	stream.linear.gather [spmem:s21], $0x1400, $0x38;
	[tilespmem:$0xEEC0] =	vst v63  }
0xd9: {  	_ =	swait.ge [sflag:s23], $0x1400  }
0xda: {  	[sflag:s23] =	ssyncset.done $0x0  }
0xdb: {  	[sflag:s23] =	ssyncadd.s32 $0xFFFFEC00  }
0xdc: {  	[hbm4b:s22+s4] =	stream.linear.scatter [tilespmem:s28], [sflag:$0x3], $0x1400, $0x38;
	[tilespmem:$0xEEC0] =	vst v63  }
0xdd: {  	_ =	swait.ge [sflag:s23], $0x1400  }
0xde: {  	[sflag:s23] =	ssyncset.done $0x0  }
0xdf: {  	[sflag:s23] =	ssyncadd.s32 $0xFFFFEC00  }
0xe0: {  	[tilespmem:s28], [sflag:$0x3] =	stream.linear.gather [spmem:s8], $0x12C0, $0x38;
	[tilespmem:$0xEEC0] =	vst v63  }
0xe1: {  	_ =	swait.ge [sflag:s23], $0x12C0  }
0xe2: {  	s2 =	sadd.s32 $0x1, s2;
	[sflag:s23] =	ssyncset.done $0x0  }
0xe3: {  	p0 =	sne.s32 s2, s11;
	[sflag:s23] =	ssyncadd.s32 $0xFFFFED40  }
0xe4: {  	[hbm4b:s9+s4] =	stream.linear.scatter [tilespmem:s28], [sflag:$0x3], $0x12C0, $0x38;
	[tilespmem:$0xEEC0] =	vst v63  }
.Ltmp1:
0xe5: {  	_ =	swait.ge [sflag:s23], $0x12C0;
	(pc) =	sbr.rel @p0 .LBB2_1-.Ltmp1, $3  }
0xe6: {  	[sflag:s23] =	ssyncset.done $0x0  }
0xe7: {  	[sflag:s23] =	ssyncadd.s32 $0xFFFFED40  }
0xe8: {  	[bflag:$0x0] =	sbarrier.arrive $0xFFFF;
	_ =	sdelay $0x1  }
0xe9: {  	_ =	sfence.sel $0x180000  }
0xea: {  	[bflag:$0x0] =	sbarrier.arrive $0xFFFF  }
0xeb: {  	_ =	strace $0x9000004D  }
0xec: {  	s0 =	stileid.u32;
	[bflag:$0x2] =	sbarrier.arrive $0xFFFF  }
0xed: {  	p0 =	sne.s32 s0, $0x0;
	s0 =	rddreg [dreg:$0x3]  }
0xee: {  	s0 =	sadd.s32 @!p0 $0x100000, s0  }
0xef: {  	[sflag:s0] =	ssyncadd.tile.s32 @!p0 $0x1;
	_ =	shalt  }
.Lfunc_end2:
_tile_overlayer_lowered:
.L_overlay_start_2:
0xf0: {  	(tag) =	ssettag $0x2  }
0xf1: {  	s0 =	rddreg [dreg:$0x0];
	s2 =	stileid.u32  }
0xf2: {  	s1 =	rddreg [dreg:$0x1];
	p0 =	sne.s32 s2, $0x0  }
0xf3: {  	s3 =	rddreg [dreg:$0x2];
	[bflag:$0x3] =	sbarrier.arrive $0xFFFF;
	s2 =	simm.s32 @!p0 $0x1C03  }
0xf4: {  	[timem:s3], [sflag:s2] =	dma.local @!p0 [hbm:s0], s1  }
0xf5: {  	s0 =	simm.s32 @!p0 $0x3  }
0xf6: {  	_ =	swait.ge @!p0 [sflag:s0], s1  }
0xf7: {  	s1 =	ssub.s32 @!p0 $0x0, s1;
	[sflag:s0] =	ssyncset.done @!p0 $0x0  }
0xf8: {  	[sflag:s0] =	ssyncadd.s32 @!p0 s1  }
0xf9: {  	[bflag:$0x3] =	sbarrier.arrive $0xFFFF  }
0xfa: {  	_ =	shalt  }

// kernel: kernel.8.cloned.1.call-start
scs
__scs_entry_jumppad:
0x0: {  	(pc) =	sbr.rel $0x88, $3  }
0x1: {  	(tag) =	ssettag $0x0;
	lr =	simm.s32 $0x1  }
0x2: {  	[smem:$0x3F9B] =	sst lr;
	_ =	strace $0xD0000000  }
0x3: {  	_ = 	snop  }
0x4: {  	_ = 	snop  }
0x5: {  	_ = 	snop  }
0x6: {  	_ = 	snop  }
0x7: {  	_ = 	snop  }
__scs_overlays_trampoline_lowered:
0x8: {  	[smem:$0x3FAA] =	sst s0  }
0x9: {  	[smem:$0x3FAB] =	sst s1  }
0xa: {  	[smem:$0x3FAC] =	sst s2  }
0xb: {  	[smem:$0x3FAD] =	sst s3  }
0xc: {  	[smem:$0x3FAE] =	sst s4  }
0xd: {  	[smem:$0x3FAF] =	sst s5  }
0xe: {  	[smem:$0x3FB0] =	sst s6  }
0xf: {  	[smem:$0x3FB1] =	sst s7  }
0x10: {  	[smem:$0x3FB2] =	sst s8  }
0x11: {  	[smem:$0x3FB3] =	sst s9;
	s0 =	simm.s32 @!p0 $0x0  }
0x12: {  	s1 =	sld [smem:$0x3F99];
	s0 =	simm.s32 @p0 $0x1  }
0x13: {  	[smem:$0x3FB4] =	sst s0;
	s0 =	simm.s32 @!p1 $0x0  }
0x14: {  	s2 =	sld [smem:$0x3F98];
	s0 =	simm.s32 @p1 $0x1  }
0x15: {  	[smem:$0x3FB5] =	sst s0;
	s0 =	simm.s32 @!p2 $0x0  }
0x16: {  	s3 =	sld [smem:$0x3FDB];
	s0 =	simm.s32 @p2 $0x1  }
0x17: {  	s4 =	simm.s32 $0x1BF5;
	[smem:$0x3FB7] =	sst s0  }
0x18: {  	s0 =	sld [smem:$0x3F9A];
	_ =	swait.ge [sflag:s4], $0x0  }
0x19: {  	s7 =	sld [smem:$0x3F9B]  }
0x1a: {  	s8 =	sadd.s32 $0xFFFFE003, lr  }
0x1b: {  	s9 =	sadd.s32 $0xFFFFFEF7, lr;
	s5 =	simm.s32 $0xFFFFFFFF;
	p2 =	slt.u32 s8, $0xFFFFF086  }
0x1c: {  	p1 =	slt.u32 s9, $0xF7A;
	s5 =	simm.s32 @!p2 $0x0  }
0x1d: {  	s5 =	simm.s32 @p1 $0x1;
	p0 =	seq.s32 s7, s2  }
0x1e: {  	s7 =	smul.u32 @!p0 $0xF7A, s2;
	p2 =	seq.s32 @!p0 s5, $0x0  }
0x1f: {  	s9 =	smul.u32 $0xF7A, s1;
	s8 =	simm.s32 @!p0 $0x1BF5;
	p2 =	por !p2, p0  }
0x20: {  	[sflag:s8] =	ssyncset.s32 @!p0 $0xFFFFF086;
	s6 =	sadd.s32 @!p0 s3, s7;
	s7 =	simm.s32 @!p0 $0x108  }
0x21: {  	s3 =	sadd.s32 s3, s9;
	s6 =	sadd.s32 @!p0 $0x88, s6;
	s7 =	simm.s32 @p2 $0x1082  }
0x22: {  	[simem:s7], [sflag:s8] =	dma.local @!p0 [hbm:s6], $0xF7A  }
0x23: {  	s9 =	sor.u32 $0xD0000000, s2;
	s6 =	simm.s32 $0x108;
	_ =	swait.ge @!p0 [sflag:s8], $0x0  }
0x24: {  	s3 =	sadd.s32 $0x88, s3;
	s6 =	simm.s32 @!p1 $0x1082;
	[sflag:s4] =	ssyncset.s32 $0xFFFFF086  }
0x25: {  	[simem:s6], [sflag:s4] =	dma.local [hbm:s3], $0xF7A  }
0x26: {  	[smem:$0x3F9B] =	sst s1;
	(tag) =	ssettag s2;
	_ =	strace s9  }
0x27: {  	s1 =	sld [smem:$0x3FAB]  }
0x28: {  	s2 =	sld [smem:$0x3FAC]  }
0x29: {  	s4 =	sld [smem:$0x3FAE]  }
0x2a: {  	p0 =	seq.s32 s5, $0x0;
	s5 =	sld [smem:$0x3FAF]  }
0x2b: {  	s6 =	sld [smem:$0x3FB0]  }
0x2c: {  	s7 =	sld [smem:$0x3FB1]  }
0x2d: {  	s3 =	simm.s32 $0x108;
	s8 =	sld [smem:$0x3FB2]  }
0x2e: {  	s3 =	simm.s32 @!p0 $0x1082;
	s9 =	sld [smem:$0x3FB3]  }
0x2f: {  	lr =	sadd.s32 s0, s3;
	s0 =	sld [smem:$0x3FAA]  }
0x30: {  	s3 =	sld [smem:$0x3FAD]  }
0x31: {  	[smem:$0x3FB6] =	sst s10  }
0x32: {  	s10 =	sld [smem:$0x3FB4];
	_ =	sdelay $0x3  }
0x33: {  	p0 =	seq.s32 s10, $0x1;
	s10 =	sld [smem:$0x3FB6];
	_ =	sdelay $0x3  }
0x34: {  	[smem:$0x3FB6] =	sst s10  }
0x35: {  	s10 =	sld [smem:$0x3FB5];
	_ =	sdelay $0x3  }
0x36: {  	p1 =	seq.s32 s10, $0x1;
	s10 =	sld [smem:$0x3FB6];
	_ =	sdelay $0x3  }
0x37: {  	[smem:$0x3FB6] =	sst s10  }
0x38: {  	s10 =	sld [smem:$0x3FB7]  }
0x39: {  	_ = 	snop;
	(pc) =	sbr.ind lr, $3  }
0x3a: {  	_ = 	snop  }
0x3b: {  	_ = 	snop  }
0x3c: {  	p2 =	seq.s32 s10, $0x1;
	s10 =	sld [smem:$0x3FB6]  }
0x3d: {  	_ =	shalt  }
0x3e: {  	_ =	shalt  }
0x3f: {  	_ =	shalt  }
0x40: {  	_ =	shalt  }
0x41: {  	_ =	shalt  }
0x42: {  	_ =	shalt  }
0x43: {  	_ =	shalt  }
0x44: {  	_ =	shalt  }
0x45: {  	_ =	shalt  }
0x46: {  	_ =	shalt  }
0x47: {  	_ =	shalt  }
0x48: {  	_ =	shalt  }
0x49: {  	_ =	shalt  }
0x4a: {  	_ =	shalt  }
0x4b: {  	_ =	shalt  }
0x4c: {  	_ =	shalt  }
0x4d: {  	_ =	shalt  }
0x4e: {  	_ =	shalt  }
0x4f: {  	_ =	shalt  }
0x50: {  	_ =	shalt  }
0x51: {  	_ =	shalt  }
0x52: {  	_ =	shalt  }
0x53: {  	_ =	shalt  }
0x54: {  	_ =	shalt  }
0x55: {  	_ =	shalt  }
0x56: {  	_ =	shalt  }
0x57: {  	_ =	shalt  }
0x58: {  	_ =	shalt  }
0x59: {  	_ =	shalt  }
0x5a: {  	_ =	shalt  }
0x5b: {  	_ =	shalt  }
0x5c: {  	_ =	shalt  }
0x5d: {  	_ =	shalt  }
0x5e: {  	_ =	shalt  }
0x5f: {  	_ =	shalt  }
0x60: {  	_ =	shalt  }
0x61: {  	_ =	shalt  }
0x62: {  	_ =	shalt  }
0x63: {  	_ =	shalt  }
0x64: {  	_ =	shalt  }
0x65: {  	_ =	shalt  }
0x66: {  	_ =	shalt  }
0x67: {  	_ =	shalt  }
0x68: {  	_ =	shalt  }
0x69: {  	_ =	shalt  }
0x6a: {  	_ =	shalt  }
0x6b: {  	_ =	shalt  }
0x6c: {  	_ =	shalt  }
0x6d: {  	_ =	shalt  }
0x6e: {  	_ =	shalt  }
0x6f: {  	_ =	shalt  }
0x70: {  	_ =	shalt  }
0x71: {  	_ =	shalt  }
0x72: {  	_ =	shalt  }
0x73: {  	_ =	shalt  }
0x74: {  	_ =	shalt  }
0x75: {  	_ =	shalt  }
0x76: {  	_ =	shalt  }
0x77: {  	_ =	shalt  }
0x78: {  	_ =	shalt  }
0x79: {  	_ =	shalt  }
0x7a: {  	_ =	shalt  }
0x7b: {  	_ =	shalt  }
0x7c: {  	_ =	shalt  }
0x7d: {  	_ =	shalt  }
0x7e: {  	_ =	shalt  }
0x7f: {  	_ =	shalt  }
0x80: {  	_ =	shalt  }
0x81: {  	_ =	shalt  }
0x82: {  	_ =	shalt  }
0x83: {  	_ =	shalt  }
0x84: {  	_ =	shalt  }
0x85: {  	_ =	shalt  }
0x86: {  	_ =	shalt  }
0x87: {  	_ =	shalt  }
.Lfunc_end0:
.L_simem_size_0:
called_computation_lowered:
.L_overlay_start_0:
0x88: {  	s2 =	sld [smem:$0x3FD9]  }
0x89: {  	s3 =	sld [smem:$0x3FFE];
	_ =	sdelay $0x1  }
0x8a: {  	s1 =	srdreg.scid  }
0x8b: {  	s0 =	sand.u32 $0x1, s1  }
0x8c: {  	s17 =	sshll.u32 s0, $0xA;
	s2 =	sadd.s32 s3, s2  }
0x8d: {  	s2 =	sadd.s32 s2, s17  }
0x8e: {  	[smem:$0x3FC2] =	sst s2  }
0x8f: {  	_ = 	snop  }
0x90: {  	s2 =	sld [smem:$0x3FD0];
	(tm) =	ssettm $0x1  }
0x91: {  	s18 =	sld [smem:$0x3FFB];
	_ =	sdelay $0x3  }
0x92: {  	_ =	strace s18  }
0x93: {  	s3 =	sld [smem:$0x3FFC];
	_ =	sdelay $0x3  }
0x94: {  	_ =	strace s3  }
0x95: {  	s3 =	sld [smem:$0x3FFD];
	_ =	sdelay $0x3  }
0x96: {  	_ =	strace s3  }
0x97: {  	_ =	strace $0x8FFFFFFF  }
0x98: {  	s19 =	sld [smem:$0x3FDB];
	_ =	sdelay $0x1  }
0x99: {  	s4 =	simm.s32 $_scs_section_size  }
0x9a: {  	s5 =	simm.s32 $_size__tile_overlayer_lowered;
	s6 =	simm.s32 $_tile_overlayer_lowered  }
0x9b: {  	s22 =	simm.s32 $0x1BFF;
	s21 =	sshll.u32 s6, $0x1;
	s3 =	sadd.s32 s4, s19  }
0x9c: {  	s7 =	simm.s32 $0x0;
	s20 =	sshll.u32 s5, $0x1;
	s5 =	sadd.s32 s21, s3  }
0x9d: {  	[timem:s7], [sflag:s22] =	dma.local [hbm:s5], s20  }
0x9e: {  	_ =	swait.ge [sflag:s22], s20  }
0x9f: {  	s4 =	ssub.s32 $0x0, s20;
	[sflag:s22] =	ssyncset.done $0x0  }
0xa0: {  	[sflag:s22] =	ssyncadd.s32 s4;
	_ =	sdelay $0x1  }
0xa1: {  	s23 =	simm.s32 $0x1B8B  }
0xa2: {  	_ =	swait.ge [sflag:s23], $0x1  }
0xa3: {  	[sflag:s23] =	ssyncset.done $0x0  }
0xa4: {  	s25 =	simm.s32 $0x1B8E;
	s24 =	sld [smem:$0x3FFE];
	[sflag:s23] =	ssyncadd.s32 $0xFFFFFFFF  }
0xa5: {  	s26 =	simm.s32 $execute0_lowered;
	[smem:$0x3FD2] =	sst s25  }
0xa6: {  	s5 =	sshll.u32 s26, $0x1;
	_ =	strace $0x80000046;
	[dreg:$0x1] =	wrdreg $0xFFFFFFFF  }
0xa7: {  	s28 =	simm.s32 $_size_execute0_lowered;
	s3 =	sadd.s32 s3, s5;
	[dreg:$0x0] =	wrdreg $0x0  }
0xa8: {  	s5 =	sshll.u32 s28, $0x1;
	[dreg:$0x2] =	wrdreg s3  }
0xa9: {  	[dreg:$0x3] =	wrdreg s5  }
0xaa: {  	[dreg:$0x4] =	wrdreg $0xC0  }
0xab: {  	_ =	task [dreg:s7], $0x5FFFF  }
0xac: {  	[dreg:$0x1] =	wrdreg $0xFFFFFFFF  }
0xad: {  	[dreg:$0x0] =	wrdreg $0x60  }
0xae: {  	[dreg:$0x2] =	wrdreg s24  }
0xaf: {  	[dreg:$0x3] =	wrdreg s2  }
0xb0: {  	[dreg:$0x4] =	wrdreg $0x30000  }
0xb1: {  	[dreg:$0x5] =	wrdreg $0x9  }
0xb2: {  	_ =	task.clear_ibuf [dreg:s7], $0x6FFFF;
	_ =	strace $0x90000046  }
0xb3: {  	s29 =	simm.s32 $0x9;
	_ =	strace $0x80000048  }
0xb4: {  	_ =	swait.ge [sflag:s29], $0x1  }
0xb5: {  	[sflag:s29] =	ssyncadd.s32 $0xFFFFFFFF  }
0xb6: {  	_ =	strace $0x90000048  }
0xb7: {  	_ =	sfence  }
0xb8: {  	s30 =	sld [smem:$0x0];
	_ =	sdelay $0x2  }
0xb9: {  	s31 =	sshll.u32 s1, $0xD;
	s1 =	sshrl.u32 s1, $0x2  }
0xba: {  	s3 =	sand.u32 $0x4000, s31;
	s1 =	sadd.s32 s1, s30  }
0xbb: {  	s0 =	sor.u32 s3, s0;
	s1 =	sshll.u32 s1, $0x11  }
0xbc: {  	s0 =	sor.u32 s1, s0  }
0xbd: {  	s0 =	sadd.s32 $0x8F2B, s0  }
0xbe: {  	[sflag:s0] =	ssyncadd.remote.s32 $0x1  }
0xbf: {  	_ =	sfence.sel $0xFFFF  }
0xc0: {  	[dreg:$0x0] =	wrdreg $0xFFFFFFFF;
	(pc) =	sbr.abs _section_cstart, $3  }
0xc1: {  	[dreg:$0x1] =	wrdreg $0xFFFFFFFF  }
0xc2: {  	_ =	task.clear_ibuf [dreg:s7], $0x2FFFF;
	_ =	strace $0x9FFFFFFF  }
0xc3: {  	(tm) =	ssettm $0x7FFFFFFF  }
tec
execute0_lowered:
.L_overlay_start_1:
0x0: {  	(tag) =	ssettag $0x1  }
0x1: {  	s5 =	rddreg [dreg:$0x0];
	s1 =	srdreg.scid  }
0x2: {  	s0 =	stileid.u32;
	s21 =	rddreg [dreg:$0x1]  }
0x3: {  	s2 =	rddreg [dreg:$0x2];
	s3 =	simm.s32 $0x0;
	s24 =	simm.s32 $0x2C00  }
0x4: {  	s25 =	simm.s32 $0x80;
	s6 =	sand.u32 $0x1, s1;
	s1 =	rddreg [dreg:$0x3]  }
0x5: {  	s26 =	sshll.u32 s0, $0x1;
	[smem:$0x7FF] =	sst s3;
	s7 =	smul.u32 $0x4F00, s0  }
0x6: {  	s18 =	smul.u32 $0x13C0, s0;
	s4 =	sor.u32 s6, s26;
	_ =	strace $0x80000047  }
0x7: {  	s9 =	ssub.s32 $0x2, s6;
	s19 =	smul.u32 $0x13C00, s6;
	s26 =	simm.s32 $0x0  }
0x8: {  	s4 =	smul.u32 $0x500, s4;
	s28 =	sshrl.u32 s9, $0x1;
	s10 =	sadd.s32 $0x1000, s18  }
0x9: {  	s7 =	sshrl.u32 s7, $0x2;
	s16 =	sadd.s32 $0x400, s18;
	s20 =	sadd.s32 $0x800, s18  }
0xa: {  	s23 =	sadd.s32 $0xC00, s18;
	s11 =	ssub.s32 s9, s28;
	s29 =	sadd.s32 s19, s10  }
0xb: {  	s7 =	sadd.s32 s7, s2;
	s14 =	sadd.s32 s19, s18;
	s17 =	sadd.s32 s19, s16  }
0xc: {  	s16 =	sadd.s32 s16, s2;
	s22 =	sadd.s32 s19, s20;
	s31 =	sadd.s32 s19, s23  }
0xd: {  	s8 =	sadd.s32 s4, s5;
	s4 =	sadd.s32 $0x1800, s5;
	s5 =	sadd.s32 $0x1600, s5  }
0xe: {  	s9 =	sshrl.u32 s29, $0x3;
	s11 =	smax.u32 s11, $0x1;
	s12 =	sadd.s32 $0x400, s7  }
0xf: {  	s13 =	sadd.s32 $0x800, s7;
	s15 =	sshrl.u32 s14, $0x3;
	s14 =	sadd.s32 $0xC00, s7  }
0x10: {  	s17 =	sshrl.u32 s17, $0x3;
	s30 =	sshrl.u32 s22, $0x3;
	s22 =	sshrl.u32 s31, $0x3  }
0x11: {  	s6 =	sadd.s32 $0x1A00, s8;
	s8 =	sadd.s32 s10, s2;
	s9 =	sadd.s32 s21, s9  }
0x12: {  	s10 =	sadd.s32 s18, s2;
	s15 =	sadd.s32 s21, s15;
	s17 =	sadd.s32 s21, s17  }
0x13: {  	s18 =	sadd.s32 s20, s2;
	s19 =	sadd.s32 s21, s30;
	s20 =	sadd.s32 s23, s2  }
0x14: {  	s21 =	sadd.s32 s21, s22;
	s22 =	simm.s32 $0x1;
	s23 =	simm.s32 $0x2800  }
.LBB2_1:
0x15: {  	[tilespmem:s3], [sflag:$0x1] =	stream.linear.gather [hbm4b:s6+s3], $0x2800, $0x38;
	[tilespmem:$0x3278] =	vst v63  }
0x16: {  	_ =	swait.ge [sflag:s22], $0x2800  }
0x17: {  	[sflag:s22] =	ssyncset.done $0x0  }
0x18: {  	[sflag:s22] =	ssyncadd.s32 $0xFFFFD800  }
0x19: {  	[tilespmem:s23], [sflag:$0x1] =	stream.linear.gather [hbm4b:s4+s3], $0x400, $0x38;
	[tilespmem:$0x3278] =	vst v63  }
0x1a: {  	_ =	swait.ge [sflag:s22], $0x400  }
0x1b: {  	[sflag:s22] =	ssyncset.done $0x0  }
0x1c: {  	[sflag:s22] =	ssyncadd.s32 $0xFFFFFC00  }
0x1d: {  	[tilespmem:s24], [sflag:$0x1] =	stream.linear.gather [hbm4b:s5+s3], $0x400, $0x38;
	[tilespmem:$0x3278] =	vst v63  }
0x1e: {  	_ =	swait.ge [sflag:s22], $0x400  }
0x1f: {  	[sflag:s22] =	ssyncset.done $0x0  }
0x20: {  	[sflag:s22] =	ssyncadd.s32 $0xFFFFFC00  }
0x21: {  	[spmem:s7] =	stream.linear.scatter [tilespmem:s24], [sflag:$0x1], $0x400, $0x38;
	[tilespmem:$0x3278] =	vst v63  }
0x22: {  	_ =	swait.ge [sflag:s22], $0x400  }
0x23: {  	[sflag:s22] =	ssyncset.done $0x0  }
0x24: {  	[sflag:s22] =	ssyncadd.s32 $0xFFFFFC00  }
0x25: {  	[spmem:s12] =	stream.linear.scatter [tilespmem:s24], [sflag:$0x1], $0x400, $0x38;
	[tilespmem:$0x3278] =	vst v63  }
0x26: {  	_ =	swait.ge [sflag:s22], $0x400  }
0x27: {  	[sflag:s22] =	ssyncset.done $0x0  }
0x28: {  	[sflag:s22] =	ssyncadd.s32 $0xFFFFFC00  }
0x29: {  	[spmem:s13] =	stream.linear.scatter [tilespmem:s24], [sflag:$0x1], $0x400, $0x38;
	[tilespmem:$0x3278] =	vst v63  }
0x2a: {  	_ =	swait.ge [sflag:s22], $0x400  }
0x2b: {  	[sflag:s22] =	ssyncset.done $0x0  }
0x2c: {  	[sflag:s22] =	ssyncadd.s32 $0xFFFFFC00  }
0x2d: {  	[spmem:s14] =	stream.linear.scatter [tilespmem:s24], [sflag:$0x1], $0x400, $0x38;
	[tilespmem:$0x3278] =	vst v63  }
0x2e: {  	_ =	swait.ge [sflag:s22], $0x400  }
0x2f: {  	[sflag:s22] =	ssyncset.done $0x0  }
0x30: {  	[sflag:s22] =	ssyncadd.s32 $0xFFFFFC00  }
0x31: {  	[spmem:s8] =	stream.linear.scatter [tilespmem:s24], [sflag:$0x1], $0x3C0, $0x38;
	[tilespmem:$0x3278] =	vst v63  }
0x32: {  	_ =	swait.ge [sflag:s22], $0x3C0  }
0x33: {  	[sflag:s22] =	ssyncset.done $0x0  }
0x34: {  	[sflag:s22] =	ssyncadd.s32 $0xFFFFFC40  }
0x35: {  	s28 =	simm.s32 $0x0;
	[bflag:$0x0] =	sbarrier.arrive $0xFFFF  }
0x36: {  	[spmem:s2] =	stream.indirect.scatter.add.f32 [tilespmem:s23], [sflag:$0x1], $0x1, s28, s25, $0xb8;
	[tilespmem:$0x3278] =	vst v63  }
0x37: {  	_ =	swait.ge [sflag:s22], $0x80  }
0x38: {  	s28 =	simm.s32 $0x200;
	[sflag:s22] =	ssyncset.done $0x0  }
.LBB2_2:
0x39: {  	s29 =	sshra.s32 s28, $0x2;
	[sflag:s22] =	ssyncadd.s32 $0xFFFFFF80;
	p0 =	sne.s32 s28, $0x9E00  }
0x3a: {  	[spmem:s2] =	stream.indirect.scatter.add.f32 [tilespmem:s23], [sflag:$0x1], $0x1, s29, s25, $0xb8;
	[tilespmem:$0x3278] =	vst v63  }
.Ltmp0:
0x3b: {  	_ = 	snop;
	(pc) =	sbr.rel @p0 .LBB2_2-.Ltmp0, $4  }
0x3c: {  	_ = 	snop  }
0x3d: {  	s28 =	sadd.s32 $0x200, s28  }
0x3e: {  	_ =	swait.ge [sflag:s22], $0x80  }
0x3f: {  	[sflag:s22] =	ssyncset.done $0x0  }
0x40: {  	[sflag:s22] =	ssyncadd.s32 $0xFFFFFF80  }
0x41: {  	[bflag:$0x0] =	sbarrier.arrive $0xFFFF  }
0x42: {  	[tilespmem:s24], [sflag:$0x1] =	stream.linear.gather [spmem:s10], $0x400, $0x38;
	[tilespmem:$0x3278] =	vst v63  }
0x43: {  	_ =	swait.ge [sflag:s22], $0x400  }
0x44: {  	[sflag:s22] =	ssyncset.done $0x0  }
0x45: {  	[sflag:s22] =	ssyncadd.s32 $0xFFFFFC00  }
0x46: {  	[hbm4b:s15+s3] =	stream.linear.scatter [tilespmem:s24], [sflag:$0x1], $0x400, $0x38;
	[tilespmem:$0x3278] =	vst v63  }
0x47: {  	_ =	swait.ge [sflag:s22], $0x400  }
0x48: {  	[sflag:s22] =	ssyncset.done $0x0  }
0x49: {  	[sflag:s22] =	ssyncadd.s32 $0xFFFFFC00  }
0x4a: {  	[tilespmem:s24], [sflag:$0x1] =	stream.linear.gather [spmem:s16], $0x400, $0x38;
	[tilespmem:$0x3278] =	vst v63  }
0x4b: {  	_ =	swait.ge [sflag:s22], $0x400  }
0x4c: {  	[sflag:s22] =	ssyncset.done $0x0  }
0x4d: {  	[sflag:s22] =	ssyncadd.s32 $0xFFFFFC00  }
0x4e: {  	[hbm4b:s17+s3] =	stream.linear.scatter [tilespmem:s24], [sflag:$0x1], $0x400, $0x38;
	[tilespmem:$0x3278] =	vst v63  }
0x4f: {  	_ =	swait.ge [sflag:s22], $0x400  }
0x50: {  	[sflag:s22] =	ssyncset.done $0x0  }
0x51: {  	[sflag:s22] =	ssyncadd.s32 $0xFFFFFC00  }
0x52: {  	[tilespmem:s24], [sflag:$0x1] =	stream.linear.gather [spmem:s18], $0x400, $0x38;
	[tilespmem:$0x3278] =	vst v63  }
0x53: {  	_ =	swait.ge [sflag:s22], $0x400  }
0x54: {  	[sflag:s22] =	ssyncset.done $0x0  }
0x55: {  	[sflag:s22] =	ssyncadd.s32 $0xFFFFFC00  }
0x56: {  	[hbm4b:s19+s3] =	stream.linear.scatter [tilespmem:s24], [sflag:$0x1], $0x400, $0x38;
	[tilespmem:$0x3278] =	vst v63  }
0x57: {  	_ =	swait.ge [sflag:s22], $0x400  }
0x58: {  	[sflag:s22] =	ssyncset.done $0x0  }
0x59: {  	[sflag:s22] =	ssyncadd.s32 $0xFFFFFC00  }
0x5a: {  	[tilespmem:s24], [sflag:$0x1] =	stream.linear.gather [spmem:s20], $0x400, $0x38;
	[tilespmem:$0x3278] =	vst v63  }
0x5b: {  	_ =	swait.ge [sflag:s22], $0x400  }
0x5c: {  	[sflag:s22] =	ssyncset.done $0x0  }
0x5d: {  	[sflag:s22] =	ssyncadd.s32 $0xFFFFFC00  }
0x5e: {  	[hbm4b:s21+s3] =	stream.linear.scatter [tilespmem:s24], [sflag:$0x1], $0x400, $0x38;
	[tilespmem:$0x3278] =	vst v63  }
0x5f: {  	_ =	swait.ge [sflag:s22], $0x400  }
0x60: {  	[sflag:s22] =	ssyncset.done $0x0  }
0x61: {  	[sflag:s22] =	ssyncadd.s32 $0xFFFFFC00  }
0x62: {  	[tilespmem:s24], [sflag:$0x1] =	stream.linear.gather [spmem:s8], $0x3C0, $0x38;
	[tilespmem:$0x3278] =	vst v63  }
0x63: {  	_ =	swait.ge [sflag:s22], $0x3C0  }
0x64: {  	[sflag:s22] =	ssyncset.done $0x0  }
0x65: {  	[sflag:s22] =	ssyncadd.s32 $0xFFFFFC40  }
0x66: {  	[hbm4b:s9+s3] =	stream.linear.scatter [tilespmem:s24], [sflag:$0x1], $0x3C0, $0x38;
	[tilespmem:$0x3278] =	vst v63  }
0x67: {  	_ =	swait.ge [sflag:s22], $0x3C0  }
0x68: {  	[sflag:s22] =	ssyncset.done $0x0  }
0x69: {  	[sflag:s22] =	ssyncadd.s32 $0xFFFFFC40  }
0x6a: {  	[bflag:$0x0] =	sbarrier.arrive $0xFFFF  }
0x6b: {  	[tilespmem:s24], [sflag:$0x1] =	stream.linear.gather [spmem:s10], $0x400, $0x38;
	[tilespmem:$0x3278] =	vst v63  }
0x6c: {  	_ =	swait.ge [sflag:s22], $0x400  }
0x6d: {  	[sflag:s22] =	ssyncset.done $0x0  }
0x6e: {  	[sflag:s22] =	ssyncadd.s32 $0xFFFFFC00  }
0x6f: {  	[hbm4b:s15+s3] =	stream.linear.scatter [tilespmem:s24], [sflag:$0x1], $0x400, $0x38;
	[tilespmem:$0x3278] =	vst v63  }
0x70: {  	_ =	swait.ge [sflag:s22], $0x400  }
0x71: {  	[sflag:s22] =	ssyncset.done $0x0  }
0x72: {  	[sflag:s22] =	ssyncadd.s32 $0xFFFFFC00  }
0x73: {  	[tilespmem:s24], [sflag:$0x1] =	stream.linear.gather [spmem:s16], $0x400, $0x38;
	[tilespmem:$0x3278] =	vst v63  }
0x74: {  	_ =	swait.ge [sflag:s22], $0x400  }
0x75: {  	[sflag:s22] =	ssyncset.done $0x0  }
0x76: {  	[sflag:s22] =	ssyncadd.s32 $0xFFFFFC00  }
0x77: {  	[hbm4b:s17+s3] =	stream.linear.scatter [tilespmem:s24], [sflag:$0x1], $0x400, $0x38;
	[tilespmem:$0x3278] =	vst v63  }
0x78: {  	_ =	swait.ge [sflag:s22], $0x400  }
0x79: {  	[sflag:s22] =	ssyncset.done $0x0  }
0x7a: {  	[sflag:s22] =	ssyncadd.s32 $0xFFFFFC00  }
0x7b: {  	[tilespmem:s24], [sflag:$0x1] =	stream.linear.gather [spmem:s18], $0x400, $0x38;
	[tilespmem:$0x3278] =	vst v63  }
0x7c: {  	_ =	swait.ge [sflag:s22], $0x400  }
0x7d: {  	[sflag:s22] =	ssyncset.done $0x0  }
0x7e: {  	[sflag:s22] =	ssyncadd.s32 $0xFFFFFC00  }
0x7f: {  	[hbm4b:s19+s3] =	stream.linear.scatter [tilespmem:s24], [sflag:$0x1], $0x400, $0x38;
	[tilespmem:$0x3278] =	vst v63  }
0x80: {  	_ =	swait.ge [sflag:s22], $0x400  }
0x81: {  	[sflag:s22] =	ssyncset.done $0x0  }
0x82: {  	[sflag:s22] =	ssyncadd.s32 $0xFFFFFC00  }
0x83: {  	[tilespmem:s24], [sflag:$0x1] =	stream.linear.gather [spmem:s20], $0x400, $0x38;
	[tilespmem:$0x3278] =	vst v63  }
0x84: {  	_ =	swait.ge [sflag:s22], $0x400  }
0x85: {  	[sflag:s22] =	ssyncset.done $0x0  }
0x86: {  	[sflag:s22] =	ssyncadd.s32 $0xFFFFFC00  }
0x87: {  	[hbm4b:s21+s3] =	stream.linear.scatter [tilespmem:s24], [sflag:$0x1], $0x400, $0x38;
	[tilespmem:$0x3278] =	vst v63  }
0x88: {  	_ =	swait.ge [sflag:s22], $0x400  }
0x89: {  	[sflag:s22] =	ssyncset.done $0x0  }
0x8a: {  	[sflag:s22] =	ssyncadd.s32 $0xFFFFFC00  }
0x8b: {  	[tilespmem:s24], [sflag:$0x1] =	stream.linear.gather [spmem:s8], $0x3C0, $0x38;
	[tilespmem:$0x3278] =	vst v63  }
0x8c: {  	_ =	swait.ge [sflag:s22], $0x3C0  }
0x8d: {  	s26 =	sadd.s32 $0x1, s26;
	[sflag:s22] =	ssyncset.done $0x0  }
0x8e: {  	p0 =	sne.s32 s26, s11;
	[sflag:s22] =	ssyncadd.s32 $0xFFFFFC40  }
0x8f: {  	[hbm4b:s9+s3] =	stream.linear.scatter [tilespmem:s24], [sflag:$0x1], $0x3C0, $0x38;
	[tilespmem:$0x3278] =	vst v63  }
.Ltmp1:
0x90: {  	_ =	swait.ge [sflag:s22], $0x3C0;
	(pc) =	sbr.rel @p0 .LBB2_1-.Ltmp1, $3  }
0x91: {  	[sflag:s22] =	ssyncset.done $0x0  }
0x92: {  	[sflag:s22] =	ssyncadd.s32 $0xFFFFFC40  }
0x93: {  	[bflag:$0x0] =	sbarrier.arrive $0xFFFF;
	_ =	sdelay $0x1  }
0x94: {  	_ =	sfence.sel $0x180000  }
0x95: {  	[bflag:$0x0] =	sbarrier.arrive $0xFFFF  }
0x96: {  	p0 =	sne.s32 s0, $0x0;
	_ =	strace $0x90000047  }
0x97: {  	s0 =	sadd.s32 @!p0 $0x100000, s1;
	[bflag:$0x2] =	sbarrier.arrive $0xFFFF  }
0x98: {  	[sflag:s0] =	ssyncadd.tile.s32 @!p0 $0x1;
	_ =	shalt  }
.Lfunc_end2:
_tile_overlayer_lowered:
.L_overlay_start_2:
0x99: {  	(tag) =	ssettag $0x2  }
0x9a: {  	s0 =	rddreg [dreg:$0x0];
	s2 =	stileid.u32  }
0x9b: {  	s1 =	rddreg [dreg:$0x1];
	p0 =	sne.s32 s2, $0x0  }
0x9c: {  	s3 =	rddreg [dreg:$0x2];
	[bflag:$0x3] =	sbarrier.arrive $0xFFFF;
	s2 =	simm.s32 @!p0 $0x1C01  }
0x9d: {  	[timem:s3], [sflag:s2] =	dma.local @!p0 [hbm:s0], s1  }
0x9e: {  	s0 =	simm.s32 @!p0 $0x1  }
0x9f: {  	_ =	swait.ge @!p0 [sflag:s0], s1  }
0xa0: {  	s1 =	ssub.s32 @!p0 $0x0, s1;
	[sflag:s0] =	ssyncset.done @!p0 $0x0  }
0xa1: {  	[sflag:s0] =	ssyncadd.s32 @!p0 s1  }
0xa2: {  	[bflag:$0x3] =	sbarrier.arrive $0xFFFF  }
0xa3: {  	_ =	shalt  }

</sc_bundles>
